<compile_context>
chip_gen: v7x
topology: tpu7x:2x2x1
jax: 0.10.2.dev20260603
libtpu: 0.0.44.dev20260713+nightly
codegen_flags: <defaults>
</compile_context>

<pallas_src>
import functools

import jax
import jax.numpy as jnp
from jax import lax
from jax.experimental import pallas as pl
from jax.experimental.pallas import tpu as pltpu
from jax.experimental.pallas import tpu_sc as plsc

_VOCAB = 1000000
_EMBED = 64
_B = 16384
_L = 50
_NC = 2
_NS = 16
_NW = _NC * _NS
_BPW = _B // _NW
_KC = 8
_NBUF = 2
_CHUNKS = _BPW // _KC


def _sc_gather(idx, table):
    mesh = plsc.VectorSubcoreMesh(core_axis_name="c", subcore_axis_name="s")

    @functools.partial(
        pl.kernel,
        out_type=jax.ShapeDtypeStruct((_B, _L, _EMBED), jnp.float32),
        mesh=mesh,
        scratch_types=[
            pltpu.VMEM((_NBUF, _KC, _L), jnp.int32),
            pltpu.VMEM((_NBUF, _KC, _L, _EMBED), jnp.float32),
            pltpu.SemaphoreType.DMA,
            pltpu.SemaphoreType.DMA,
        ],
        compiler_params=pltpu.CompilerParams(use_tc_tiling_on_sc=False),
    )
    def k(idx_hbm, table_hbm, out_hbm, idx_v, rows_v, sem0, sem1):
        sems = (sem0, sem1)
        wid = lax.axis_index("s") * _NC + lax.axis_index("c")
        base_b = wid * _BPW

        def load_and_fire(ci, b):
            r = base_b + ci * _KC
            pltpu.sync_copy(idx_hbm.at[pl.ds(r, _KC)], idx_v.at[b])
            for j in range(_KC):
                pltpu.async_copy(
                    table_hbm.at[idx_v.at[b].at[j]], rows_v.at[b].at[j], sems[b]
                )

        def drain_and_store(ci, b):
            for j in range(_KC):
                pltpu.make_async_copy(
                    table_hbm.at[idx_v.at[b].at[j]], rows_v.at[b].at[j], sems[b]
                ).wait()
            r = base_b + ci * _KC
            pltpu.sync_copy(rows_v.at[b], out_hbm.at[pl.ds(r, _KC)])

        for b in range(_NBUF):
            load_and_fire(b, b)

        @pl.loop(0, _CHUNKS - _NBUF, step=_NBUF)
        def _chunk(i):
            for b in range(_NBUF):
                drain_and_store(i + b, b)
                load_and_fire(i + b + _NBUF, b)

        for b in range(_NBUF):
            drain_and_store(_CHUNKS - _NBUF + b, b)

    return k(idx, table)


def kernel(inputs, embeddings):
    return _sc_gather(inputs.astype(jnp.int32), embeddings)

# --- scband reference (transcript-rebuilt; emitter-appended) ---
"""Pipeline reference for scband-embedding-lookup-36610301231200 (READ-ONLY COPY).

The authoritative reference and input builder live on the scoring server;
editing this copy changes nothing except your own understanding.
"""

import jax, jax.numpy as jnp
import numpy as np

VOCAB = 1000000
EMBED = 64
B = 16384
L = 50

def setup_inputs(seed: int = 0) -> dict:
    key = jax.random.key(seed)
    k_idx, k_emb = jax.random.split(key)
    inputs = jax.random.randint(k_idx, (B, L), 0, VOCAB, dtype=jnp.int64 if jax.config.jax_enable_x64 else jnp.int32)
    # glorot_uniform for [VOCAB, EMBED]
    limit = np.sqrt(6.0 / (VOCAB + EMBED))
    embeddings = jax.random.uniform(k_emb, (VOCAB, EMBED), dtype=jnp.float32, minval=-limit, maxval=limit)
    return {"inputs": inputs, "embeddings": embeddings}

def reference(inputs, embeddings):
    input_shape = inputs.shape
    flat_input = jnp.reshape(inputs, [-1])
    output = jnp.take(embeddings, flat_input, axis=0)
    output = jnp.reshape(output, tuple(input_shape) + (embeddings.shape[1],))
    return output

if __name__ == "__main__":
    import jax
    _d = setup_inputs()
    print(jax.jit(kernel)(*tuple(_d.values())))

</pallas_src>

<mosaic_0001>
#map = affine_map<(d0, d1) -> (0, 0)>
#map1 = affine_map<(d0, d1) -> (0, 0, 0)>
module attributes {stable_mosaic.version = 14 : i64} {
  func.func @k(%arg0: i32, %arg1: i32, %arg2: memref<16384x50xi32, #tpu.memory_space<hbm>>, %arg3: memref<1000000x64xf32, #tpu.memory_space<hbm>>, %arg4: memref<16384x50x64xf32, #tpu.memory_space<hbm>>, %arg5: memref<2x8x50xi32, #tpu.memory_space<vmem>>, %arg6: memref<2x8x50x64xf32, #tpu.memory_space<vmem>>, %arg7: memref<!tpu.dma_semaphore, #tpu.memory_space<semaphore_mem>>, %arg8: memref<!tpu.dma_semaphore, #tpu.memory_space<semaphore_mem>>) attributes {dimension_semantics = [#tpu.dimension_semantics<core_parallel>, #tpu.dimension_semantics<subcore_parallel>], iteration_bounds = array<i64: 2, 16>, scalar_prefetch = 0 : i64, scratch_operands = 4 : i64, tpu.core_type = #tpu.core_type<sc_vector_subcore>, window_params = [{transform_indices = #map}, {transform_indices = #map}, {transform_indices = #map1}]} {
    %mul3A = arith.constant 2 : i32
    %mul3A_0 = arith.muli %arg1, %mul3A : i32
    %add3A = arith.addi %mul3A_0, %arg0 : i32
    %mul3A_1 = arith.constant 512 : i32
    %mul3A_2 = arith.muli %add3A, %mul3A_1 : i32
    %add3A_3 = arith.constant 0 : i32
    %add3A_4 = arith.addi %mul3A_2, %add3A_3 : i32
    %run_scoped3A = arith.constant 0 : i32
    "tpu.region"() ({
      %run_scoped3A_752 = tpu.sem_alloc : memref<!tpu.dma_semaphore, #tpu.memory_space<semaphore_mem>>
      %dma_start3A_753 = arith.constant 0 : i32
      %dma_start3A_754 = arith.constant 0 : i32
      %dma_start3A_755 = tpu.memref_slice %arg5[%run_scoped3A, %dma_start3A_753, %dma_start3A_754] : memref<2x8x50xi32, #tpu.memory_space<vmem>> -> memref<1x8x50xi32, #tpu.memory_space<vmem>>
      %dma_start3A_756 = tpu.memref_squeeze %dma_start3A_755 : memref<1x8x50xi32, #tpu.memory_space<vmem>> -> memref<8x50xi32, #tpu.memory_space<vmem>>
      %dma_start3A_757 = arith.constant 0 : i32
      %dma_start3A_758 = tpu.memref_slice %arg2[%add3A_4, %dma_start3A_757] : memref<16384x50xi32, #tpu.memory_space<hbm>> -> memref<8x50xi32, #tpu.memory_space<hbm>>
      %dma_start3A_759 = arith.constant 0 : i32
      %dma_start3A_760 = arith.constant 0 : i32
      %dma_start3A_761 = tpu.memref_slice %arg5[%run_scoped3A, %dma_start3A_759, %dma_start3A_760] : memref<2x8x50xi32, #tpu.memory_space<vmem>> -> memref<1x8x50xi32, #tpu.memory_space<vmem>>
      %dma_start3A_762 = tpu.memref_squeeze %dma_start3A_761 : memref<1x8x50xi32, #tpu.memory_space<vmem>> -> memref<8x50xi32, #tpu.memory_space<vmem>>
      %dma_start3A_763 = arith.constant 0 : i32
      %dma_start3A_764 = tpu.memref_slice %arg2[%add3A_4, %dma_start3A_763] : memref<16384x50xi32, #tpu.memory_space<hbm>> -> memref<8x50xi32, #tpu.memory_space<hbm>>
      tpu.enqueue_dma source(%dma_start3A_764 : memref<8x50xi32, #tpu.memory_space<hbm>>) target(%dma_start3A_762 : memref<8x50xi32, #tpu.memory_space<vmem>>) target_semaphore(%run_scoped3A_752 : memref<!tpu.dma_semaphore, #tpu.memory_space<semaphore_mem>>)
      %dma_wait3A_765 = arith.constant 0 : i32
      %dma_wait3A_766 = arith.constant 0 : i32
      %dma_wait3A_767 = tpu.memref_slice %arg5[%run_scoped3A, %dma_wait3A_765, %dma_wait3A_766] : memref<2x8x50xi32, #tpu.memory_space<vmem>> -> memref<1x8x50xi32, #tpu.memory_space<vmem>>
      %dma_wait3A_768 = tpu.memref_squeeze %dma_wait3A_767 : memref<1x8x50xi32, #tpu.memory_space<vmem>> -> memref<8x50xi32, #tpu.memory_space<vmem>>
      %dma_wait3A_769 = arith.constant 0 : i32
      %dma_wait3A_770 = tpu.memref_slice %arg2[%add3A_4, %dma_wait3A_769] : memref<16384x50xi32, #tpu.memory_space<hbm>> -> memref<8x50xi32, #tpu.memory_space<hbm>>
      %dma_wait3A_771 = arith.constant 0 : i32
      %dma_wait3A_772 = arith.constant 0 : i32
      %dma_wait3A_773 = tpu.memref_slice %arg5[%run_scoped3A, %dma_wait3A_771, %dma_wait3A_772] : memref<2x8x50xi32, #tpu.memory_space<vmem>> -> memref<1x8x50xi32, #tpu.memory_space<vmem>>
      %dma_wait3A_774 = tpu.memref_squeeze %dma_wait3A_773 : memref<1x8x50xi32, #tpu.memory_space<vmem>> -> memref<8x50xi32, #tpu.memory_space<vmem>>
      %dma_wait3A_775 = arith.constant 0 : i32
      %dma_wait3A_776 = tpu.memref_slice %arg2[%add3A_4, %dma_wait3A_775] : memref<16384x50xi32, #tpu.memory_space<hbm>> -> memref<8x50xi32, #tpu.memory_space<hbm>>
      tpu.wait_dma2 semaphore(%run_scoped3A_752 : memref<!tpu.dma_semaphore, #tpu.memory_space<semaphore_mem>>) src(%dma_wait3A_776 : memref<8x50xi32, #tpu.memory_space<hbm>>) dst(%dma_wait3A_774 : memref<8x50xi32, #tpu.memory_space<vmem>>)
      tpu.yield
    }) : () -> ()
    %dma_start3A = arith.constant 0 : i32
    %dma_start3A_5 = arith.constant 0 : i32
    %dma_start3A_6 = arith.constant 0 : i32
    %dma_start3A_7 = arith.constant 0 : i32
    %dma_start3A_8 = arith.constant 0 : i32
    %dma_start3A_9 = arith.constant 0 : i32
    %dma_start3A_10 = arith.constant 0 : i32
    %dma_start3A_11 = tpu.memref_slice %arg6[%dma_start3A_6, %dma_start3A_8, %dma_start3A_9, %dma_start3A_10] : memref<2x8x50x64xf32, #tpu.memory_space<vmem>> -> memref<1x8x50x64xf32, #tpu.memory_space<vmem>>
    %dma_start3A_12 = tpu.memref_squeeze %dma_start3A_11 : memref<1x8x50x64xf32, #tpu.memory_space<vmem>> -> memref<8x50x64xf32, #tpu.memory_space<vmem>>
    %dma_start3A_13 = arith.constant 0 : i32
    %dma_start3A_14 = arith.constant 0 : i32
    %dma_start3A_15 = tpu.memref_slice %dma_start3A_12[%dma_start3A_7, %dma_start3A_13, %dma_start3A_14] : memref<8x50x64xf32, #tpu.memory_space<vmem>> -> memref<1x50x64xf32, #tpu.memory_space<vmem>>
    %dma_start3A_16 = tpu.memref_squeeze %dma_start3A_15 : memref<1x50x64xf32, #tpu.memory_space<vmem>> -> memref<50x64xf32, #tpu.memory_space<vmem>>
    %dma_start3A_17 = arith.constant 0 : i32
    %dma_start3A_18 = arith.constant 0 : i32
    %dma_start3A_19 = tpu.memref_slice %arg5[%dma_start3A, %dma_start3A_17, %dma_start3A_18] : memref<2x8x50xi32, #tpu.memory_space<vmem>> -> memref<1x8x50xi32, #tpu.memory_space<vmem>>
    %dma_start3A_20 = tpu.memref_squeeze %dma_start3A_19 : memref<1x8x50xi32, #tpu.memory_space<vmem>> -> memref<8x50xi32, #tpu.memory_space<vmem>>
    %dma_start3A_21 = arith.constant 0 : i32
    %dma_start3A_22 = tpu.memref_slice %dma_start3A_20[%dma_start3A_5, %dma_start3A_21] : memref<8x50xi32, #tpu.memory_space<vmem>> -> memref<1x50xi32, #tpu.memory_space<vmem>>
    %dma_start3A_23 = tpu.memref_squeeze %dma_start3A_22 : memref<1x50xi32, #tpu.memory_space<vmem>> -> memref<50xi32, #tpu.memory_space<vmem>>
    %dma_start3A_24 = arith.constant 0 : i32
    %dma_start3A_25 = arith.constant 0 : i32
    %dma_start3A_26 = tpu.memref_slice %arg3[%dma_start3A_24, %dma_start3A_25] : memref<1000000x64xf32, #tpu.memory_space<hbm>> -> memref<1000000x64xf32, #tpu.memory_space<hbm>>
    tpu.enqueue_indirect_dma source(%dma_start3A_26 : memref<1000000x64xf32, #tpu.memory_space<hbm>>) target(%dma_start3A_16 : memref<50x64xf32, #tpu.memory_space<vmem>>) offsets(%dma_start3A_23 : memref<50xi32, #tpu.memory_space<vmem>>) semaphore(%arg7 : memref<!tpu.dma_semaphore, #tpu.memory_space<semaphore_mem>>)
    %dma_start3A_27 = arith.constant 0 : i32
    %dma_start3A_28 = arith.constant 1 : i32
    %dma_start3A_29 = arith.constant 0 : i32
    %dma_start3A_30 = arith.constant 1 : i32
    %dma_start3A_31 = arith.constant 0 : i32
    %dma_start3A_32 = arith.constant 0 : i32
    %dma_start3A_33 = arith.constant 0 : i32
    %dma_start3A_34 = tpu.memref_slice %arg6[%dma_start3A_29, %dma_start3A_31, %dma_start3A_32, %dma_start3A_33] : memref<2x8x50x64xf32, #tpu.memory_space<vmem>> -> memref<1x8x50x64xf32, #tpu.memory_space<vmem>>
    %dma_start3A_35 = tpu.memref_squeeze %dma_start3A_34 : memref<1x8x50x64xf32, #tpu.memory_space<vmem>> -> memref<8x50x64xf32, #tpu.memory_space<vmem>>
    %dma_start3A_36 = arith.constant 0 : i32
    %dma_start3A_37 = arith.constant 0 : i32
    %dma_start3A_38 = tpu.memref_slice %dma_start3A_35[%dma_start3A_30, %dma_start3A_36, %dma_start3A_37] : memref<8x50x64xf32, #tpu.memory_space<vmem>> -> memref<1x50x64xf32, #tpu.memory_space<vmem>>
    %dma_start3A_39 = tpu.memref_squeeze %dma_start3A_38 : memref<1x50x64xf32, #tpu.memory_space<vmem>> -> memref<50x64xf32, #tpu.memory_space<vmem>>
    %dma_start3A_40 = arith.constant 0 : i32
    %dma_start3A_41 = arith.constant 0 : i32
    %dma_start3A_42 = tpu.memref_slice %arg5[%dma_start3A_27, %dma_start3A_40, %dma_start3A_41] : memref<2x8x50xi32, #tpu.memory_space<vmem>> -> memref<1x8x50xi32, #tpu.memory_space<vmem>>
    %dma_start3A_43 = tpu.memref_squeeze %dma_start3A_42 : memref<1x8x50xi32, #tpu.memory_space<vmem>> -> memref<8x50xi32, #tpu.memory_space<vmem>>
    %dma_start3A_44 = arith.constant 0 : i32
    %dma_start3A_45 = tpu.memref_slice %dma_start3A_43[%dma_start3A_28, %dma_start3A_44] : memref<8x50xi32, #tpu.memory_space<vmem>> -> memref<1x50xi32, #tpu.memory_space<vmem>>
    %dma_start3A_46 = tpu.memref_squeeze %dma_start3A_45 : memref<1x50xi32, #tpu.memory_space<vmem>> -> memref<50xi32, #tpu.memory_space<vmem>>
    %dma_start3A_47 = arith.constant 0 : i32
    %dma_start3A_48 = arith.constant 0 : i32
    %dma_start3A_49 = tpu.memref_slice %arg3[%dma_start3A_47, %dma_start3A_48] : memref<1000000x64xf32, #tpu.memory_space<hbm>> -> memref<1000000x64xf32, #tpu.memory_space<hbm>>
    tpu.enqueue_indirect_dma source(%dma_start3A_49 : memref<1000000x64xf32, #tpu.memory_space<hbm>>) target(%dma_start3A_39 : memref<50x64xf32, #tpu.memory_space<vmem>>) offsets(%dma_start3A_46 : memref<50xi32, #tpu.memory_space<vmem>>) semaphore(%arg7 : memref<!tpu.dma_semaphore, #tpu.memory_space<semaphore_mem>>)
    %dma_start3A_50 = arith.constant 0 : i32
    %dma_start3A_51 = arith.constant 2 : i32
    %dma_start3A_52 = arith.constant 0 : i32
    %dma_start3A_53 = arith.constant 2 : i32
    %dma_start3A_54 = arith.constant 0 : i32
    %dma_start3A_55 = arith.constant 0 : i32
    %dma_start3A_56 = arith.constant 0 : i32
    %dma_start3A_57 = tpu.memref_slice %arg6[%dma_start3A_52, %dma_start3A_54, %dma_start3A_55, %dma_start3A_56] : memref<2x8x50x64xf32, #tpu.memory_space<vmem>> -> memref<1x8x50x64xf32, #tpu.memory_space<vmem>>
    %dma_start3A_58 = tpu.memref_squeeze %dma_start3A_57 : memref<1x8x50x64xf32, #tpu.memory_space<vmem>> -> memref<8x50x64xf32, #tpu.memory_space<vmem>>
    %dma_start3A_59 = arith.constant 0 : i32
    %dma_start3A_60 = arith.constant 0 : i32
    %dma_start3A_61 = tpu.memref_slice %dma_start3A_58[%dma_start3A_53, %dma_start3A_59, %dma_start3A_60] : memref<8x50x64xf32, #tpu.memory_space<vmem>> -> memref<1x50x64xf32, #tpu.memory_space<vmem>>
    %dma_start3A_62 = tpu.memref_squeeze %dma_start3A_61 : memref<1x50x64xf32, #tpu.memory_space<vmem>> -> memref<50x64xf32, #tpu.memory_space<vmem>>
    %dma_start3A_63 = arith.constant 0 : i32
    %dma_start3A_64 = arith.constant 0 : i32
    %dma_start3A_65 = tpu.memref_slice %arg5[%dma_start3A_50, %dma_start3A_63, %dma_start3A_64] : memref<2x8x50xi32, #tpu.memory_space<vmem>> -> memref<1x8x50xi32, #tpu.memory_space<vmem>>
    %dma_start3A_66 = tpu.memref_squeeze %dma_start3A_65 : memref<1x8x50xi32, #tpu.memory_space<vmem>> -> memref<8x50xi32, #tpu.memory_space<vmem>>
    %dma_start3A_67 = arith.constant 0 : i32
    %dma_start3A_68 = tpu.memref_slice %dma_start3A_66[%dma_start3A_51, %dma_start3A_67] : memref<8x50xi32, #tpu.memory_space<vmem>> -> memref<1x50xi32, #tpu.memory_space<vmem>>
    %dma_start3A_69 = tpu.memref_squeeze %dma_start3A_68 : memref<1x50xi32, #tpu.memory_space<vmem>> -> memref<50xi32, #tpu.memory_space<vmem>>
    %dma_start3A_70 = arith.constant 0 : i32
    %dma_start3A_71 = arith.constant 0 : i32
    %dma_start3A_72 = tpu.memref_slice %arg3[%dma_start3A_70, %dma_start3A_71] : memref<1000000x64xf32, #tpu.memory_space<hbm>> -> memref<1000000x64xf32, #tpu.memory_space<hbm>>
    tpu.enqueue_indirect_dma source(%dma_start3A_72 : memref<1000000x64xf32, #tpu.memory_space<hbm>>) target(%dma_start3A_62 : memref<50x64xf32, #tpu.memory_space<vmem>>) offsets(%dma_start3A_69 : memref<50xi32, #tpu.memory_space<vmem>>) semaphore(%arg7 : memref<!tpu.dma_semaphore, #tpu.memory_space<semaphore_mem>>)
    %dma_start3A_73 = arith.constant 0 : i32
    %dma_start3A_74 = arith.constant 3 : i32
    %dma_start3A_75 = arith.constant 0 : i32
    %dma_start3A_76 = arith.constant 3 : i32
    %dma_start3A_77 = arith.constant 0 : i32
    %dma_start3A_78 = arith.constant 0 : i32
    %dma_start3A_79 = arith.constant 0 : i32
    %dma_start3A_80 = tpu.memref_slice %arg6[%dma_start3A_75, %dma_start3A_77, %dma_start3A_78, %dma_start3A_79] : memref<2x8x50x64xf32, #tpu.memory_space<vmem>> -> memref<1x8x50x64xf32, #tpu.memory_space<vmem>>
    %dma_start3A_81 = tpu.memref_squeeze %dma_start3A_80 : memref<1x8x50x64xf32, #tpu.memory_space<vmem>> -> memref<8x50x64xf32, #tpu.memory_space<vmem>>
    %dma_start3A_82 = arith.constant 0 : i32
    %dma_start3A_83 = arith.constant 0 : i32
    %dma_start3A_84 = tpu.memref_slice %dma_start3A_81[%dma_start3A_76, %dma_start3A_82, %dma_start3A_83] : memref<8x50x64xf32, #tpu.memory_space<vmem>> -> memref<1x50x64xf32, #tpu.memory_space<vmem>>
    %dma_start3A_85 = tpu.memref_squeeze %dma_start3A_84 : memref<1x50x64xf32, #tpu.memory_space<vmem>> -> memref<50x64xf32, #tpu.memory_space<vmem>>
    %dma_start3A_86 = arith.constant 0 : i32
    %dma_start3A_87 = arith.constant 0 : i32
    %dma_start3A_88 = tpu.memref_slice %arg5[%dma_start3A_73, %dma_start3A_86, %dma_start3A_87] : memref<2x8x50xi32, #tpu.memory_space<vmem>> -> memref<1x8x50xi32, #tpu.memory_space<vmem>>
    %dma_start3A_89 = tpu.memref_squeeze %dma_start3A_88 : memref<1x8x50xi32, #tpu.memory_space<vmem>> -> memref<8x50xi32, #tpu.memory_space<vmem>>
    %dma_start3A_90 = arith.constant 0 : i32
    %dma_start3A_91 = tpu.memref_slice %dma_start3A_89[%dma_start3A_74, %dma_start3A_90] : memref<8x50xi32, #tpu.memory_space<vmem>> -> memref<1x50xi32, #tpu.memory_space<vmem>>
    %dma_start3A_92 = tpu.memref_squeeze %dma_start3A_91 : memref<1x50xi32, #tpu.memory_space<vmem>> -> memref<50xi32, #tpu.memory_space<vmem>>
    %dma_start3A_93 = arith.constant 0 : i32
    %dma_start3A_94 = arith.constant 0 : i32
    %dma_start3A_95 = tpu.memref_slice %arg3[%dma_start3A_93, %dma_start3A_94] : memref<1000000x64xf32, #tpu.memory_space<hbm>> -> memref<1000000x64xf32, #tpu.memory_space<hbm>>
    tpu.enqueue_indirect_dma source(%dma_start3A_95 : memref<1000000x64xf32, #tpu.memory_space<hbm>>) target(%dma_start3A_85 : memref<50x64xf32, #tpu.memory_space<vmem>>) offsets(%dma_start3A_92 : memref<50xi32, #tpu.memory_space<vmem>>) semaphore(%arg7 : memref<!tpu.dma_semaphore, #tpu.memory_space<semaphore_mem>>)
    %dma_start3A_96 = arith.constant 0 : i32
    %dma_start3A_97 = arith.constant 4 : i32
    %dma_start3A_98 = arith.constant 0 : i32
    %dma_start3A_99 = arith.constant 4 : i32
    %dma_start3A_100 = arith.constant 0 : i32
    %dma_start3A_101 = arith.constant 0 : i32
    %dma_start3A_102 = arith.constant 0 : i32
    %dma_start3A_103 = tpu.memref_slice %arg6[%dma_start3A_98, %dma_start3A_100, %dma_start3A_101, %dma_start3A_102] : memref<2x8x50x64xf32, #tpu.memory_space<vmem>> -> memref<1x8x50x64xf32, #tpu.memory_space<vmem>>
    %dma_start3A_104 = tpu.memref_squeeze %dma_start3A_103 : memref<1x8x50x64xf32, #tpu.memory_space<vmem>> -> memref<8x50x64xf32, #tpu.memory_space<vmem>>
    %dma_start3A_105 = arith.constant 0 : i32
    %dma_start3A_106 = arith.constant 0 : i32
    %dma_start3A_107 = tpu.memref_slice %dma_start3A_104[%dma_start3A_99, %dma_start3A_105, %dma_start3A_106] : memref<8x50x64xf32, #tpu.memory_space<vmem>> -> memref<1x50x64xf32, #tpu.memory_space<vmem>>
    %dma_start3A_108 = tpu.memref_squeeze %dma_start3A_107 : memref<1x50x64xf32, #tpu.memory_space<vmem>> -> memref<50x64xf32, #tpu.memory_space<vmem>>
    %dma_start3A_109 = arith.constant 0 : i32
    %dma_start3A_110 = arith.constant 0 : i32
    %dma_start3A_111 = tpu.memref_slice %arg5[%dma_start3A_96, %dma_start3A_109, %dma_start3A_110] : memref<2x8x50xi32, #tpu.memory_space<vmem>> -> memref<1x8x50xi32, #tpu.memory_space<vmem>>
    %dma_start3A_112 = tpu.memref_squeeze %dma_start3A_111 : memref<1x8x50xi32, #tpu.memory_space<vmem>> -> memref<8x50xi32, #tpu.memory_space<vmem>>
    %dma_start3A_113 = arith.constant 0 : i32
    %dma_start3A_114 = tpu.memref_slice %dma_start3A_112[%dma_start3A_97, %dma_start3A_113] : memref<8x50xi32, #tpu.memory_space<vmem>> -> memref<1x50xi32, #tpu.memory_space<vmem>>
    %dma_start3A_115 = tpu.memref_squeeze %dma_start3A_114 : memref<1x50xi32, #tpu.memory_space<vmem>> -> memref<50xi32, #tpu.memory_space<vmem>>
    %dma_start3A_116 = arith.constant 0 : i32
    %dma_start3A_117 = arith.constant 0 : i32
    %dma_start3A_118 = tpu.memref_slice %arg3[%dma_start3A_116, %dma_start3A_117] : memref<1000000x64xf32, #tpu.memory_space<hbm>> -> memref<1000000x64xf32, #tpu.memory_space<hbm>>
    tpu.enqueue_indirect_dma source(%dma_start3A_118 : memref<1000000x64xf32, #tpu.memory_space<hbm>>) target(%dma_start3A_108 : memref<50x64xf32, #tpu.memory_space<vmem>>) offsets(%dma_start3A_115 : memref<50xi32, #tpu.memory_space<vmem>>) semaphore(%arg7 : memref<!tpu.dma_semaphore, #tpu.memory_space<semaphore_mem>>)
    %dma_start3A_119 = arith.constant 0 : i32
    %dma_start3A_120 = arith.constant 5 : i32
    %dma_start3A_121 = arith.constant 0 : i32
    %dma_start3A_122 = arith.constant 5 : i32
    %dma_start3A_123 = arith.constant 0 : i32
    %dma_start3A_124 = arith.constant 0 : i32
    %dma_start3A_125 = arith.constant 0 : i32
    %dma_start3A_126 = tpu.memref_slice %arg6[%dma_start3A_121, %dma_start3A_123, %dma_start3A_124, %dma_start3A_125] : memref<2x8x50x64xf32, #tpu.memory_space<vmem>> -> memref<1x8x50x64xf32, #tpu.memory_space<vmem>>
    %dma_start3A_127 = tpu.memref_squeeze %dma_start3A_126 : memref<1x8x50x64xf32, #tpu.memory_space<vmem>> -> memref<8x50x64xf32, #tpu.memory_space<vmem>>
    %dma_start3A_128 = arith.constant 0 : i32
    %dma_start3A_129 = arith.constant 0 : i32
    %dma_start3A_130 = tpu.memref_slice %dma_start3A_127[%dma_start3A_122, %dma_start3A_128, %dma_start3A_129] : memref<8x50x64xf32, #tpu.memory_space<vmem>> -> memref<1x50x64xf32, #tpu.memory_space<vmem>>
    %dma_start3A_131 = tpu.memref_squeeze %dma_start3A_130 : memref<1x50x64xf32, #tpu.memory_space<vmem>> -> memref<50x64xf32, #tpu.memory_space<vmem>>
    %dma_start3A_132 = arith.constant 0 : i32
    %dma_start3A_133 = arith.constant 0 : i32
    %dma_start3A_134 = tpu.memref_slice %arg5[%dma_start3A_119, %dma_start3A_132, %dma_start3A_133] : memref<2x8x50xi32, #tpu.memory_space<vmem>> -> memref<1x8x50xi32, #tpu.memory_space<vmem>>
    %dma_start3A_135 = tpu.memref_squeeze %dma_start3A_134 : memref<1x8x50xi32, #tpu.memory_space<vmem>> -> memref<8x50xi32, #tpu.memory_space<vmem>>
    %dma_start3A_136 = arith.constant 0 : i32
    %dma_start3A_137 = tpu.memref_slice %dma_start3A_135[%dma_start3A_120, %dma_start3A_136] : memref<8x50xi32, #tpu.memory_space<vmem>> -> memref<1x50xi32, #tpu.memory_space<vmem>>
    %dma_start3A_138 = tpu.memref_squeeze %dma_start3A_137 : memref<1x50xi32, #tpu.memory_space<vmem>> -> memref<50xi32, #tpu.memory_space<vmem>>
    %dma_start3A_139 = arith.constant 0 : i32
    %dma_start3A_140 = arith.constant 0 : i32
    %dma_start3A_141 = tpu.memref_slice %arg3[%dma_start3A_139, %dma_start3A_140] : memref<1000000x64xf32, #tpu.memory_space<hbm>> -> memref<1000000x64xf32, #tpu.memory_space<hbm>>
    tpu.enqueue_indirect_dma source(%dma_start3A_141 : memref<1000000x64xf32, #tpu.memory_space<hbm>>) target(%dma_start3A_131 : memref<50x64xf32, #tpu.memory_space<vmem>>) offsets(%dma_start3A_138 : memref<50xi32, #tpu.memory_space<vmem>>) semaphore(%arg7 : memref<!tpu.dma_semaphore, #tpu.memory_space<semaphore_mem>>)
    %dma_start3A_142 = arith.constant 0 : i32
    %dma_start3A_143 = arith.constant 6 : i32
    %dma_start3A_144 = arith.constant 0 : i32
    %dma_start3A_145 = arith.constant 6 : i32
    %dma_start3A_146 = arith.constant 0 : i32
    %dma_start3A_147 = arith.constant 0 : i32
    %dma_start3A_148 = arith.constant 0 : i32
    %dma_start3A_149 = tpu.memref_slice %arg6[%dma_start3A_144, %dma_start3A_146, %dma_start3A_147, %dma_start3A_148] : memref<2x8x50x64xf32, #tpu.memory_space<vmem>> -> memref<1x8x50x64xf32, #tpu.memory_space<vmem>>
    %dma_start3A_150 = tpu.memref_squeeze %dma_start3A_149 : memref<1x8x50x64xf32, #tpu.memory_space<vmem>> -> memref<8x50x64xf32, #tpu.memory_space<vmem>>
    %dma_start3A_151 = arith.constant 0 : i32
    %dma_start3A_152 = arith.constant 0 : i32
    %dma_start3A_153 = tpu.memref_slice %dma_start3A_150[%dma_start3A_145, %dma_start3A_151, %dma_start3A_152] : memref<8x50x64xf32, #tpu.memory_space<vmem>> -> memref<1x50x64xf32, #tpu.memory_space<vmem>>
    %dma_start3A_154 = tpu.memref_squeeze %dma_start3A_153 : memref<1x50x64xf32, #tpu.memory_space<vmem>> -> memref<50x64xf32, #tpu.memory_space<vmem>>
    %dma_start3A_155 = arith.constant 0 : i32
    %dma_start3A_156 = arith.constant 0 : i32
    %dma_start3A_157 = tpu.memref_slice %arg5[%dma_start3A_142, %dma_start3A_155, %dma_start3A_156] : memref<2x8x50xi32, #tpu.memory_space<vmem>> -> memref<1x8x50xi32, #tpu.memory_space<vmem>>
    %dma_start3A_158 = tpu.memref_squeeze %dma_start3A_157 : memref<1x8x50xi32, #tpu.memory_space<vmem>> -> memref<8x50xi32, #tpu.memory_space<vmem>>
    %dma_start3A_159 = arith.constant 0 : i32
    %dma_start3A_160 = tpu.memref_slice %dma_start3A_158[%dma_start3A_143, %dma_start3A_159] : memref<8x50xi32, #tpu.memory_space<vmem>> -> memref<1x50xi32, #tpu.memory_space<vmem>>
    %dma_start3A_161 = tpu.memref_squeeze %dma_start3A_160 : memref<1x50xi32, #tpu.memory_space<vmem>> -> memref<50xi32, #tpu.memory_space<vmem>>
    %dma_start3A_162 = arith.constant 0 : i32
    %dma_start3A_163 = arith.constant 0 : i32
    %dma_start3A_164 = tpu.memref_slice %arg3[%dma_start3A_162, %dma_start3A_163] : memref<1000000x64xf32, #tpu.memory_space<hbm>> -> memref<1000000x64xf32, #tpu.memory_space<hbm>>
    tpu.enqueue_indirect_dma source(%dma_start3A_164 : memref<1000000x64xf32, #tpu.memory_space<hbm>>) target(%dma_start3A_154 : memref<50x64xf32, #tpu.memory_space<vmem>>) offsets(%dma_start3A_161 : memref<50xi32, #tpu.memory_space<vmem>>) semaphore(%arg7 : memref<!tpu.dma_semaphore, #tpu.memory_space<semaphore_mem>>)
    %dma_start3A_165 = arith.constant 0 : i32
    %dma_start3A_166 = arith.constant 7 : i32
    %dma_start3A_167 = arith.constant 0 : i32
    %dma_start3A_168 = arith.constant 7 : i32
    %dma_start3A_169 = arith.constant 0 : i32
    %dma_start3A_170 = arith.constant 0 : i32
    %dma_start3A_171 = arith.constant 0 : i32
    %dma_start3A_172 = tpu.memref_slice %arg6[%dma_start3A_167, %dma_start3A_169, %dma_start3A_170, %dma_start3A_171] : memref<2x8x50x64xf32, #tpu.memory_space<vmem>> -> memref<1x8x50x64xf32, #tpu.memory_space<vmem>>
    %dma_start3A_173 = tpu.memref_squeeze %dma_start3A_172 : memref<1x8x50x64xf32, #tpu.memory_space<vmem>> -> memref<8x50x64xf32, #tpu.memory_space<vmem>>
    %dma_start3A_174 = arith.constant 0 : i32
    %dma_start3A_175 = arith.constant 0 : i32
    %dma_start3A_176 = tpu.memref_slice %dma_start3A_173[%dma_start3A_168, %dma_start3A_174, %dma_start3A_175] : memref<8x50x64xf32, #tpu.memory_space<vmem>> -> memref<1x50x64xf32, #tpu.memory_space<vmem>>
    %dma_start3A_177 = tpu.memref_squeeze %dma_start3A_176 : memref<1x50x64xf32, #tpu.memory_space<vmem>> -> memref<50x64xf32, #tpu.memory_space<vmem>>
    %dma_start3A_178 = arith.constant 0 : i32
    %dma_start3A_179 = arith.constant 0 : i32
    %dma_start3A_180 = tpu.memref_slice %arg5[%dma_start3A_165, %dma_start3A_178, %dma_start3A_179] : memref<2x8x50xi32, #tpu.memory_space<vmem>> -> memref<1x8x50xi32, #tpu.memory_space<vmem>>
    %dma_start3A_181 = tpu.memref_squeeze %dma_start3A_180 : memref<1x8x50xi32, #tpu.memory_space<vmem>> -> memref<8x50xi32, #tpu.memory_space<vmem>>
    %dma_start3A_182 = arith.constant 0 : i32
    %dma_start3A_183 = tpu.memref_slice %dma_start3A_181[%dma_start3A_166, %dma_start3A_182] : memref<8x50xi32, #tpu.memory_space<vmem>> -> memref<1x50xi32, #tpu.memory_space<vmem>>
    %dma_start3A_184 = tpu.memref_squeeze %dma_start3A_183 : memref<1x50xi32, #tpu.memory_space<vmem>> -> memref<50xi32, #tpu.memory_space<vmem>>
    %dma_start3A_185 = arith.constant 0 : i32
    %dma_start3A_186 = arith.constant 0 : i32
    %dma_start3A_187 = tpu.memref_slice %arg3[%dma_start3A_185, %dma_start3A_186] : memref<1000000x64xf32, #tpu.memory_space<hbm>> -> memref<1000000x64xf32, #tpu.memory_space<hbm>>
    tpu.enqueue_indirect_dma source(%dma_start3A_187 : memref<1000000x64xf32, #tpu.memory_space<hbm>>) target(%dma_start3A_177 : memref<50x64xf32, #tpu.memory_space<vmem>>) offsets(%dma_start3A_184 : memref<50xi32, #tpu.memory_space<vmem>>) semaphore(%arg7 : memref<!tpu.dma_semaphore, #tpu.memory_space<semaphore_mem>>)
    %add3A_188 = arith.constant 8 : i32
    %add3A_189 = arith.addi %mul3A_2, %add3A_188 : i32
    %run_scoped3A_190 = arith.constant 1 : i32
    "tpu.region"() ({
      %run_scoped3A_752 = tpu.sem_alloc : memref<!tpu.dma_semaphore, #tpu.memory_space<semaphore_mem>>
      %dma_start3A_753 = arith.constant 0 : i32
      %dma_start3A_754 = arith.constant 0 : i32
      %dma_start3A_755 = tpu.memref_slice %arg5[%run_scoped3A_190, %dma_start3A_753, %dma_start3A_754] : memref<2x8x50xi32, #tpu.memory_space<vmem>> -> memref<1x8x50xi32, #tpu.memory_space<vmem>>
      %dma_start3A_756 = tpu.memref_squeeze %dma_start3A_755 : memref<1x8x50xi32, #tpu.memory_space<vmem>> -> memref<8x50xi32, #tpu.memory_space<vmem>>
      %dma_start3A_757 = arith.constant 0 : i32
      %dma_start3A_758 = tpu.memref_slice %arg2[%add3A_189, %dma_start3A_757] : memref<16384x50xi32, #tpu.memory_space<hbm>> -> memref<8x50xi32, #tpu.memory_space<hbm>>
      %dma_start3A_759 = arith.constant 0 : i32
      %dma_start3A_760 = arith.constant 0 : i32
      %dma_start3A_761 = tpu.memref_slice %arg5[%run_scoped3A_190, %dma_start3A_759, %dma_start3A_760] : memref<2x8x50xi32, #tpu.memory_space<vmem>> -> memref<1x8x50xi32, #tpu.memory_space<vmem>>
      %dma_start3A_762 = tpu.memref_squeeze %dma_start3A_761 : memref<1x8x50xi32, #tpu.memory_space<vmem>> -> memref<8x50xi32, #tpu.memory_space<vmem>>
      %dma_start3A_763 = arith.constant 0 : i32
      %dma_start3A_764 = tpu.memref_slice %arg2[%add3A_189, %dma_start3A_763] : memref<16384x50xi32, #tpu.memory_space<hbm>> -> memref<8x50xi32, #tpu.memory_space<hbm>>
      tpu.enqueue_dma source(%dma_start3A_764 : memref<8x50xi32, #tpu.memory_space<hbm>>) target(%dma_start3A_762 : memref<8x50xi32, #tpu.memory_space<vmem>>) target_semaphore(%run_scoped3A_752 : memref<!tpu.dma_semaphore, #tpu.memory_space<semaphore_mem>>)
      %dma_wait3A_765 = arith.constant 0 : i32
      %dma_wait3A_766 = arith.constant 0 : i32
      %dma_wait3A_767 = tpu.memref_slice %arg5[%run_scoped3A_190, %dma_wait3A_765, %dma_wait3A_766] : memref<2x8x50xi32, #tpu.memory_space<vmem>> -> memref<1x8x50xi32, #tpu.memory_space<vmem>>
      %dma_wait3A_768 = tpu.memref_squeeze %dma_wait3A_767 : memref<1x8x50xi32, #tpu.memory_space<vmem>> -> memref<8x50xi32, #tpu.memory_space<vmem>>
      %dma_wait3A_769 = arith.constant 0 : i32
      %dma_wait3A_770 = tpu.memref_slice %arg2[%add3A_189, %dma_wait3A_769] : memref<16384x50xi32, #tpu.memory_space<hbm>> -> memref<8x50xi32, #tpu.memory_space<hbm>>
      %dma_wait3A_771 = arith.constant 0 : i32
      %dma_wait3A_772 = arith.constant 0 : i32
      %dma_wait3A_773 = tpu.memref_slice %arg5[%run_scoped3A_190, %dma_wait3A_771, %dma_wait3A_772] : memref<2x8x50xi32, #tpu.memory_space<vmem>> -> memref<1x8x50xi32, #tpu.memory_space<vmem>>
      %dma_wait3A_774 = tpu.memref_squeeze %dma_wait3A_773 : memref<1x8x50xi32, #tpu.memory_space<vmem>> -> memref<8x50xi32, #tpu.memory_space<vmem>>
      %dma_wait3A_775 = arith.constant 0 : i32
      %dma_wait3A_776 = tpu.memref_slice %arg2[%add3A_189, %dma_wait3A_775] : memref<16384x50xi32, #tpu.memory_space<hbm>> -> memref<8x50xi32, #tpu.memory_space<hbm>>
      tpu.wait_dma2 semaphore(%run_scoped3A_752 : memref<!tpu.dma_semaphore, #tpu.memory_space<semaphore_mem>>) src(%dma_wait3A_776 : memref<8x50xi32, #tpu.memory_space<hbm>>) dst(%dma_wait3A_774 : memref<8x50xi32, #tpu.memory_space<vmem>>)
      tpu.yield
    }) : () -> ()
    %dma_start3A_191 = arith.constant 1 : i32
    %dma_start3A_192 = arith.constant 0 : i32
    %dma_start3A_193 = arith.constant 1 : i32
    %dma_start3A_194 = arith.constant 0 : i32
    %dma_start3A_195 = arith.constant 0 : i32
    %dma_start3A_196 = arith.constant 0 : i32
    %dma_start3A_197 = arith.constant 0 : i32
    %dma_start3A_198 = tpu.memref_slice %arg6[%dma_start3A_193, %dma_start3A_195, %dma_start3A_196, %dma_start3A_197] : memref<2x8x50x64xf32, #tpu.memory_space<vmem>> -> memref<1x8x50x64xf32, #tpu.memory_space<vmem>>
    %dma_start3A_199 = tpu.memref_squeeze %dma_start3A_198 : memref<1x8x50x64xf32, #tpu.memory_space<vmem>> -> memref<8x50x64xf32, #tpu.memory_space<vmem>>
    %dma_start3A_200 = arith.constant 0 : i32
    %dma_start3A_201 = arith.constant 0 : i32
    %dma_start3A_202 = tpu.memref_slice %dma_start3A_199[%dma_start3A_194, %dma_start3A_200, %dma_start3A_201] : memref<8x50x64xf32, #tpu.memory_space<vmem>> -> memref<1x50x64xf32, #tpu.memory_space<vmem>>
    %dma_start3A_203 = tpu.memref_squeeze %dma_start3A_202 : memref<1x50x64xf32, #tpu.memory_space<vmem>> -> memref<50x64xf32, #tpu.memory_space<vmem>>
    %dma_start3A_204 = arith.constant 0 : i32
    %dma_start3A_205 = arith.constant 0 : i32
    %dma_start3A_206 = tpu.memref_slice %arg5[%dma_start3A_191, %dma_start3A_204, %dma_start3A_205] : memref<2x8x50xi32, #tpu.memory_space<vmem>> -> memref<1x8x50xi32, #tpu.memory_space<vmem>>
    %dma_start3A_207 = tpu.memref_squeeze %dma_start3A_206 : memref<1x8x50xi32, #tpu.memory_space<vmem>> -> memref<8x50xi32, #tpu.memory_space<vmem>>
    %dma_start3A_208 = arith.constant 0 : i32
    %dma_start3A_209 = tpu.memref_slice %dma_start3A_207[%dma_start3A_192, %dma_start3A_208] : memref<8x50xi32, #tpu.memory_space<vmem>> -> memref<1x50xi32, #tpu.memory_space<vmem>>
    %dma_start3A_210 = tpu.memref_squeeze %dma_start3A_209 : memref<1x50xi32, #tpu.memory_space<vmem>> -> memref<50xi32, #tpu.memory_space<vmem>>
    %dma_start3A_211 = arith.constant 0 : i32
    %dma_start3A_212 = arith.constant 0 : i32
    %dma_start3A_213 = tpu.memref_slice %arg3[%dma_start3A_211, %dma_start3A_212] : memref<1000000x64xf32, #tpu.memory_space<hbm>> -> memref<1000000x64xf32, #tpu.memory_space<hbm>>
    tpu.enqueue_indirect_dma source(%dma_start3A_213 : memref<1000000x64xf32, #tpu.memory_space<hbm>>) target(%dma_start3A_203 : memref<50x64xf32, #tpu.memory_space<vmem>>) offsets(%dma_start3A_210 : memref<50xi32, #tpu.memory_space<vmem>>) semaphore(%arg8 : memref<!tpu.dma_semaphore, #tpu.memory_space<semaphore_mem>>)
    %dma_start3A_214 = arith.constant 1 : i32
    %dma_start3A_215 = arith.constant 1 : i32
    %dma_start3A_216 = arith.constant 1 : i32
    %dma_start3A_217 = arith.constant 1 : i32
    %dma_start3A_218 = arith.constant 0 : i32
    %dma_start3A_219 = arith.constant 0 : i32
    %dma_start3A_220 = arith.constant 0 : i32
    %dma_start3A_221 = tpu.memref_slice %arg6[%dma_start3A_216, %dma_start3A_218, %dma_start3A_219, %dma_start3A_220] : memref<2x8x50x64xf32, #tpu.memory_space<vmem>> -> memref<1x8x50x64xf32, #tpu.memory_space<vmem>>
    %dma_start3A_222 = tpu.memref_squeeze %dma_start3A_221 : memref<1x8x50x64xf32, #tpu.memory_space<vmem>> -> memref<8x50x64xf32, #tpu.memory_space<vmem>>
    %dma_start3A_223 = arith.constant 0 : i32
    %dma_start3A_224 = arith.constant 0 : i32
    %dma_start3A_225 = tpu.memref_slice %dma_start3A_222[%dma_start3A_217, %dma_start3A_223, %dma_start3A_224] : memref<8x50x64xf32, #tpu.memory_space<vmem>> -> memref<1x50x64xf32, #tpu.memory_space<vmem>>
    %dma_start3A_226 = tpu.memref_squeeze %dma_start3A_225 : memref<1x50x64xf32, #tpu.memory_space<vmem>> -> memref<50x64xf32, #tpu.memory_space<vmem>>
    %dma_start3A_227 = arith.constant 0 : i32
    %dma_start3A_228 = arith.constant 0 : i32
    %dma_start3A_229 = tpu.memref_slice %arg5[%dma_start3A_214, %dma_start3A_227, %dma_start3A_228] : memref<2x8x50xi32, #tpu.memory_space<vmem>> -> memref<1x8x50xi32, #tpu.memory_space<vmem>>
    %dma_start3A_230 = tpu.memref_squeeze %dma_start3A_229 : memref<1x8x50xi32, #tpu.memory_space<vmem>> -> memref<8x50xi32, #tpu.memory_space<vmem>>
    %dma_start3A_231 = arith.constant 0 : i32
    %dma_start3A_232 = tpu.memref_slice %dma_start3A_230[%dma_start3A_215, %dma_start3A_231] : memref<8x50xi32, #tpu.memory_space<vmem>> -> memref<1x50xi32, #tpu.memory_space<vmem>>
    %dma_start3A_233 = tpu.memref_squeeze %dma_start3A_232 : memref<1x50xi32, #tpu.memory_space<vmem>> -> memref<50xi32, #tpu.memory_space<vmem>>
    %dma_start3A_234 = arith.constant 0 : i32
    %dma_start3A_235 = arith.constant 0 : i32
    %dma_start3A_236 = tpu.memref_slice %arg3[%dma_start3A_234, %dma_start3A_235] : memref<1000000x64xf32, #tpu.memory_space<hbm>> -> memref<1000000x64xf32, #tpu.memory_space<hbm>>
    tpu.enqueue_indirect_dma source(%dma_start3A_236 : memref<1000000x64xf32, #tpu.memory_space<hbm>>) target(%dma_start3A_226 : memref<50x64xf32, #tpu.memory_space<vmem>>) offsets(%dma_start3A_233 : memref<50xi32, #tpu.memory_space<vmem>>) semaphore(%arg8 : memref<!tpu.dma_semaphore, #tpu.memory_space<semaphore_mem>>)
    %dma_start3A_237 = arith.constant 1 : i32
    %dma_start3A_238 = arith.constant 2 : i32
    %dma_start3A_239 = arith.constant 1 : i32
    %dma_start3A_240 = arith.constant 2 : i32
    %dma_start3A_241 = arith.constant 0 : i32
    %dma_start3A_242 = arith.constant 0 : i32
    %dma_start3A_243 = arith.constant 0 : i32
    %dma_start3A_244 = tpu.memref_slice %arg6[%dma_start3A_239, %dma_start3A_241, %dma_start3A_242, %dma_start3A_243] : memref<2x8x50x64xf32, #tpu.memory_space<vmem>> -> memref<1x8x50x64xf32, #tpu.memory_space<vmem>>
    %dma_start3A_245 = tpu.memref_squeeze %dma_start3A_244 : memref<1x8x50x64xf32, #tpu.memory_space<vmem>> -> memref<8x50x64xf32, #tpu.memory_space<vmem>>
    %dma_start3A_246 = arith.constant 0 : i32
    %dma_start3A_247 = arith.constant 0 : i32
    %dma_start3A_248 = tpu.memref_slice %dma_start3A_245[%dma_start3A_240, %dma_start3A_246, %dma_start3A_247] : memref<8x50x64xf32, #tpu.memory_space<vmem>> -> memref<1x50x64xf32, #tpu.memory_space<vmem>>
    %dma_start3A_249 = tpu.memref_squeeze %dma_start3A_248 : memref<1x50x64xf32, #tpu.memory_space<vmem>> -> memref<50x64xf32, #tpu.memory_space<vmem>>
    %dma_start3A_250 = arith.constant 0 : i32
    %dma_start3A_251 = arith.constant 0 : i32
    %dma_start3A_252 = tpu.memref_slice %arg5[%dma_start3A_237, %dma_start3A_250, %dma_start3A_251] : memref<2x8x50xi32, #tpu.memory_space<vmem>> -> memref<1x8x50xi32, #tpu.memory_space<vmem>>
    %dma_start3A_253 = tpu.memref_squeeze %dma_start3A_252 : memref<1x8x50xi32, #tpu.memory_space<vmem>> -> memref<8x50xi32, #tpu.memory_space<vmem>>
    %dma_start3A_254 = arith.constant 0 : i32
    %dma_start3A_255 = tpu.memref_slice %dma_start3A_253[%dma_start3A_238, %dma_start3A_254] : memref<8x50xi32, #tpu.memory_space<vmem>> -> memref<1x50xi32, #tpu.memory_space<vmem>>
    %dma_start3A_256 = tpu.memref_squeeze %dma_start3A_255 : memref<1x50xi32, #tpu.memory_space<vmem>> -> memref<50xi32, #tpu.memory_space<vmem>>
    %dma_start3A_257 = arith.constant 0 : i32
    %dma_start3A_258 = arith.constant 0 : i32
    %dma_start3A_259 = tpu.memref_slice %arg3[%dma_start3A_257, %dma_start3A_258] : memref<1000000x64xf32, #tpu.memory_space<hbm>> -> memref<1000000x64xf32, #tpu.memory_space<hbm>>
    tpu.enqueue_indirect_dma source(%dma_start3A_259 : memref<1000000x64xf32, #tpu.memory_space<hbm>>) target(%dma_start3A_249 : memref<50x64xf32, #tpu.memory_space<vmem>>) offsets(%dma_start3A_256 : memref<50xi32, #tpu.memory_space<vmem>>) semaphore(%arg8 : memref<!tpu.dma_semaphore, #tpu.memory_space<semaphore_mem>>)
    %dma_start3A_260 = arith.constant 1 : i32
    %dma_start3A_261 = arith.constant 3 : i32
    %dma_start3A_262 = arith.constant 1 : i32
    %dma_start3A_263 = arith.constant 3 : i32
    %dma_start3A_264 = arith.constant 0 : i32
    %dma_start3A_265 = arith.constant 0 : i32
    %dma_start3A_266 = arith.constant 0 : i32
    %dma_start3A_267 = tpu.memref_slice %arg6[%dma_start3A_262, %dma_start3A_264, %dma_start3A_265, %dma_start3A_266] : memref<2x8x50x64xf32, #tpu.memory_space<vmem>> -> memref<1x8x50x64xf32, #tpu.memory_space<vmem>>
    %dma_start3A_268 = tpu.memref_squeeze %dma_start3A_267 : memref<1x8x50x64xf32, #tpu.memory_space<vmem>> -> memref<8x50x64xf32, #tpu.memory_space<vmem>>
    %dma_start3A_269 = arith.constant 0 : i32
    %dma_start3A_270 = arith.constant 0 : i32
    %dma_start3A_271 = tpu.memref_slice %dma_start3A_268[%dma_start3A_263, %dma_start3A_269, %dma_start3A_270] : memref<8x50x64xf32, #tpu.memory_space<vmem>> -> memref<1x50x64xf32, #tpu.memory_space<vmem>>
    %dma_start3A_272 = tpu.memref_squeeze %dma_start3A_271 : memref<1x50x64xf32, #tpu.memory_space<vmem>> -> memref<50x64xf32, #tpu.memory_space<vmem>>
    %dma_start3A_273 = arith.constant 0 : i32
    %dma_start3A_274 = arith.constant 0 : i32
    %dma_start3A_275 = tpu.memref_slice %arg5[%dma_start3A_260, %dma_start3A_273, %dma_start3A_274] : memref<2x8x50xi32, #tpu.memory_space<vmem>> -> memref<1x8x50xi32, #tpu.memory_space<vmem>>
    %dma_start3A_276 = tpu.memref_squeeze %dma_start3A_275 : memref<1x8x50xi32, #tpu.memory_space<vmem>> -> memref<8x50xi32, #tpu.memory_space<vmem>>
    %dma_start3A_277 = arith.constant 0 : i32
    %dma_start3A_278 = tpu.memref_slice %dma_start3A_276[%dma_start3A_261, %dma_start3A_277] : memref<8x50xi32, #tpu.memory_space<vmem>> -> memref<1x50xi32, #tpu.memory_space<vmem>>
    %dma_start3A_279 = tpu.memref_squeeze %dma_start3A_278 : memref<1x50xi32, #tpu.memory_space<vmem>> -> memref<50xi32, #tpu.memory_space<vmem>>
    %dma_start3A_280 = arith.constant 0 : i32
    %dma_start3A_281 = arith.constant 0 : i32
    %dma_start3A_282 = tpu.memref_slice %arg3[%dma_start3A_280, %dma_start3A_281] : memref<1000000x64xf32, #tpu.memory_space<hbm>> -> memref<1000000x64xf32, #tpu.memory_space<hbm>>
    tpu.enqueue_indirect_dma source(%dma_start3A_282 : memref<1000000x64xf32, #tpu.memory_space<hbm>>) target(%dma_start3A_272 : memref<50x64xf32, #tpu.memory_space<vmem>>) offsets(%dma_start3A_279 : memref<50xi32, #tpu.memory_space<vmem>>) semaphore(%arg8 : memref<!tpu.dma_semaphore, #tpu.memory_space<semaphore_mem>>)
    %dma_start3A_283 = arith.constant 1 : i32
    %dma_start3A_284 = arith.constant 4 : i32
    %dma_start3A_285 = arith.constant 1 : i32
    %dma_start3A_286 = arith.constant 4 : i32
    %dma_start3A_287 = arith.constant 0 : i32
    %dma_start3A_288 = arith.constant 0 : i32
    %dma_start3A_289 = arith.constant 0 : i32
    %dma_start3A_290 = tpu.memref_slice %arg6[%dma_start3A_285, %dma_start3A_287, %dma_start3A_288, %dma_start3A_289] : memref<2x8x50x64xf32, #tpu.memory_space<vmem>> -> memref<1x8x50x64xf32, #tpu.memory_space<vmem>>
    %dma_start3A_291 = tpu.memref_squeeze %dma_start3A_290 : memref<1x8x50x64xf32, #tpu.memory_space<vmem>> -> memref<8x50x64xf32, #tpu.memory_space<vmem>>
    %dma_start3A_292 = arith.constant 0 : i32
    %dma_start3A_293 = arith.constant 0 : i32
    %dma_start3A_294 = tpu.memref_slice %dma_start3A_291[%dma_start3A_286, %dma_start3A_292, %dma_start3A_293] : memref<8x50x64xf32, #tpu.memory_space<vmem>> -> memref<1x50x64xf32, #tpu.memory_space<vmem>>
    %dma_start3A_295 = tpu.memref_squeeze %dma_start3A_294 : memref<1x50x64xf32, #tpu.memory_space<vmem>> -> memref<50x64xf32, #tpu.memory_space<vmem>>
    %dma_start3A_296 = arith.constant 0 : i32
    %dma_start3A_297 = arith.constant 0 : i32
    %dma_start3A_298 = tpu.memref_slice %arg5[%dma_start3A_283, %dma_start3A_296, %dma_start3A_297] : memref<2x8x50xi32, #tpu.memory_space<vmem>> -> memref<1x8x50xi32, #tpu.memory_space<vmem>>
    %dma_start3A_299 = tpu.memref_squeeze %dma_start3A_298 : memref<1x8x50xi32, #tpu.memory_space<vmem>> -> memref<8x50xi32, #tpu.memory_space<vmem>>
    %dma_start3A_300 = arith.constant 0 : i32
    %dma_start3A_301 = tpu.memref_slice %dma_start3A_299[%dma_start3A_284, %dma_start3A_300] : memref<8x50xi32, #tpu.memory_space<vmem>> -> memref<1x50xi32, #tpu.memory_space<vmem>>
    %dma_start3A_302 = tpu.memref_squeeze %dma_start3A_301 : memref<1x50xi32, #tpu.memory_space<vmem>> -> memref<50xi32, #tpu.memory_space<vmem>>
    %dma_start3A_303 = arith.constant 0 : i32
    %dma_start3A_304 = arith.constant 0 : i32
    %dma_start3A_305 = tpu.memref_slice %arg3[%dma_start3A_303, %dma_start3A_304] : memref<1000000x64xf32, #tpu.memory_space<hbm>> -> memref<1000000x64xf32, #tpu.memory_space<hbm>>
    tpu.enqueue_indirect_dma source(%dma_start3A_305 : memref<1000000x64xf32, #tpu.memory_space<hbm>>) target(%dma_start3A_295 : memref<50x64xf32, #tpu.memory_space<vmem>>) offsets(%dma_start3A_302 : memref<50xi32, #tpu.memory_space<vmem>>) semaphore(%arg8 : memref<!tpu.dma_semaphore, #tpu.memory_space<semaphore_mem>>)
    %dma_start3A_306 = arith.constant 1 : i32
    %dma_start3A_307 = arith.constant 5 : i32
    %dma_start3A_308 = arith.constant 1 : i32
    %dma_start3A_309 = arith.constant 5 : i32
    %dma_start3A_310 = arith.constant 0 : i32
    %dma_start3A_311 = arith.constant 0 : i32
    %dma_start3A_312 = arith.constant 0 : i32
    %dma_start3A_313 = tpu.memref_slice %arg6[%dma_start3A_308, %dma_start3A_310, %dma_start3A_311, %dma_start3A_312] : memref<2x8x50x64xf32, #tpu.memory_space<vmem>> -> memref<1x8x50x64xf32, #tpu.memory_space<vmem>>
    %dma_start3A_314 = tpu.memref_squeeze %dma_start3A_313 : memref<1x8x50x64xf32, #tpu.memory_space<vmem>> -> memref<8x50x64xf32, #tpu.memory_space<vmem>>
    %dma_start3A_315 = arith.constant 0 : i32
    %dma_start3A_316 = arith.constant 0 : i32
    %dma_start3A_317 = tpu.memref_slice %dma_start3A_314[%dma_start3A_309, %dma_start3A_315, %dma_start3A_316] : memref<8x50x64xf32, #tpu.memory_space<vmem>> -> memref<1x50x64xf32, #tpu.memory_space<vmem>>
    %dma_start3A_318 = tpu.memref_squeeze %dma_start3A_317 : memref<1x50x64xf32, #tpu.memory_space<vmem>> -> memref<50x64xf32, #tpu.memory_space<vmem>>
    %dma_start3A_319 = arith.constant 0 : i32
    %dma_start3A_320 = arith.constant 0 : i32
    %dma_start3A_321 = tpu.memref_slice %arg5[%dma_start3A_306, %dma_start3A_319, %dma_start3A_320] : memref<2x8x50xi32, #tpu.memory_space<vmem>> -> memref<1x8x50xi32, #tpu.memory_space<vmem>>
    %dma_start3A_322 = tpu.memref_squeeze %dma_start3A_321 : memref<1x8x50xi32, #tpu.memory_space<vmem>> -> memref<8x50xi32, #tpu.memory_space<vmem>>
    %dma_start3A_323 = arith.constant 0 : i32
    %dma_start3A_324 = tpu.memref_slice %dma_start3A_322[%dma_start3A_307, %dma_start3A_323] : memref<8x50xi32, #tpu.memory_space<vmem>> -> memref<1x50xi32, #tpu.memory_space<vmem>>
    %dma_start3A_325 = tpu.memref_squeeze %dma_start3A_324 : memref<1x50xi32, #tpu.memory_space<vmem>> -> memref<50xi32, #tpu.memory_space<vmem>>
    %dma_start3A_326 = arith.constant 0 : i32
    %dma_start3A_327 = arith.constant 0 : i32
    %dma_start3A_328 = tpu.memref_slice %arg3[%dma_start3A_326, %dma_start3A_327] : memref<1000000x64xf32, #tpu.memory_space<hbm>> -> memref<1000000x64xf32, #tpu.memory_space<hbm>>
    tpu.enqueue_indirect_dma source(%dma_start3A_328 : memref<1000000x64xf32, #tpu.memory_space<hbm>>) target(%dma_start3A_318 : memref<50x64xf32, #tpu.memory_space<vmem>>) offsets(%dma_start3A_325 : memref<50xi32, #tpu.memory_space<vmem>>) semaphore(%arg8 : memref<!tpu.dma_semaphore, #tpu.memory_space<semaphore_mem>>)
    %dma_start3A_329 = arith.constant 1 : i32
    %dma_start3A_330 = arith.constant 6 : i32
    %dma_start3A_331 = arith.constant 1 : i32
    %dma_start3A_332 = arith.constant 6 : i32
    %dma_start3A_333 = arith.constant 0 : i32
    %dma_start3A_334 = arith.constant 0 : i32
    %dma_start3A_335 = arith.constant 0 : i32
    %dma_start3A_336 = tpu.memref_slice %arg6[%dma_start3A_331, %dma_start3A_333, %dma_start3A_334, %dma_start3A_335] : memref<2x8x50x64xf32, #tpu.memory_space<vmem>> -> memref<1x8x50x64xf32, #tpu.memory_space<vmem>>
    %dma_start3A_337 = tpu.memref_squeeze %dma_start3A_336 : memref<1x8x50x64xf32, #tpu.memory_space<vmem>> -> memref<8x50x64xf32, #tpu.memory_space<vmem>>
    %dma_start3A_338 = arith.constant 0 : i32
    %dma_start3A_339 = arith.constant 0 : i32
    %dma_start3A_340 = tpu.memref_slice %dma_start3A_337[%dma_start3A_332, %dma_start3A_338, %dma_start3A_339] : memref<8x50x64xf32, #tpu.memory_space<vmem>> -> memref<1x50x64xf32, #tpu.memory_space<vmem>>
    %dma_start3A_341 = tpu.memref_squeeze %dma_start3A_340 : memref<1x50x64xf32, #tpu.memory_space<vmem>> -> memref<50x64xf32, #tpu.memory_space<vmem>>
    %dma_start3A_342 = arith.constant 0 : i32
    %dma_start3A_343 = arith.constant 0 : i32
    %dma_start3A_344 = tpu.memref_slice %arg5[%dma_start3A_329, %dma_start3A_342, %dma_start3A_343] : memref<2x8x50xi32, #tpu.memory_space<vmem>> -> memref<1x8x50xi32, #tpu.memory_space<vmem>>
    %dma_start3A_345 = tpu.memref_squeeze %dma_start3A_344 : memref<1x8x50xi32, #tpu.memory_space<vmem>> -> memref<8x50xi32, #tpu.memory_space<vmem>>
    %dma_start3A_346 = arith.constant 0 : i32
    %dma_start3A_347 = tpu.memref_slice %dma_start3A_345[%dma_start3A_330, %dma_start3A_346] : memref<8x50xi32, #tpu.memory_space<vmem>> -> memref<1x50xi32, #tpu.memory_space<vmem>>
    %dma_start3A_348 = tpu.memref_squeeze %dma_start3A_347 : memref<1x50xi32, #tpu.memory_space<vmem>> -> memref<50xi32, #tpu.memory_space<vmem>>
    %dma_start3A_349 = arith.constant 0 : i32
    %dma_start3A_350 = arith.constant 0 : i32
    %dma_start3A_351 = tpu.memref_slice %arg3[%dma_start3A_349, %dma_start3A_350] : memref<1000000x64xf32, #tpu.memory_space<hbm>> -> memref<1000000x64xf32, #tpu.memory_space<hbm>>
    tpu.enqueue_indirect_dma source(%dma_start3A_351 : memref<1000000x64xf32, #tpu.memory_space<hbm>>) target(%dma_start3A_341 : memref<50x64xf32, #tpu.memory_space<vmem>>) offsets(%dma_start3A_348 : memref<50xi32, #tpu.memory_space<vmem>>) semaphore(%arg8 : memref<!tpu.dma_semaphore, #tpu.memory_space<semaphore_mem>>)
    %dma_start3A_352 = arith.constant 1 : i32
    %dma_start3A_353 = arith.constant 7 : i32
    %dma_start3A_354 = arith.constant 1 : i32
    %dma_start3A_355 = arith.constant 7 : i32
    %dma_start3A_356 = arith.constant 0 : i32
    %dma_start3A_357 = arith.constant 0 : i32
    %dma_start3A_358 = arith.constant 0 : i32
    %dma_start3A_359 = tpu.memref_slice %arg6[%dma_start3A_354, %dma_start3A_356, %dma_start3A_357, %dma_start3A_358] : memref<2x8x50x64xf32, #tpu.memory_space<vmem>> -> memref<1x8x50x64xf32, #tpu.memory_space<vmem>>
    %dma_start3A_360 = tpu.memref_squeeze %dma_start3A_359 : memref<1x8x50x64xf32, #tpu.memory_space<vmem>> -> memref<8x50x64xf32, #tpu.memory_space<vmem>>
    %dma_start3A_361 = arith.constant 0 : i32
    %dma_start3A_362 = arith.constant 0 : i32
    %dma_start3A_363 = tpu.memref_slice %dma_start3A_360[%dma_start3A_355, %dma_start3A_361, %dma_start3A_362] : memref<8x50x64xf32, #tpu.memory_space<vmem>> -> memref<1x50x64xf32, #tpu.memory_space<vmem>>
    %dma_start3A_364 = tpu.memref_squeeze %dma_start3A_363 : memref<1x50x64xf32, #tpu.memory_space<vmem>> -> memref<50x64xf32, #tpu.memory_space<vmem>>
    %dma_start3A_365 = arith.constant 0 : i32
    %dma_start3A_366 = arith.constant 0 : i32
    %dma_start3A_367 = tpu.memref_slice %arg5[%dma_start3A_352, %dma_start3A_365, %dma_start3A_366] : memref<2x8x50xi32, #tpu.memory_space<vmem>> -> memref<1x8x50xi32, #tpu.memory_space<vmem>>
    %dma_start3A_368 = tpu.memref_squeeze %dma_start3A_367 : memref<1x8x50xi32, #tpu.memory_space<vmem>> -> memref<8x50xi32, #tpu.memory_space<vmem>>
    %dma_start3A_369 = arith.constant 0 : i32
    %dma_start3A_370 = tpu.memref_slice %dma_start3A_368[%dma_start3A_353, %dma_start3A_369] : memref<8x50xi32, #tpu.memory_space<vmem>> -> memref<1x50xi32, #tpu.memory_space<vmem>>
    %dma_start3A_371 = tpu.memref_squeeze %dma_start3A_370 : memref<1x50xi32, #tpu.memory_space<vmem>> -> memref<50xi32, #tpu.memory_space<vmem>>
    %dma_start3A_372 = arith.constant 0 : i32
    %dma_start3A_373 = arith.constant 0 : i32
    %dma_start3A_374 = tpu.memref_slice %arg3[%dma_start3A_372, %dma_start3A_373] : memref<1000000x64xf32, #tpu.memory_space<hbm>> -> memref<1000000x64xf32, #tpu.memory_space<hbm>>
    tpu.enqueue_indirect_dma source(%dma_start3A_374 : memref<1000000x64xf32, #tpu.memory_space<hbm>>) target(%dma_start3A_364 : memref<50x64xf32, #tpu.memory_space<vmem>>) offsets(%dma_start3A_371 : memref<50xi32, #tpu.memory_space<vmem>>) semaphore(%arg8 : memref<!tpu.dma_semaphore, #tpu.memory_space<semaphore_mem>>)
    %scan3A = arith.constant 0 : i32
    %scan3A_375 = arith.constant 31 : i32
    %scan3A_376 = arith.addi %scan3A, %scan3A_375 : i32
    %scan3A_377 = arith.constant 1 : i32
    scf.for %scan3A_752 = %scan3A to %scan3A_376 step %scan3A_377  : i32 {
      %mul3A_753 = arith.constant 2 : i32
      %mul3A_754 = arith.muli %scan3A_752, %mul3A_753 : i32
      %add3A_755 = arith.constant 0 : i32
      %add3A_756 = arith.addi %add3A_755, %mul3A_754 : i32
      %add3A_757 = arith.constant 0 : i32
      %add3A_758 = arith.addi %add3A_756, %add3A_757 : i32
      %dma_wait3A_759 = arith.constant 0 : i32
      %dma_wait3A_760 = arith.constant 0 : i32
      %dma_wait3A_761 = arith.constant 0 : i32
      %dma_wait3A_762 = arith.constant 0 : i32
      %dma_wait3A_763 = arith.constant 0 : i32
      %dma_wait3A_764 = arith.constant 0 : i32
      %dma_wait3A_765 = arith.constant 0 : i32
      %dma_wait3A_766 = tpu.memref_slice %arg6[%dma_wait3A_761, %dma_wait3A_763, %dma_wait3A_764, %dma_wait3A_765] : memref<2x8x50x64xf32, #tpu.memory_space<vmem>> -> memref<1x8x50x64xf32, #tpu.memory_space<vmem>>
      %dma_wait3A_767 = tpu.memref_squeeze %dma_wait3A_766 : memref<1x8x50x64xf32, #tpu.memory_space<vmem>> -> memref<8x50x64xf32, #tpu.memory_space<vmem>>
      %dma_wait3A_768 = arith.constant 0 : i32
      %dma_wait3A_769 = arith.constant 0 : i32
      %dma_wait3A_770 = tpu.memref_slice %dma_wait3A_767[%dma_wait3A_762, %dma_wait3A_768, %dma_wait3A_769] : memref<8x50x64xf32, #tpu.memory_space<vmem>> -> memref<1x50x64xf32, #tpu.memory_space<vmem>>
      %dma_wait3A_771 = tpu.memref_squeeze %dma_wait3A_770 : memref<1x50x64xf32, #tpu.memory_space<vmem>> -> memref<50x64xf32, #tpu.memory_space<vmem>>
      %dma_wait3A_772 = arith.constant 0 : i32
      %dma_wait3A_773 = arith.constant 0 : i32
      %dma_wait3A_774 = tpu.memref_slice %arg5[%dma_wait3A_759, %dma_wait3A_772, %dma_wait3A_773] : memref<2x8x50xi32, #tpu.memory_space<vmem>> -> memref<1x8x50xi32, #tpu.memory_space<vmem>>
      %dma_wait3A_775 = tpu.memref_squeeze %dma_wait3A_774 : memref<1x8x50xi32, #tpu.memory_space<vmem>> -> memref<8x50xi32, #tpu.memory_space<vmem>>
      %dma_wait3A_776 = arith.constant 0 : i32
      %dma_wait3A_777 = tpu.memref_slice %dma_wait3A_775[%dma_wait3A_760, %dma_wait3A_776] : memref<8x50xi32, #tpu.memory_space<vmem>> -> memref<1x50xi32, #tpu.memory_space<vmem>>
      %dma_wait3A_778 = tpu.memref_squeeze %dma_wait3A_777 : memref<1x50xi32, #tpu.memory_space<vmem>> -> memref<50xi32, #tpu.memory_space<vmem>>
      %dma_wait3A_779 = arith.constant 0 : i32
      %dma_wait3A_780 = arith.constant 0 : i32
      %dma_wait3A_781 = tpu.memref_slice %arg3[%dma_wait3A_779, %dma_wait3A_780] : memref<1000000x64xf32, #tpu.memory_space<hbm>> -> memref<1000000x64xf32, #tpu.memory_space<hbm>>
      tpu.wait_indirect_dma semaphore(%arg7 : memref<!tpu.dma_semaphore, #tpu.memory_space<semaphore_mem>>) src(%dma_wait3A_781 : memref<1000000x64xf32, #tpu.memory_space<hbm>>) dst(%dma_wait3A_771 : memref<50x64xf32, #tpu.memory_space<vmem>>)
      %dma_wait3A_782 = arith.constant 0 : i32
      %dma_wait3A_783 = arith.constant 1 : i32
      %dma_wait3A_784 = arith.constant 0 : i32
      %dma_wait3A_785 = arith.constant 1 : i32
      %dma_wait3A_786 = arith.constant 0 : i32
      %dma_wait3A_787 = arith.constant 0 : i32
      %dma_wait3A_788 = arith.constant 0 : i32
      %dma_wait3A_789 = tpu.memref_slice %arg6[%dma_wait3A_784, %dma_wait3A_786, %dma_wait3A_787, %dma_wait3A_788] : memref<2x8x50x64xf32, #tpu.memory_space<vmem>> -> memref<1x8x50x64xf32, #tpu.memory_space<vmem>>
      %dma_wait3A_790 = tpu.memref_squeeze %dma_wait3A_789 : memref<1x8x50x64xf32, #tpu.memory_space<vmem>> -> memref<8x50x64xf32, #tpu.memory_space<vmem>>
      %dma_wait3A_791 = arith.constant 0 : i32
      %dma_wait3A_792 = arith.constant 0 : i32
      %dma_wait3A_793 = tpu.memref_slice %dma_wait3A_790[%dma_wait3A_785, %dma_wait3A_791, %dma_wait3A_792] : memref<8x50x64xf32, #tpu.memory_space<vmem>> -> memref<1x50x64xf32, #tpu.memory_space<vmem>>
      %dma_wait3A_794 = tpu.memref_squeeze %dma_wait3A_793 : memref<1x50x64xf32, #tpu.memory_space<vmem>> -> memref<50x64xf32, #tpu.memory_space<vmem>>
      %dma_wait3A_795 = arith.constant 0 : i32
      %dma_wait3A_796 = arith.constant 0 : i32
      %dma_wait3A_797 = tpu.memref_slice %arg5[%dma_wait3A_782, %dma_wait3A_795, %dma_wait3A_796] : memref<2x8x50xi32, #tpu.memory_space<vmem>> -> memref<1x8x50xi32, #tpu.memory_space<vmem>>
      %dma_wait3A_798 = tpu.memref_squeeze %dma_wait3A_797 : memref<1x8x50xi32, #tpu.memory_space<vmem>> -> memref<8x50xi32, #tpu.memory_space<vmem>>
      %dma_wait3A_799 = arith.constant 0 : i32
      %dma_wait3A_800 = tpu.memref_slice %dma_wait3A_798[%dma_wait3A_783, %dma_wait3A_799] : memref<8x50xi32, #tpu.memory_space<vmem>> -> memref<1x50xi32, #tpu.memory_space<vmem>>
      %dma_wait3A_801 = tpu.memref_squeeze %dma_wait3A_800 : memref<1x50xi32, #tpu.memory_space<vmem>> -> memref<50xi32, #tpu.memory_space<vmem>>
      %dma_wait3A_802 = arith.constant 0 : i32
      %dma_wait3A_803 = arith.constant 0 : i32
      %dma_wait3A_804 = tpu.memref_slice %arg3[%dma_wait3A_802, %dma_wait3A_803] : memref<1000000x64xf32, #tpu.memory_space<hbm>> -> memref<1000000x64xf32, #tpu.memory_space<hbm>>
      tpu.wait_indirect_dma semaphore(%arg7 : memref<!tpu.dma_semaphore, #tpu.memory_space<semaphore_mem>>) src(%dma_wait3A_804 : memref<1000000x64xf32, #tpu.memory_space<hbm>>) dst(%dma_wait3A_794 : memref<50x64xf32, #tpu.memory_space<vmem>>)
      %dma_wait3A_805 = arith.constant 0 : i32
      %dma_wait3A_806 = arith.constant 2 : i32
      %dma_wait3A_807 = arith.constant 0 : i32
      %dma_wait3A_808 = arith.constant 2 : i32
      %dma_wait3A_809 = arith.constant 0 : i32
      %dma_wait3A_810 = arith.constant 0 : i32
      %dma_wait3A_811 = arith.constant 0 : i32
      %dma_wait3A_812 = tpu.memref_slice %arg6[%dma_wait3A_807, %dma_wait3A_809, %dma_wait3A_810, %dma_wait3A_811] : memref<2x8x50x64xf32, #tpu.memory_space<vmem>> -> memref<1x8x50x64xf32, #tpu.memory_space<vmem>>
      %dma_wait3A_813 = tpu.memref_squeeze %dma_wait3A_812 : memref<1x8x50x64xf32, #tpu.memory_space<vmem>> -> memref<8x50x64xf32, #tpu.memory_space<vmem>>
      %dma_wait3A_814 = arith.constant 0 : i32
      %dma_wait3A_815 = arith.constant 0 : i32
      %dma_wait3A_816 = tpu.memref_slice %dma_wait3A_813[%dma_wait3A_808, %dma_wait3A_814, %dma_wait3A_815] : memref<8x50x64xf32, #tpu.memory_space<vmem>> -> memref<1x50x64xf32, #tpu.memory_space<vmem>>
      %dma_wait3A_817 = tpu.memref_squeeze %dma_wait3A_816 : memref<1x50x64xf32, #tpu.memory_space<vmem>> -> memref<50x64xf32, #tpu.memory_space<vmem>>
      %dma_wait3A_818 = arith.constant 0 : i32
      %dma_wait3A_819 = arith.constant 0 : i32
      %dma_wait3A_820 = tpu.memref_slice %arg5[%dma_wait3A_805, %dma_wait3A_818, %dma_wait3A_819] : memref<2x8x50xi32, #tpu.memory_space<vmem>> -> memref<1x8x50xi32, #tpu.memory_space<vmem>>
      %dma_wait3A_821 = tpu.memref_squeeze %dma_wait3A_820 : memref<1x8x50xi32, #tpu.memory_space<vmem>> -> memref<8x50xi32, #tpu.memory_space<vmem>>
      %dma_wait3A_822 = arith.constant 0 : i32
      %dma_wait3A_823 = tpu.memref_slice %dma_wait3A_821[%dma_wait3A_806, %dma_wait3A_822] : memref<8x50xi32, #tpu.memory_space<vmem>> -> memref<1x50xi32, #tpu.memory_space<vmem>>
      %dma_wait3A_824 = tpu.memref_squeeze %dma_wait3A_823 : memref<1x50xi32, #tpu.memory_space<vmem>> -> memref<50xi32, #tpu.memory_space<vmem>>
      %dma_wait3A_825 = arith.constant 0 : i32
      %dma_wait3A_826 = arith.constant 0 : i32
      %dma_wait3A_827 = tpu.memref_slice %arg3[%dma_wait3A_825, %dma_wait3A_826] : memref<1000000x64xf32, #tpu.memory_space<hbm>> -> memref<1000000x64xf32, #tpu.memory_space<hbm>>
      tpu.wait_indirect_dma semaphore(%arg7 : memref<!tpu.dma_semaphore, #tpu.memory_space<semaphore_mem>>) src(%dma_wait3A_827 : memref<1000000x64xf32, #tpu.memory_space<hbm>>) dst(%dma_wait3A_817 : memref<50x64xf32, #tpu.memory_space<vmem>>)
      %dma_wait3A_828 = arith.constant 0 : i32
      %dma_wait3A_829 = arith.constant 3 : i32
      %dma_wait3A_830 = arith.constant 0 : i32
      %dma_wait3A_831 = arith.constant 3 : i32
      %dma_wait3A_832 = arith.constant 0 : i32
      %dma_wait3A_833 = arith.constant 0 : i32
      %dma_wait3A_834 = arith.constant 0 : i32
      %dma_wait3A_835 = tpu.memref_slice %arg6[%dma_wait3A_830, %dma_wait3A_832, %dma_wait3A_833, %dma_wait3A_834] : memref<2x8x50x64xf32, #tpu.memory_space<vmem>> -> memref<1x8x50x64xf32, #tpu.memory_space<vmem>>
      %dma_wait3A_836 = tpu.memref_squeeze %dma_wait3A_835 : memref<1x8x50x64xf32, #tpu.memory_space<vmem>> -> memref<8x50x64xf32, #tpu.memory_space<vmem>>
      %dma_wait3A_837 = arith.constant 0 : i32
      %dma_wait3A_838 = arith.constant 0 : i32
      %dma_wait3A_839 = tpu.memref_slice %dma_wait3A_836[%dma_wait3A_831, %dma_wait3A_837, %dma_wait3A_838] : memref<8x50x64xf32, #tpu.memory_space<vmem>> -> memref<1x50x64xf32, #tpu.memory_space<vmem>>
      %dma_wait3A_840 = tpu.memref_squeeze %dma_wait3A_839 : memref<1x50x64xf32, #tpu.memory_space<vmem>> -> memref<50x64xf32, #tpu.memory_space<vmem>>
      %dma_wait3A_841 = arith.constant 0 : i32
      %dma_wait3A_842 = arith.constant 0 : i32
      %dma_wait3A_843 = tpu.memref_slice %arg5[%dma_wait3A_828, %dma_wait3A_841, %dma_wait3A_842] : memref<2x8x50xi32, #tpu.memory_space<vmem>> -> memref<1x8x50xi32, #tpu.memory_space<vmem>>
      %dma_wait3A_844 = tpu.memref_squeeze %dma_wait3A_843 : memref<1x8x50xi32, #tpu.memory_space<vmem>> -> memref<8x50xi32, #tpu.memory_space<vmem>>
      %dma_wait3A_845 = arith.constant 0 : i32
      %dma_wait3A_846 = tpu.memref_slice %dma_wait3A_844[%dma_wait3A_829, %dma_wait3A_845] : memref<8x50xi32, #tpu.memory_space<vmem>> -> memref<1x50xi32, #tpu.memory_space<vmem>>
      %dma_wait3A_847 = tpu.memref_squeeze %dma_wait3A_846 : memref<1x50xi32, #tpu.memory_space<vmem>> -> memref<50xi32, #tpu.memory_space<vmem>>
      %dma_wait3A_848 = arith.constant 0 : i32
      %dma_wait3A_849 = arith.constant 0 : i32
      %dma_wait3A_850 = tpu.memref_slice %arg3[%dma_wait3A_848, %dma_wait3A_849] : memref<1000000x64xf32, #tpu.memory_space<hbm>> -> memref<1000000x64xf32, #tpu.memory_space<hbm>>
      tpu.wait_indirect_dma semaphore(%arg7 : memref<!tpu.dma_semaphore, #tpu.memory_space<semaphore_mem>>) src(%dma_wait3A_850 : memref<1000000x64xf32, #tpu.memory_space<hbm>>) dst(%dma_wait3A_840 : memref<50x64xf32, #tpu.memory_space<vmem>>)
      %dma_wait3A_851 = arith.constant 0 : i32
      %dma_wait3A_852 = arith.constant 4 : i32
      %dma_wait3A_853 = arith.constant 0 : i32
      %dma_wait3A_854 = arith.constant 4 : i32
      %dma_wait3A_855 = arith.constant 0 : i32
      %dma_wait3A_856 = arith.constant 0 : i32
      %dma_wait3A_857 = arith.constant 0 : i32
      %dma_wait3A_858 = tpu.memref_slice %arg6[%dma_wait3A_853, %dma_wait3A_855, %dma_wait3A_856, %dma_wait3A_857] : memref<2x8x50x64xf32, #tpu.memory_space<vmem>> -> memref<1x8x50x64xf32, #tpu.memory_space<vmem>>
      %dma_wait3A_859 = tpu.memref_squeeze %dma_wait3A_858 : memref<1x8x50x64xf32, #tpu.memory_space<vmem>> -> memref<8x50x64xf32, #tpu.memory_space<vmem>>
      %dma_wait3A_860 = arith.constant 0 : i32
      %dma_wait3A_861 = arith.constant 0 : i32
      %dma_wait3A_862 = tpu.memref_slice %dma_wait3A_859[%dma_wait3A_854, %dma_wait3A_860, %dma_wait3A_861] : memref<8x50x64xf32, #tpu.memory_space<vmem>> -> memref<1x50x64xf32, #tpu.memory_space<vmem>>
      %dma_wait3A_863 = tpu.memref_squeeze %dma_wait3A_862 : memref<1x50x64xf32, #tpu.memory_space<vmem>> -> memref<50x64xf32, #tpu.memory_space<vmem>>
      %dma_wait3A_864 = arith.constant 0 : i32
      %dma_wait3A_865 = arith.constant 0 : i32
      %dma_wait3A_866 = tpu.memref_slice %arg5[%dma_wait3A_851, %dma_wait3A_864, %dma_wait3A_865] : memref<2x8x50xi32, #tpu.memory_space<vmem>> -> memref<1x8x50xi32, #tpu.memory_space<vmem>>
      %dma_wait3A_867 = tpu.memref_squeeze %dma_wait3A_866 : memref<1x8x50xi32, #tpu.memory_space<vmem>> -> memref<8x50xi32, #tpu.memory_space<vmem>>
      %dma_wait3A_868 = arith.constant 0 : i32
      %dma_wait3A_869 = tpu.memref_slice %dma_wait3A_867[%dma_wait3A_852, %dma_wait3A_868] : memref<8x50xi32, #tpu.memory_space<vmem>> -> memref<1x50xi32, #tpu.memory_space<vmem>>
      %dma_wait3A_870 = tpu.memref_squeeze %dma_wait3A_869 : memref<1x50xi32, #tpu.memory_space<vmem>> -> memref<50xi32, #tpu.memory_space<vmem>>
      %dma_wait3A_871 = arith.constant 0 : i32
      %dma_wait3A_872 = arith.constant 0 : i32
      %dma_wait3A_873 = tpu.memref_slice %arg3[%dma_wait3A_871, %dma_wait3A_872] : memref<1000000x64xf32, #tpu.memory_space<hbm>> -> memref<1000000x64xf32, #tpu.memory_space<hbm>>
      tpu.wait_indirect_dma semaphore(%arg7 : memref<!tpu.dma_semaphore, #tpu.memory_space<semaphore_mem>>) src(%dma_wait3A_873 : memref<1000000x64xf32, #tpu.memory_space<hbm>>) dst(%dma_wait3A_863 : memref<50x64xf32, #tpu.memory_space<vmem>>)
      %dma_wait3A_874 = arith.constant 0 : i32
      %dma_wait3A_875 = arith.constant 5 : i32
      %dma_wait3A_876 = arith.constant 0 : i32
      %dma_wait3A_877 = arith.constant 5 : i32
      %dma_wait3A_878 = arith.constant 0 : i32
      %dma_wait3A_879 = arith.constant 0 : i32
      %dma_wait3A_880 = arith.constant 0 : i32
      %dma_wait3A_881 = tpu.memref_slice %arg6[%dma_wait3A_876, %dma_wait3A_878, %dma_wait3A_879, %dma_wait3A_880] : memref<2x8x50x64xf32, #tpu.memory_space<vmem>> -> memref<1x8x50x64xf32, #tpu.memory_space<vmem>>
      %dma_wait3A_882 = tpu.memref_squeeze %dma_wait3A_881 : memref<1x8x50x64xf32, #tpu.memory_space<vmem>> -> memref<8x50x64xf32, #tpu.memory_space<vmem>>
      %dma_wait3A_883 = arith.constant 0 : i32
      %dma_wait3A_884 = arith.constant 0 : i32
      %dma_wait3A_885 = tpu.memref_slice %dma_wait3A_882[%dma_wait3A_877, %dma_wait3A_883, %dma_wait3A_884] : memref<8x50x64xf32, #tpu.memory_space<vmem>> -> memref<1x50x64xf32, #tpu.memory_space<vmem>>
      %dma_wait3A_886 = tpu.memref_squeeze %dma_wait3A_885 : memref<1x50x64xf32, #tpu.memory_space<vmem>> -> memref<50x64xf32, #tpu.memory_space<vmem>>
      %dma_wait3A_887 = arith.constant 0 : i32
      %dma_wait3A_888 = arith.constant 0 : i32
      %dma_wait3A_889 = tpu.memref_slice %arg5[%dma_wait3A_874, %dma_wait3A_887, %dma_wait3A_888] : memref<2x8x50xi32, #tpu.memory_space<vmem>> -> memref<1x8x50xi32, #tpu.memory_space<vmem>>
      %dma_wait3A_890 = tpu.memref_squeeze %dma_wait3A_889 : memref<1x8x50xi32, #tpu.memory_space<vmem>> -> memref<8x50xi32, #tpu.memory_space<vmem>>
      %dma_wait3A_891 = arith.constant 0 : i32
      %dma_wait3A_892 = tpu.memref_slice %dma_wait3A_890[%dma_wait3A_875, %dma_wait3A_891] : memref<8x50xi32, #tpu.memory_space<vmem>> -> memref<1x50xi32, #tpu.memory_space<vmem>>
      %dma_wait3A_893 = tpu.memref_squeeze %dma_wait3A_892 : memref<1x50xi32, #tpu.memory_space<vmem>> -> memref<50xi32, #tpu.memory_space<vmem>>
      %dma_wait3A_894 = arith.constant 0 : i32
      %dma_wait3A_895 = arith.constant 0 : i32
      %dma_wait3A_896 = tpu.memref_slice %arg3[%dma_wait3A_894, %dma_wait3A_895] : memref<1000000x64xf32, #tpu.memory_space<hbm>> -> memref<1000000x64xf32, #tpu.memory_space<hbm>>
      tpu.wait_indirect_dma semaphore(%arg7 : memref<!tpu.dma_semaphore, #tpu.memory_space<semaphore_mem>>) src(%dma_wait3A_896 : memref<1000000x64xf32, #tpu.memory_space<hbm>>) dst(%dma_wait3A_886 : memref<50x64xf32, #tpu.memory_space<vmem>>)
      %dma_wait3A_897 = arith.constant 0 : i32
      %dma_wait3A_898 = arith.constant 6 : i32
      %dma_wait3A_899 = arith.constant 0 : i32
      %dma_wait3A_900 = arith.constant 6 : i32
      %dma_wait3A_901 = arith.constant 0 : i32
      %dma_wait3A_902 = arith.constant 0 : i32
      %dma_wait3A_903 = arith.constant 0 : i32
      %dma_wait3A_904 = tpu.memref_slice %arg6[%dma_wait3A_899, %dma_wait3A_901, %dma_wait3A_902, %dma_wait3A_903] : memref<2x8x50x64xf32, #tpu.memory_space<vmem>> -> memref<1x8x50x64xf32, #tpu.memory_space<vmem>>
      %dma_wait3A_905 = tpu.memref_squeeze %dma_wait3A_904 : memref<1x8x50x64xf32, #tpu.memory_space<vmem>> -> memref<8x50x64xf32, #tpu.memory_space<vmem>>
      %dma_wait3A_906 = arith.constant 0 : i32
      %dma_wait3A_907 = arith.constant 0 : i32
      %dma_wait3A_908 = tpu.memref_slice %dma_wait3A_905[%dma_wait3A_900, %dma_wait3A_906, %dma_wait3A_907] : memref<8x50x64xf32, #tpu.memory_space<vmem>> -> memref<1x50x64xf32, #tpu.memory_space<vmem>>
      %dma_wait3A_909 = tpu.memref_squeeze %dma_wait3A_908 : memref<1x50x64xf32, #tpu.memory_space<vmem>> -> memref<50x64xf32, #tpu.memory_space<vmem>>
      %dma_wait3A_910 = arith.constant 0 : i32
      %dma_wait3A_911 = arith.constant 0 : i32
      %dma_wait3A_912 = tpu.memref_slice %arg5[%dma_wait3A_897, %dma_wait3A_910, %dma_wait3A_911] : memref<2x8x50xi32, #tpu.memory_space<vmem>> -> memref<1x8x50xi32, #tpu.memory_space<vmem>>
      %dma_wait3A_913 = tpu.memref_squeeze %dma_wait3A_912 : memref<1x8x50xi32, #tpu.memory_space<vmem>> -> memref<8x50xi32, #tpu.memory_space<vmem>>
      %dma_wait3A_914 = arith.constant 0 : i32
      %dma_wait3A_915 = tpu.memref_slice %dma_wait3A_913[%dma_wait3A_898, %dma_wait3A_914] : memref<8x50xi32, #tpu.memory_space<vmem>> -> memref<1x50xi32, #tpu.memory_space<vmem>>
      %dma_wait3A_916 = tpu.memref_squeeze %dma_wait3A_915 : memref<1x50xi32, #tpu.memory_space<vmem>> -> memref<50xi32, #tpu.memory_space<vmem>>
      %dma_wait3A_917 = arith.constant 0 : i32
      %dma_wait3A_918 = arith.constant 0 : i32
      %dma_wait3A_919 = tpu.memref_slice %arg3[%dma_wait3A_917, %dma_wait3A_918] : memref<1000000x64xf32, #tpu.memory_space<hbm>> -> memref<1000000x64xf32, #tpu.memory_space<hbm>>
      tpu.wait_indirect_dma semaphore(%arg7 : memref<!tpu.dma_semaphore, #tpu.memory_space<semaphore_mem>>) src(%dma_wait3A_919 : memref<1000000x64xf32, #tpu.memory_space<hbm>>) dst(%dma_wait3A_909 : memref<50x64xf32, #tpu.memory_space<vmem>>)
      %dma_wait3A_920 = arith.constant 0 : i32
      %dma_wait3A_921 = arith.constant 7 : i32
      %dma_wait3A_922 = arith.constant 0 : i32
      %dma_wait3A_923 = arith.constant 7 : i32
      %dma_wait3A_924 = arith.constant 0 : i32
      %dma_wait3A_925 = arith.constant 0 : i32
      %dma_wait3A_926 = arith.constant 0 : i32
      %dma_wait3A_927 = tpu.memref_slice %arg6[%dma_wait3A_922, %dma_wait3A_924, %dma_wait3A_925, %dma_wait3A_926] : memref<2x8x50x64xf32, #tpu.memory_space<vmem>> -> memref<1x8x50x64xf32, #tpu.memory_space<vmem>>
      %dma_wait3A_928 = tpu.memref_squeeze %dma_wait3A_927 : memref<1x8x50x64xf32, #tpu.memory_space<vmem>> -> memref<8x50x64xf32, #tpu.memory_space<vmem>>
      %dma_wait3A_929 = arith.constant 0 : i32
      %dma_wait3A_930 = arith.constant 0 : i32
      %dma_wait3A_931 = tpu.memref_slice %dma_wait3A_928[%dma_wait3A_923, %dma_wait3A_929, %dma_wait3A_930] : memref<8x50x64xf32, #tpu.memory_space<vmem>> -> memref<1x50x64xf32, #tpu.memory_space<vmem>>
      %dma_wait3A_932 = tpu.memref_squeeze %dma_wait3A_931 : memref<1x50x64xf32, #tpu.memory_space<vmem>> -> memref<50x64xf32, #tpu.memory_space<vmem>>
      %dma_wait3A_933 = arith.constant 0 : i32
      %dma_wait3A_934 = arith.constant 0 : i32
      %dma_wait3A_935 = tpu.memref_slice %arg5[%dma_wait3A_920, %dma_wait3A_933, %dma_wait3A_934] : memref<2x8x50xi32, #tpu.memory_space<vmem>> -> memref<1x8x50xi32, #tpu.memory_space<vmem>>
      %dma_wait3A_936 = tpu.memref_squeeze %dma_wait3A_935 : memref<1x8x50xi32, #tpu.memory_space<vmem>> -> memref<8x50xi32, #tpu.memory_space<vmem>>
      %dma_wait3A_937 = arith.constant 0 : i32
      %dma_wait3A_938 = tpu.memref_slice %dma_wait3A_936[%dma_wait3A_921, %dma_wait3A_937] : memref<8x50xi32, #tpu.memory_space<vmem>> -> memref<1x50xi32, #tpu.memory_space<vmem>>
      %dma_wait3A_939 = tpu.memref_squeeze %dma_wait3A_938 : memref<1x50xi32, #tpu.memory_space<vmem>> -> memref<50xi32, #tpu.memory_space<vmem>>
      %dma_wait3A_940 = arith.constant 0 : i32
      %dma_wait3A_941 = arith.constant 0 : i32
      %dma_wait3A_942 = tpu.memref_slice %arg3[%dma_wait3A_940, %dma_wait3A_941] : memref<1000000x64xf32, #tpu.memory_space<hbm>> -> memref<1000000x64xf32, #tpu.memory_space<hbm>>
      tpu.wait_indirect_dma semaphore(%arg7 : memref<!tpu.dma_semaphore, #tpu.memory_space<semaphore_mem>>) src(%dma_wait3A_942 : memref<1000000x64xf32, #tpu.memory_space<hbm>>) dst(%dma_wait3A_932 : memref<50x64xf32, #tpu.memory_space<vmem>>)
      %mul3A_943 = arith.constant 8 : i32
      %mul3A_944 = arith.muli %add3A_758, %mul3A_943 : i32
      %add3A_945 = arith.addi %mul3A_2, %mul3A_944 : i32
      %run_scoped3A_946 = arith.constant 0 : i32
      "tpu.region"() ({
        %run_scoped3A_1521 = tpu.sem_alloc : memref<!tpu.dma_semaphore, #tpu.memory_space<semaphore_mem>>
        %dma_start3A_1522 = arith.constant 0 : i32
        %dma_start3A_1523 = arith.constant 0 : i32
        %dma_start3A_1524 = arith.constant 0 : i32
        %dma_start3A_1525 = tpu.memref_slice %arg6[%run_scoped3A_946, %dma_start3A_1522, %dma_start3A_1523, %dma_start3A_1524] : memref<2x8x50x64xf32, #tpu.memory_space<vmem>> -> memref<1x8x50x64xf32, #tpu.memory_space<vmem>>
        %dma_start3A_1526 = tpu.memref_squeeze %dma_start3A_1525 : memref<1x8x50x64xf32, #tpu.memory_space<vmem>> -> memref<8x50x64xf32, #tpu.memory_space<vmem>>
        %dma_start3A_1527 = arith.constant 0 : i32
        %dma_start3A_1528 = arith.constant 0 : i32
        %dma_start3A_1529 = tpu.memref_slice %arg4[%add3A_945, %dma_start3A_1527, %dma_start3A_1528] : memref<16384x50x64xf32, #tpu.memory_space<hbm>> -> memref<8x50x64xf32, #tpu.memory_space<hbm>>
        %dma_start3A_1530 = arith.constant 0 : i32
        %dma_start3A_1531 = arith.constant 0 : i32
        %dma_start3A_1532 = tpu.memref_slice %arg4[%add3A_945, %dma_start3A_1530, %dma_start3A_1531] : memref<16384x50x64xf32, #tpu.memory_space<hbm>> -> memref<8x50x64xf32, #tpu.memory_space<hbm>>
        %dma_start3A_1533 = arith.constant 0 : i32
        %dma_start3A_1534 = arith.constant 0 : i32
        %dma_start3A_1535 = arith.constant 0 : i32
        %dma_start3A_1536 = tpu.memref_slice %arg6[%run_scoped3A_946, %dma_start3A_1533, %dma_start3A_1534, %dma_start3A_1535] : memref<2x8x50x64xf32, #tpu.memory_space<vmem>> -> memref<1x8x50x64xf32, #tpu.memory_space<vmem>>
        %dma_start3A_1537 = tpu.memref_squeeze %dma_start3A_1536 : memref<1x8x50x64xf32, #tpu.memory_space<vmem>> -> memref<8x50x64xf32, #tpu.memory_space<vmem>>
        tpu.enqueue_dma source(%dma_start3A_1537 : memref<8x50x64xf32, #tpu.memory_space<vmem>>) target(%dma_start3A_1532 : memref<8x50x64xf32, #tpu.memory_space<hbm>>) target_semaphore(%run_scoped3A_1521 : memref<!tpu.dma_semaphore, #tpu.memory_space<semaphore_mem>>)
        %dma_wait3A_1538 = arith.constant 0 : i32
        %dma_wait3A_1539 = arith.constant 0 : i32
        %dma_wait3A_1540 = arith.constant 0 : i32
        %dma_wait3A_1541 = tpu.memref_slice %arg6[%run_scoped3A_946, %dma_wait3A_1538, %dma_wait3A_1539, %dma_wait3A_1540] : memref<2x8x50x64xf32, #tpu.memory_space<vmem>> -> memref<1x8x50x64xf32, #tpu.memory_space<vmem>>
        %dma_wait3A_1542 = tpu.memref_squeeze %dma_wait3A_1541 : memref<1x8x50x64xf32, #tpu.memory_space<vmem>> -> memref<8x50x64xf32, #tpu.memory_space<vmem>>
        %dma_wait3A_1543 = arith.constant 0 : i32
        %dma_wait3A_1544 = arith.constant 0 : i32
        %dma_wait3A_1545 = tpu.memref_slice %arg4[%add3A_945, %dma_wait3A_1543, %dma_wait3A_1544] : memref<16384x50x64xf32, #tpu.memory_space<hbm>> -> memref<8x50x64xf32, #tpu.memory_space<hbm>>
        %dma_wait3A_1546 = arith.constant 0 : i32
        %dma_wait3A_1547 = arith.constant 0 : i32
        %dma_wait3A_1548 = tpu.memref_slice %arg4[%add3A_945, %dma_wait3A_1546, %dma_wait3A_1547] : memref<16384x50x64xf32, #tpu.memory_space<hbm>> -> memref<8x50x64xf32, #tpu.memory_space<hbm>>
        %dma_wait3A_1549 = arith.constant 0 : i32
        %dma_wait3A_1550 = arith.constant 0 : i32
        %dma_wait3A_1551 = arith.constant 0 : i32
        %dma_wait3A_1552 = tpu.memref_slice %arg6[%run_scoped3A_946, %dma_wait3A_1549, %dma_wait3A_1550, %dma_wait3A_1551] : memref<2x8x50x64xf32, #tpu.memory_space<vmem>> -> memref<1x8x50x64xf32, #tpu.memory_space<vmem>>
        %dma_wait3A_1553 = tpu.memref_squeeze %dma_wait3A_1552 : memref<1x8x50x64xf32, #tpu.memory_space<vmem>> -> memref<8x50x64xf32, #tpu.memory_space<vmem>>
        tpu.wait_dma2 semaphore(%run_scoped3A_1521 : memref<!tpu.dma_semaphore, #tpu.memory_space<semaphore_mem>>) src(%dma_wait3A_1553 : memref<8x50x64xf32, #tpu.memory_space<vmem>>) dst(%dma_wait3A_1548 : memref<8x50x64xf32, #tpu.memory_space<hbm>>)
        tpu.yield
      }) : () -> ()
      %add3A_947 = arith.constant 0 : i32
      %add3A_948 = arith.addi %add3A_756, %add3A_947 : i32
      %add3A_949 = arith.constant 2 : i32
      %add3A_950 = arith.addi %add3A_948, %add3A_949 : i32
      %mul3A_951 = arith.constant 8 : i32
      %mul3A_952 = arith.muli %add3A_950, %mul3A_951 : i32
      %add3A_953 = arith.addi %mul3A_2, %mul3A_952 : i32
      %run_scoped3A_954 = arith.constant 0 : i32
      "tpu.region"() ({
        %run_scoped3A_1521 = tpu.sem_alloc : memref<!tpu.dma_semaphore, #tpu.memory_space<semaphore_mem>>
        %dma_start3A_1522 = arith.constant 0 : i32
        %dma_start3A_1523 = arith.constant 0 : i32
        %dma_start3A_1524 = tpu.memref_slice %arg5[%run_scoped3A_954, %dma_start3A_1522, %dma_start3A_1523] : memref<2x8x50xi32, #tpu.memory_space<vmem>> -> memref<1x8x50xi32, #tpu.memory_space<vmem>>
        %dma_start3A_1525 = tpu.memref_squeeze %dma_start3A_1524 : memref<1x8x50xi32, #tpu.memory_space<vmem>> -> memref<8x50xi32, #tpu.memory_space<vmem>>
        %dma_start3A_1526 = arith.constant 0 : i32
        %dma_start3A_1527 = tpu.memref_slice %arg2[%add3A_953, %dma_start3A_1526] : memref<16384x50xi32, #tpu.memory_space<hbm>> -> memref<8x50xi32, #tpu.memory_space<hbm>>
        %dma_start3A_1528 = arith.constant 0 : i32
        %dma_start3A_1529 = arith.constant 0 : i32
        %dma_start3A_1530 = tpu.memref_slice %arg5[%run_scoped3A_954, %dma_start3A_1528, %dma_start3A_1529] : memref<2x8x50xi32, #tpu.memory_space<vmem>> -> memref<1x8x50xi32, #tpu.memory_space<vmem>>
        %dma_start3A_1531 = tpu.memref_squeeze %dma_start3A_1530 : memref<1x8x50xi32, #tpu.memory_space<vmem>> -> memref<8x50xi32, #tpu.memory_space<vmem>>
        %dma_start3A_1532 = arith.constant 0 : i32
        %dma_start3A_1533 = tpu.memref_slice %arg2[%add3A_953, %dma_start3A_1532] : memref<16384x50xi32, #tpu.memory_space<hbm>> -> memref<8x50xi32, #tpu.memory_space<hbm>>
        tpu.enqueue_dma source(%dma_start3A_1533 : memref<8x50xi32, #tpu.memory_space<hbm>>) target(%dma_start3A_1531 : memref<8x50xi32, #tpu.memory_space<vmem>>) target_semaphore(%run_scoped3A_1521 : memref<!tpu.dma_semaphore, #tpu.memory_space<semaphore_mem>>)
        %dma_wait3A_1534 = arith.constant 0 : i32
        %dma_wait3A_1535 = arith.constant 0 : i32
        %dma_wait3A_1536 = tpu.memref_slice %arg5[%run_scoped3A_954, %dma_wait3A_1534, %dma_wait3A_1535] : memref<2x8x50xi32, #tpu.memory_space<vmem>> -> memref<1x8x50xi32, #tpu.memory_space<vmem>>
        %dma_wait3A_1537 = tpu.memref_squeeze %dma_wait3A_1536 : memref<1x8x50xi32, #tpu.memory_space<vmem>> -> memref<8x50xi32, #tpu.memory_space<vmem>>
        %dma_wait3A_1538 = arith.constant 0 : i32
        %dma_wait3A_1539 = tpu.memref_slice %arg2[%add3A_953, %dma_wait3A_1538] : memref<16384x50xi32, #tpu.memory_space<hbm>> -> memref<8x50xi32, #tpu.memory_space<hbm>>
        %dma_wait3A_1540 = arith.constant 0 : i32
        %dma_wait3A_1541 = arith.constant 0 : i32
        %dma_wait3A_1542 = tpu.memref_slice %arg5[%run_scoped3A_954, %dma_wait3A_1540, %dma_wait3A_1541] : memref<2x8x50xi32, #tpu.memory_space<vmem>> -> memref<1x8x50xi32, #tpu.memory_space<vmem>>
        %dma_wait3A_1543 = tpu.memref_squeeze %dma_wait3A_1542 : memref<1x8x50xi32, #tpu.memory_space<vmem>> -> memref<8x50xi32, #tpu.memory_space<vmem>>
        %dma_wait3A_1544 = arith.constant 0 : i32
        %dma_wait3A_1545 = tpu.memref_slice %arg2[%add3A_953, %dma_wait3A_1544] : memref<16384x50xi32, #tpu.memory_space<hbm>> -> memref<8x50xi32, #tpu.memory_space<hbm>>
        tpu.wait_dma2 semaphore(%run_scoped3A_1521 : memref<!tpu.dma_semaphore, #tpu.memory_space<semaphore_mem>>) src(%dma_wait3A_1545 : memref<8x50xi32, #tpu.memory_space<hbm>>) dst(%dma_wait3A_1543 : memref<8x50xi32, #tpu.memory_space<vmem>>)
        tpu.yield
      }) : () -> ()
      %dma_start3A_955 = arith.constant 0 : i32
      %dma_start3A_956 = arith.constant 0 : i32
      %dma_start3A_957 = arith.constant 0 : i32
      %dma_start3A_958 = arith.constant 0 : i32
      %dma_start3A_959 = arith.constant 0 : i32
      %dma_start3A_960 = arith.constant 0 : i32
      %dma_start3A_961 = arith.constant 0 : i32
      %dma_start3A_962 = tpu.memref_slice %arg6[%dma_start3A_957, %dma_start3A_959, %dma_start3A_960, %dma_start3A_961] : memref<2x8x50x64xf32, #tpu.memory_space<vmem>> -> memref<1x8x50x64xf32, #tpu.memory_space<vmem>>
      %dma_start3A_963 = tpu.memref_squeeze %dma_start3A_962 : memref<1x8x50x64xf32, #tpu.memory_space<vmem>> -> memref<8x50x64xf32, #tpu.memory_space<vmem>>
      %dma_start3A_964 = arith.constant 0 : i32
      %dma_start3A_965 = arith.constant 0 : i32
      %dma_start3A_966 = tpu.memref_slice %dma_start3A_963[%dma_start3A_958, %dma_start3A_964, %dma_start3A_965] : memref<8x50x64xf32, #tpu.memory_space<vmem>> -> memref<1x50x64xf32, #tpu.memory_space<vmem>>
      %dma_start3A_967 = tpu.memref_squeeze %dma_start3A_966 : memref<1x50x64xf32, #tpu.memory_space<vmem>> -> memref<50x64xf32, #tpu.memory_space<vmem>>
      %dma_start3A_968 = arith.constant 0 : i32
      %dma_start3A_969 = arith.constant 0 : i32
      %dma_start3A_970 = tpu.memref_slice %arg5[%dma_start3A_955, %dma_start3A_968, %dma_start3A_969] : memref<2x8x50xi32, #tpu.memory_space<vmem>> -> memref<1x8x50xi32, #tpu.memory_space<vmem>>
      %dma_start3A_971 = tpu.memref_squeeze %dma_start3A_970 : memref<1x8x50xi32, #tpu.memory_space<vmem>> -> memref<8x50xi32, #tpu.memory_space<vmem>>
      %dma_start3A_972 = arith.constant 0 : i32
      %dma_start3A_973 = tpu.memref_slice %dma_start3A_971[%dma_start3A_956, %dma_start3A_972] : memref<8x50xi32, #tpu.memory_space<vmem>> -> memref<1x50xi32, #tpu.memory_space<vmem>>
      %dma_start3A_974 = tpu.memref_squeeze %dma_start3A_973 : memref<1x50xi32, #tpu.memory_space<vmem>> -> memref<50xi32, #tpu.memory_space<vmem>>
      %dma_start3A_975 = arith.constant 0 : i32
      %dma_start3A_976 = arith.constant 0 : i32
      %dma_start3A_977 = tpu.memref_slice %arg3[%dma_start3A_975, %dma_start3A_976] : memref<1000000x64xf32, #tpu.memory_space<hbm>> -> memref<1000000x64xf32, #tpu.memory_space<hbm>>
      tpu.enqueue_indirect_dma source(%dma_start3A_977 : memref<1000000x64xf32, #tpu.memory_space<hbm>>) target(%dma_start3A_967 : memref<50x64xf32, #tpu.memory_space<vmem>>) offsets(%dma_start3A_974 : memref<50xi32, #tpu.memory_space<vmem>>) semaphore(%arg7 : memref<!tpu.dma_semaphore, #tpu.memory_space<semaphore_mem>>)
      %dma_start3A_978 = arith.constant 0 : i32
      %dma_start3A_979 = arith.constant 1 : i32
      %dma_start3A_980 = arith.constant 0 : i32
      %dma_start3A_981 = arith.constant 1 : i32
      %dma_start3A_982 = arith.constant 0 : i32
      %dma_start3A_983 = arith.constant 0 : i32
      %dma_start3A_984 = arith.constant 0 : i32
      %dma_start3A_985 = tpu.memref_slice %arg6[%dma_start3A_980, %dma_start3A_982, %dma_start3A_983, %dma_start3A_984] : memref<2x8x50x64xf32, #tpu.memory_space<vmem>> -> memref<1x8x50x64xf32, #tpu.memory_space<vmem>>
      %dma_start3A_986 = tpu.memref_squeeze %dma_start3A_985 : memref<1x8x50x64xf32, #tpu.memory_space<vmem>> -> memref<8x50x64xf32, #tpu.memory_space<vmem>>
      %dma_start3A_987 = arith.constant 0 : i32
      %dma_start3A_988 = arith.constant 0 : i32
      %dma_start3A_989 = tpu.memref_slice %dma_start3A_986[%dma_start3A_981, %dma_start3A_987, %dma_start3A_988] : memref<8x50x64xf32, #tpu.memory_space<vmem>> -> memref<1x50x64xf32, #tpu.memory_space<vmem>>
      %dma_start3A_990 = tpu.memref_squeeze %dma_start3A_989 : memref<1x50x64xf32, #tpu.memory_space<vmem>> -> memref<50x64xf32, #tpu.memory_space<vmem>>
      %dma_start3A_991 = arith.constant 0 : i32
      %dma_start3A_992 = arith.constant 0 : i32
      %dma_start3A_993 = tpu.memref_slice %arg5[%dma_start3A_978, %dma_start3A_991, %dma_start3A_992] : memref<2x8x50xi32, #tpu.memory_space<vmem>> -> memref<1x8x50xi32, #tpu.memory_space<vmem>>
      %dma_start3A_994 = tpu.memref_squeeze %dma_start3A_993 : memref<1x8x50xi32, #tpu.memory_space<vmem>> -> memref<8x50xi32, #tpu.memory_space<vmem>>
      %dma_start3A_995 = arith.constant 0 : i32
      %dma_start3A_996 = tpu.memref_slice %dma_start3A_994[%dma_start3A_979, %dma_start3A_995] : memref<8x50xi32, #tpu.memory_space<vmem>> -> memref<1x50xi32, #tpu.memory_space<vmem>>
      %dma_start3A_997 = tpu.memref_squeeze %dma_start3A_996 : memref<1x50xi32, #tpu.memory_space<vmem>> -> memref<50xi32, #tpu.memory_space<vmem>>
      %dma_start3A_998 = arith.constant 0 : i32
      %dma_start3A_999 = arith.constant 0 : i32
      %dma_start3A_1000 = tpu.memref_slice %arg3[%dma_start3A_998, %dma_start3A_999] : memref<1000000x64xf32, #tpu.memory_space<hbm>> -> memref<1000000x64xf32, #tpu.memory_space<hbm>>
      tpu.enqueue_indirect_dma source(%dma_start3A_1000 : memref<1000000x64xf32, #tpu.memory_space<hbm>>) target(%dma_start3A_990 : memref<50x64xf32, #tpu.memory_space<vmem>>) offsets(%dma_start3A_997 : memref<50xi32, #tpu.memory_space<vmem>>) semaphore(%arg7 : memref<!tpu.dma_semaphore, #tpu.memory_space<semaphore_mem>>)
      %dma_start3A_1001 = arith.constant 0 : i32
      %dma_start3A_1002 = arith.constant 2 : i32
      %dma_start3A_1003 = arith.constant 0 : i32
      %dma_start3A_1004 = arith.constant 2 : i32
      %dma_start3A_1005 = arith.constant 0 : i32
      %dma_start3A_1006 = arith.constant 0 : i32
      %dma_start3A_1007 = arith.constant 0 : i32
      %dma_start3A_1008 = tpu.memref_slice %arg6[%dma_start3A_1003, %dma_start3A_1005, %dma_start3A_1006, %dma_start3A_1007] : memref<2x8x50x64xf32, #tpu.memory_space<vmem>> -> memref<1x8x50x64xf32, #tpu.memory_space<vmem>>
      %dma_start3A_1009 = tpu.memref_squeeze %dma_start3A_1008 : memref<1x8x50x64xf32, #tpu.memory_space<vmem>> -> memref<8x50x64xf32, #tpu.memory_space<vmem>>
      %dma_start3A_1010 = arith.constant 0 : i32
      %dma_start3A_1011 = arith.constant 0 : i32
      %dma_start3A_1012 = tpu.memref_slice %dma_start3A_1009[%dma_start3A_1004, %dma_start3A_1010, %dma_start3A_1011] : memref<8x50x64xf32, #tpu.memory_space<vmem>> -> memref<1x50x64xf32, #tpu.memory_space<vmem>>
      %dma_start3A_1013 = tpu.memref_squeeze %dma_start3A_1012 : memref<1x50x64xf32, #tpu.memory_space<vmem>> -> memref<50x64xf32, #tpu.memory_space<vmem>>
      %dma_start3A_1014 = arith.constant 0 : i32
      %dma_start3A_1015 = arith.constant 0 : i32
      %dma_start3A_1016 = tpu.memref_slice %arg5[%dma_start3A_1001, %dma_start3A_1014, %dma_start3A_1015] : memref<2x8x50xi32, #tpu.memory_space<vmem>> -> memref<1x8x50xi32, #tpu.memory_space<vmem>>
      %dma_start3A_1017 = tpu.memref_squeeze %dma_start3A_1016 : memref<1x8x50xi32, #tpu.memory_space<vmem>> -> memref<8x50xi32, #tpu.memory_space<vmem>>
      %dma_start3A_1018 = arith.constant 0 : i32
      %dma_start3A_1019 = tpu.memref_slice %dma_start3A_1017[%dma_start3A_1002, %dma_start3A_1018] : memref<8x50xi32, #tpu.memory_space<vmem>> -> memref<1x50xi32, #tpu.memory_space<vmem>>
      %dma_start3A_1020 = tpu.memref_squeeze %dma_start3A_1019 : memref<1x50xi32, #tpu.memory_space<vmem>> -> memref<50xi32, #tpu.memory_space<vmem>>
      %dma_start3A_1021 = arith.constant 0 : i32
      %dma_start3A_1022 = arith.constant 0 : i32
      %dma_start3A_1023 = tpu.memref_slice %arg3[%dma_start3A_1021, %dma_start3A_1022] : memref<1000000x64xf32, #tpu.memory_space<hbm>> -> memref<1000000x64xf32, #tpu.memory_space<hbm>>
      tpu.enqueue_indirect_dma source(%dma_start3A_1023 : memref<1000000x64xf32, #tpu.memory_space<hbm>>) target(%dma_start3A_1013 : memref<50x64xf32, #tpu.memory_space<vmem>>) offsets(%dma_start3A_1020 : memref<50xi32, #tpu.memory_space<vmem>>) semaphore(%arg7 : memref<!tpu.dma_semaphore, #tpu.memory_space<semaphore_mem>>)
      %dma_start3A_1024 = arith.constant 0 : i32
      %dma_start3A_1025 = arith.constant 3 : i32
      %dma_start3A_1026 = arith.constant 0 : i32
      %dma_start3A_1027 = arith.constant 3 : i32
      %dma_start3A_1028 = arith.constant 0 : i32
      %dma_start3A_1029 = arith.constant 0 : i32
      %dma_start3A_1030 = arith.constant 0 : i32
      %dma_start3A_1031 = tpu.memref_slice %arg6[%dma_start3A_1026, %dma_start3A_1028, %dma_start3A_1029, %dma_start3A_1030] : memref<2x8x50x64xf32, #tpu.memory_space<vmem>> -> memref<1x8x50x64xf32, #tpu.memory_space<vmem>>
      %dma_start3A_1032 = tpu.memref_squeeze %dma_start3A_1031 : memref<1x8x50x64xf32, #tpu.memory_space<vmem>> -> memref<8x50x64xf32, #tpu.memory_space<vmem>>
      %dma_start3A_1033 = arith.constant 0 : i32
      %dma_start3A_1034 = arith.constant 0 : i32
      %dma_start3A_1035 = tpu.memref_slice %dma_start3A_1032[%dma_start3A_1027, %dma_start3A_1033, %dma_start3A_1034] : memref<8x50x64xf32, #tpu.memory_space<vmem>> -> memref<1x50x64xf32, #tpu.memory_space<vmem>>
      %dma_start3A_1036 = tpu.memref_squeeze %dma_start3A_1035 : memref<1x50x64xf32, #tpu.memory_space<vmem>> -> memref<50x64xf32, #tpu.memory_space<vmem>>
      %dma_start3A_1037 = arith.constant 0 : i32
      %dma_start3A_1038 = arith.constant 0 : i32
      %dma_start3A_1039 = tpu.memref_slice %arg5[%dma_start3A_1024, %dma_start3A_1037, %dma_start3A_1038] : memref<2x8x50xi32, #tpu.memory_space<vmem>> -> memref<1x8x50xi32, #tpu.memory_space<vmem>>
      %dma_start3A_1040 = tpu.memref_squeeze %dma_start3A_1039 : memref<1x8x50xi32, #tpu.memory_space<vmem>> -> memref<8x50xi32, #tpu.memory_space<vmem>>
      %dma_start3A_1041 = arith.constant 0 : i32
      %dma_start3A_1042 = tpu.memref_slice %dma_start3A_1040[%dma_start3A_1025, %dma_start3A_1041] : memref<8x50xi32, #tpu.memory_space<vmem>> -> memref<1x50xi32, #tpu.memory_space<vmem>>
      %dma_start3A_1043 = tpu.memref_squeeze %dma_start3A_1042 : memref<1x50xi32, #tpu.memory_space<vmem>> -> memref<50xi32, #tpu.memory_space<vmem>>
      %dma_start3A_1044 = arith.constant 0 : i32
      %dma_start3A_1045 = arith.constant 0 : i32
      %dma_start3A_1046 = tpu.memref_slice %arg3[%dma_start3A_1044, %dma_start3A_1045] : memref<1000000x64xf32, #tpu.memory_space<hbm>> -> memref<1000000x64xf32, #tpu.memory_space<hbm>>
      tpu.enqueue_indirect_dma source(%dma_start3A_1046 : memref<1000000x64xf32, #tpu.memory_space<hbm>>) target(%dma_start3A_1036 : memref<50x64xf32, #tpu.memory_space<vmem>>) offsets(%dma_start3A_1043 : memref<50xi32, #tpu.memory_space<vmem>>) semaphore(%arg7 : memref<!tpu.dma_semaphore, #tpu.memory_space<semaphore_mem>>)
      %dma_start3A_1047 = arith.constant 0 : i32
      %dma_start3A_1048 = arith.constant 4 : i32
      %dma_start3A_1049 = arith.constant 0 : i32
      %dma_start3A_1050 = arith.constant 4 : i32
      %dma_start3A_1051 = arith.constant 0 : i32
      %dma_start3A_1052 = arith.constant 0 : i32
      %dma_start3A_1053 = arith.constant 0 : i32
      %dma_start3A_1054 = tpu.memref_slice %arg6[%dma_start3A_1049, %dma_start3A_1051, %dma_start3A_1052, %dma_start3A_1053] : memref<2x8x50x64xf32, #tpu.memory_space<vmem>> -> memref<1x8x50x64xf32, #tpu.memory_space<vmem>>
      %dma_start3A_1055 = tpu.memref_squeeze %dma_start3A_1054 : memref<1x8x50x64xf32, #tpu.memory_space<vmem>> -> memref<8x50x64xf32, #tpu.memory_space<vmem>>
      %dma_start3A_1056 = arith.constant 0 : i32
      %dma_start3A_1057 = arith.constant 0 : i32
      %dma_start3A_1058 = tpu.memref_slice %dma_start3A_1055[%dma_start3A_1050, %dma_start3A_1056, %dma_start3A_1057] : memref<8x50x64xf32, #tpu.memory_space<vmem>> -> memref<1x50x64xf32, #tpu.memory_space<vmem>>
      %dma_start3A_1059 = tpu.memref_squeeze %dma_start3A_1058 : memref<1x50x64xf32, #tpu.memory_space<vmem>> -> memref<50x64xf32, #tpu.memory_space<vmem>>
      %dma_start3A_1060 = arith.constant 0 : i32
      %dma_start3A_1061 = arith.constant 0 : i32
      %dma_start3A_1062 = tpu.memref_slice %arg5[%dma_start3A_1047, %dma_start3A_1060, %dma_start3A_1061] : memref<2x8x50xi32, #tpu.memory_space<vmem>> -> memref<1x8x50xi32, #tpu.memory_space<vmem>>
      %dma_start3A_1063 = tpu.memref_squeeze %dma_start3A_1062 : memref<1x8x50xi32, #tpu.memory_space<vmem>> -> memref<8x50xi32, #tpu.memory_space<vmem>>
      %dma_start3A_1064 = arith.constant 0 : i32
      %dma_start3A_1065 = tpu.memref_slice %dma_start3A_1063[%dma_start3A_1048, %dma_start3A_1064] : memref<8x50xi32, #tpu.memory_space<vmem>> -> memref<1x50xi32, #tpu.memory_space<vmem>>
      %dma_start3A_1066 = tpu.memref_squeeze %dma_start3A_1065 : memref<1x50xi32, #tpu.memory_space<vmem>> -> memref<50xi32, #tpu.memory_space<vmem>>
      %dma_start3A_1067 = arith.constant 0 : i32
      %dma_start3A_1068 = arith.constant 0 : i32
      %dma_start3A_1069 = tpu.memref_slice %arg3[%dma_start3A_1067, %dma_start3A_1068] : memref<1000000x64xf32, #tpu.memory_space<hbm>> -> memref<1000000x64xf32, #tpu.memory_space<hbm>>
      tpu.enqueue_indirect_dma source(%dma_start3A_1069 : memref<1000000x64xf32, #tpu.memory_space<hbm>>) target(%dma_start3A_1059 : memref<50x64xf32, #tpu.memory_space<vmem>>) offsets(%dma_start3A_1066 : memref<50xi32, #tpu.memory_space<vmem>>) semaphore(%arg7 : memref<!tpu.dma_semaphore, #tpu.memory_space<semaphore_mem>>)
      %dma_start3A_1070 = arith.constant 0 : i32
      %dma_start3A_1071 = arith.constant 5 : i32
      %dma_start3A_1072 = arith.constant 0 : i32
      %dma_start3A_1073 = arith.constant 5 : i32
      %dma_start3A_1074 = arith.constant 0 : i32
      %dma_start3A_1075 = arith.constant 0 : i32
      %dma_start3A_1076 = arith.constant 0 : i32
      %dma_start3A_1077 = tpu.memref_slice %arg6[%dma_start3A_1072, %dma_start3A_1074, %dma_start3A_1075, %dma_start3A_1076] : memref<2x8x50x64xf32, #tpu.memory_space<vmem>> -> memref<1x8x50x64xf32, #tpu.memory_space<vmem>>
      %dma_start3A_1078 = tpu.memref_squeeze %dma_start3A_1077 : memref<1x8x50x64xf32, #tpu.memory_space<vmem>> -> memref<8x50x64xf32, #tpu.memory_space<vmem>>
      %dma_start3A_1079 = arith.constant 0 : i32
      %dma_start3A_1080 = arith.constant 0 : i32
      %dma_start3A_1081 = tpu.memref_slice %dma_start3A_1078[%dma_start3A_1073, %dma_start3A_1079, %dma_start3A_1080] : memref<8x50x64xf32, #tpu.memory_space<vmem>> -> memref<1x50x64xf32, #tpu.memory_space<vmem>>
      %dma_start3A_1082 = tpu.memref_squeeze %dma_start3A_1081 : memref<1x50x64xf32, #tpu.memory_space<vmem>> -> memref<50x64xf32, #tpu.memory_space<vmem>>
      %dma_start3A_1083 = arith.constant 0 : i32
      %dma_start3A_1084 = arith.constant 0 : i32
      %dma_start3A_1085 = tpu.memref_slice %arg5[%dma_start3A_1070, %dma_start3A_1083, %dma_start3A_1084] : memref<2x8x50xi32, #tpu.memory_space<vmem>> -> memref<1x8x50xi32, #tpu.memory_space<vmem>>
      %dma_start3A_1086 = tpu.memref_squeeze %dma_start3A_1085 : memref<1x8x50xi32, #tpu.memory_space<vmem>> -> memref<8x50xi32, #tpu.memory_space<vmem>>
      %dma_start3A_1087 = arith.constant 0 : i32
      %dma_start3A_1088 = tpu.memref_slice %dma_start3A_1086[%dma_start3A_1071, %dma_start3A_1087] : memref<8x50xi32, #tpu.memory_space<vmem>> -> memref<1x50xi32, #tpu.memory_space<vmem>>
      %dma_start3A_1089 = tpu.memref_squeeze %dma_start3A_1088 : memref<1x50xi32, #tpu.memory_space<vmem>> -> memref<50xi32, #tpu.memory_space<vmem>>
      %dma_start3A_1090 = arith.constant 0 : i32
      %dma_start3A_1091 = arith.constant 0 : i32
      %dma_start3A_1092 = tpu.memref_slice %arg3[%dma_start3A_1090, %dma_start3A_1091] : memref<1000000x64xf32, #tpu.memory_space<hbm>> -> memref<1000000x64xf32, #tpu.memory_space<hbm>>
      tpu.enqueue_indirect_dma source(%dma_start3A_1092 : memref<1000000x64xf32, #tpu.memory_space<hbm>>) target(%dma_start3A_1082 : memref<50x64xf32, #tpu.memory_space<vmem>>) offsets(%dma_start3A_1089 : memref<50xi32, #tpu.memory_space<vmem>>) semaphore(%arg7 : memref<!tpu.dma_semaphore, #tpu.memory_space<semaphore_mem>>)
      %dma_start3A_1093 = arith.constant 0 : i32
      %dma_start3A_1094 = arith.constant 6 : i32
      %dma_start3A_1095 = arith.constant 0 : i32
      %dma_start3A_1096 = arith.constant 6 : i32
      %dma_start3A_1097 = arith.constant 0 : i32
      %dma_start3A_1098 = arith.constant 0 : i32
      %dma_start3A_1099 = arith.constant 0 : i32
      %dma_start3A_1100 = tpu.memref_slice %arg6[%dma_start3A_1095, %dma_start3A_1097, %dma_start3A_1098, %dma_start3A_1099] : memref<2x8x50x64xf32, #tpu.memory_space<vmem>> -> memref<1x8x50x64xf32, #tpu.memory_space<vmem>>
      %dma_start3A_1101 = tpu.memref_squeeze %dma_start3A_1100 : memref<1x8x50x64xf32, #tpu.memory_space<vmem>> -> memref<8x50x64xf32, #tpu.memory_space<vmem>>
      %dma_start3A_1102 = arith.constant 0 : i32
      %dma_start3A_1103 = arith.constant 0 : i32
      %dma_start3A_1104 = tpu.memref_slice %dma_start3A_1101[%dma_start3A_1096, %dma_start3A_1102, %dma_start3A_1103] : memref<8x50x64xf32, #tpu.memory_space<vmem>> -> memref<1x50x64xf32, #tpu.memory_space<vmem>>
      %dma_start3A_1105 = tpu.memref_squeeze %dma_start3A_1104 : memref<1x50x64xf32, #tpu.memory_space<vmem>> -> memref<50x64xf32, #tpu.memory_space<vmem>>
      %dma_start3A_1106 = arith.constant 0 : i32
      %dma_start3A_1107 = arith.constant 0 : i32
      %dma_start3A_1108 = tpu.memref_slice %arg5[%dma_start3A_1093, %dma_start3A_1106, %dma_start3A_1107] : memref<2x8x50xi32, #tpu.memory_space<vmem>> -> memref<1x8x50xi32, #tpu.memory_space<vmem>>
      %dma_start3A_1109 = tpu.memref_squeeze %dma_start3A_1108 : memref<1x8x50xi32, #tpu.memory_space<vmem>> -> memref<8x50xi32, #tpu.memory_space<vmem>>
      %dma_start3A_1110 = arith.constant 0 : i32
      %dma_start3A_1111 = tpu.memref_slice %dma_start3A_1109[%dma_start3A_1094, %dma_start3A_1110] : memref<8x50xi32, #tpu.memory_space<vmem>> -> memref<1x50xi32, #tpu.memory_space<vmem>>
      %dma_start3A_1112 = tpu.memref_squeeze %dma_start3A_1111 : memref<1x50xi32, #tpu.memory_space<vmem>> -> memref<50xi32, #tpu.memory_space<vmem>>
      %dma_start3A_1113 = arith.constant 0 : i32
      %dma_start3A_1114 = arith.constant 0 : i32
      %dma_start3A_1115 = tpu.memref_slice %arg3[%dma_start3A_1113, %dma_start3A_1114] : memref<1000000x64xf32, #tpu.memory_space<hbm>> -> memref<1000000x64xf32, #tpu.memory_space<hbm>>
      tpu.enqueue_indirect_dma source(%dma_start3A_1115 : memref<1000000x64xf32, #tpu.memory_space<hbm>>) target(%dma_start3A_1105 : memref<50x64xf32, #tpu.memory_space<vmem>>) offsets(%dma_start3A_1112 : memref<50xi32, #tpu.memory_space<vmem>>) semaphore(%arg7 : memref<!tpu.dma_semaphore, #tpu.memory_space<semaphore_mem>>)
      %dma_start3A_1116 = arith.constant 0 : i32
      %dma_start3A_1117 = arith.constant 7 : i32
      %dma_start3A_1118 = arith.constant 0 : i32
      %dma_start3A_1119 = arith.constant 7 : i32
      %dma_start3A_1120 = arith.constant 0 : i32
      %dma_start3A_1121 = arith.constant 0 : i32
      %dma_start3A_1122 = arith.constant 0 : i32
      %dma_start3A_1123 = tpu.memref_slice %arg6[%dma_start3A_1118, %dma_start3A_1120, %dma_start3A_1121, %dma_start3A_1122] : memref<2x8x50x64xf32, #tpu.memory_space<vmem>> -> memref<1x8x50x64xf32, #tpu.memory_space<vmem>>
      %dma_start3A_1124 = tpu.memref_squeeze %dma_start3A_1123 : memref<1x8x50x64xf32, #tpu.memory_space<vmem>> -> memref<8x50x64xf32, #tpu.memory_space<vmem>>
      %dma_start3A_1125 = arith.constant 0 : i32
      %dma_start3A_1126 = arith.constant 0 : i32
      %dma_start3A_1127 = tpu.memref_slice %dma_start3A_1124[%dma_start3A_1119, %dma_start3A_1125, %dma_start3A_1126] : memref<8x50x64xf32, #tpu.memory_space<vmem>> -> memref<1x50x64xf32, #tpu.memory_space<vmem>>
      %dma_start3A_1128 = tpu.memref_squeeze %dma_start3A_1127 : memref<1x50x64xf32, #tpu.memory_space<vmem>> -> memref<50x64xf32, #tpu.memory_space<vmem>>
      %dma_start3A_1129 = arith.constant 0 : i32
      %dma_start3A_1130 = arith.constant 0 : i32
      %dma_start3A_1131 = tpu.memref_slice %arg5[%dma_start3A_1116, %dma_start3A_1129, %dma_start3A_1130] : memref<2x8x50xi32, #tpu.memory_space<vmem>> -> memref<1x8x50xi32, #tpu.memory_space<vmem>>
      %dma_start3A_1132 = tpu.memref_squeeze %dma_start3A_1131 : memref<1x8x50xi32, #tpu.memory_space<vmem>> -> memref<8x50xi32, #tpu.memory_space<vmem>>
      %dma_start3A_1133 = arith.constant 0 : i32
      %dma_start3A_1134 = tpu.memref_slice %dma_start3A_1132[%dma_start3A_1117, %dma_start3A_1133] : memref<8x50xi32, #tpu.memory_space<vmem>> -> memref<1x50xi32, #tpu.memory_space<vmem>>
      %dma_start3A_1135 = tpu.memref_squeeze %dma_start3A_1134 : memref<1x50xi32, #tpu.memory_space<vmem>> -> memref<50xi32, #tpu.memory_space<vmem>>
      %dma_start3A_1136 = arith.constant 0 : i32
      %dma_start3A_1137 = arith.constant 0 : i32
      %dma_start3A_1138 = tpu.memref_slice %arg3[%dma_start3A_1136, %dma_start3A_1137] : memref<1000000x64xf32, #tpu.memory_space<hbm>> -> memref<1000000x64xf32, #tpu.memory_space<hbm>>
      tpu.enqueue_indirect_dma source(%dma_start3A_1138 : memref<1000000x64xf32, #tpu.memory_space<hbm>>) target(%dma_start3A_1128 : memref<50x64xf32, #tpu.memory_space<vmem>>) offsets(%dma_start3A_1135 : memref<50xi32, #tpu.memory_space<vmem>>) semaphore(%arg7 : memref<!tpu.dma_semaphore, #tpu.memory_space<semaphore_mem>>)
      %add3A_1139 = arith.constant 1 : i32
      %add3A_1140 = arith.addi %add3A_756, %add3A_1139 : i32
      %dma_wait3A_1141 = arith.constant 1 : i32
      %dma_wait3A_1142 = arith.constant 0 : i32
      %dma_wait3A_1143 = arith.constant 1 : i32
      %dma_wait3A_1144 = arith.constant 0 : i32
      %dma_wait3A_1145 = arith.constant 0 : i32
      %dma_wait3A_1146 = arith.constant 0 : i32
      %dma_wait3A_1147 = arith.constant 0 : i32
      %dma_wait3A_1148 = tpu.memref_slice %arg6[%dma_wait3A_1143, %dma_wait3A_1145, %dma_wait3A_1146, %dma_wait3A_1147] : memref<2x8x50x64xf32, #tpu.memory_space<vmem>> -> memref<1x8x50x64xf32, #tpu.memory_space<vmem>>
      %dma_wait3A_1149 = tpu.memref_squeeze %dma_wait3A_1148 : memref<1x8x50x64xf32, #tpu.memory_space<vmem>> -> memref<8x50x64xf32, #tpu.memory_space<vmem>>
      %dma_wait3A_1150 = arith.constant 0 : i32
      %dma_wait3A_1151 = arith.constant 0 : i32
      %dma_wait3A_1152 = tpu.memref_slice %dma_wait3A_1149[%dma_wait3A_1144, %dma_wait3A_1150, %dma_wait3A_1151] : memref<8x50x64xf32, #tpu.memory_space<vmem>> -> memref<1x50x64xf32, #tpu.memory_space<vmem>>
      %dma_wait3A_1153 = tpu.memref_squeeze %dma_wait3A_1152 : memref<1x50x64xf32, #tpu.memory_space<vmem>> -> memref<50x64xf32, #tpu.memory_space<vmem>>
      %dma_wait3A_1154 = arith.constant 0 : i32
      %dma_wait3A_1155 = arith.constant 0 : i32
      %dma_wait3A_1156 = tpu.memref_slice %arg5[%dma_wait3A_1141, %dma_wait3A_1154, %dma_wait3A_1155] : memref<2x8x50xi32, #tpu.memory_space<vmem>> -> memref<1x8x50xi32, #tpu.memory_space<vmem>>
      %dma_wait3A_1157 = tpu.memref_squeeze %dma_wait3A_1156 : memref<1x8x50xi32, #tpu.memory_space<vmem>> -> memref<8x50xi32, #tpu.memory_space<vmem>>
      %dma_wait3A_1158 = arith.constant 0 : i32
      %dma_wait3A_1159 = tpu.memref_slice %dma_wait3A_1157[%dma_wait3A_1142, %dma_wait3A_1158] : memref<8x50xi32, #tpu.memory_space<vmem>> -> memref<1x50xi32, #tpu.memory_space<vmem>>
      %dma_wait3A_1160 = tpu.memref_squeeze %dma_wait3A_1159 : memref<1x50xi32, #tpu.memory_space<vmem>> -> memref<50xi32, #tpu.memory_space<vmem>>
      %dma_wait3A_1161 = arith.constant 0 : i32
      %dma_wait3A_1162 = arith.constant 0 : i32
      %dma_wait3A_1163 = tpu.memref_slice %arg3[%dma_wait3A_1161, %dma_wait3A_1162] : memref<1000000x64xf32, #tpu.memory_space<hbm>> -> memref<1000000x64xf32, #tpu.memory_space<hbm>>
      tpu.wait_indirect_dma semaphore(%arg8 : memref<!tpu.dma_semaphore, #tpu.memory_space<semaphore_mem>>) src(%dma_wait3A_1163 : memref<1000000x64xf32, #tpu.memory_space<hbm>>) dst(%dma_wait3A_1153 : memref<50x64xf32, #tpu.memory_space<vmem>>)
      %dma_wait3A_1164 = arith.constant 1 : i32
      %dma_wait3A_1165 = arith.constant 1 : i32
      %dma_wait3A_1166 = arith.constant 1 : i32
      %dma_wait3A_1167 = arith.constant 1 : i32
      %dma_wait3A_1168 = arith.constant 0 : i32
      %dma_wait3A_1169 = arith.constant 0 : i32
      %dma_wait3A_1170 = arith.constant 0 : i32
      %dma_wait3A_1171 = tpu.memref_slice %arg6[%dma_wait3A_1166, %dma_wait3A_1168, %dma_wait3A_1169, %dma_wait3A_1170] : memref<2x8x50x64xf32, #tpu.memory_space<vmem>> -> memref<1x8x50x64xf32, #tpu.memory_space<vmem>>
      %dma_wait3A_1172 = tpu.memref_squeeze %dma_wait3A_1171 : memref<1x8x50x64xf32, #tpu.memory_space<vmem>> -> memref<8x50x64xf32, #tpu.memory_space<vmem>>
      %dma_wait3A_1173 = arith.constant 0 : i32
      %dma_wait3A_1174 = arith.constant 0 : i32
      %dma_wait3A_1175 = tpu.memref_slice %dma_wait3A_1172[%dma_wait3A_1167, %dma_wait3A_1173, %dma_wait3A_1174] : memref<8x50x64xf32, #tpu.memory_space<vmem>> -> memref<1x50x64xf32, #tpu.memory_space<vmem>>
      %dma_wait3A_1176 = tpu.memref_squeeze %dma_wait3A_1175 : memref<1x50x64xf32, #tpu.memory_space<vmem>> -> memref<50x64xf32, #tpu.memory_space<vmem>>
      %dma_wait3A_1177 = arith.constant 0 : i32
      %dma_wait3A_1178 = arith.constant 0 : i32
      %dma_wait3A_1179 = tpu.memref_slice %arg5[%dma_wait3A_1164, %dma_wait3A_1177, %dma_wait3A_1178] : memref<2x8x50xi32, #tpu.memory_space<vmem>> -> memref<1x8x50xi32, #tpu.memory_space<vmem>>
      %dma_wait3A_1180 = tpu.memref_squeeze %dma_wait3A_1179 : memref<1x8x50xi32, #tpu.memory_space<vmem>> -> memref<8x50xi32, #tpu.memory_space<vmem>>
      %dma_wait3A_1181 = arith.constant 0 : i32
      %dma_wait3A_1182 = tpu.memref_slice %dma_wait3A_1180[%dma_wait3A_1165, %dma_wait3A_1181] : memref<8x50xi32, #tpu.memory_space<vmem>> -> memref<1x50xi32, #tpu.memory_space<vmem>>
      %dma_wait3A_1183 = tpu.memref_squeeze %dma_wait3A_1182 : memref<1x50xi32, #tpu.memory_space<vmem>> -> memref<50xi32, #tpu.memory_space<vmem>>
      %dma_wait3A_1184 = arith.constant 0 : i32
      %dma_wait3A_1185 = arith.constant 0 : i32
      %dma_wait3A_1186 = tpu.memref_slice %arg3[%dma_wait3A_1184, %dma_wait3A_1185] : memref<1000000x64xf32, #tpu.memory_space<hbm>> -> memref<1000000x64xf32, #tpu.memory_space<hbm>>
      tpu.wait_indirect_dma semaphore(%arg8 : memref<!tpu.dma_semaphore, #tpu.memory_space<semaphore_mem>>) src(%dma_wait3A_1186 : memref<1000000x64xf32, #tpu.memory_space<hbm>>) dst(%dma_wait3A_1176 : memref<50x64xf32, #tpu.memory_space<vmem>>)
      %dma_wait3A_1187 = arith.constant 1 : i32
      %dma_wait3A_1188 = arith.constant 2 : i32
      %dma_wait3A_1189 = arith.constant 1 : i32
      %dma_wait3A_1190 = arith.constant 2 : i32
      %dma_wait3A_1191 = arith.constant 0 : i32
      %dma_wait3A_1192 = arith.constant 0 : i32
      %dma_wait3A_1193 = arith.constant 0 : i32
      %dma_wait3A_1194 = tpu.memref_slice %arg6[%dma_wait3A_1189, %dma_wait3A_1191, %dma_wait3A_1192, %dma_wait3A_1193] : memref<2x8x50x64xf32, #tpu.memory_space<vmem>> -> memref<1x8x50x64xf32, #tpu.memory_space<vmem>>
      %dma_wait3A_1195 = tpu.memref_squeeze %dma_wait3A_1194 : memref<1x8x50x64xf32, #tpu.memory_space<vmem>> -> memref<8x50x64xf32, #tpu.memory_space<vmem>>
      %dma_wait3A_1196 = arith.constant 0 : i32
      %dma_wait3A_1197 = arith.constant 0 : i32
      %dma_wait3A_1198 = tpu.memref_slice %dma_wait3A_1195[%dma_wait3A_1190, %dma_wait3A_1196, %dma_wait3A_1197] : memref<8x50x64xf32, #tpu.memory_space<vmem>> -> memref<1x50x64xf32, #tpu.memory_space<vmem>>
      %dma_wait3A_1199 = tpu.memref_squeeze %dma_wait3A_1198 : memref<1x50x64xf32, #tpu.memory_space<vmem>> -> memref<50x64xf32, #tpu.memory_space<vmem>>
      %dma_wait3A_1200 = arith.constant 0 : i32
      %dma_wait3A_1201 = arith.constant 0 : i32
      %dma_wait3A_1202 = tpu.memref_slice %arg5[%dma_wait3A_1187, %dma_wait3A_1200, %dma_wait3A_1201] : memref<2x8x50xi32, #tpu.memory_space<vmem>> -> memref<1x8x50xi32, #tpu.memory_space<vmem>>
      %dma_wait3A_1203 = tpu.memref_squeeze %dma_wait3A_1202 : memref<1x8x50xi32, #tpu.memory_space<vmem>> -> memref<8x50xi32, #tpu.memory_space<vmem>>
      %dma_wait3A_1204 = arith.constant 0 : i32
      %dma_wait3A_1205 = tpu.memref_slice %dma_wait3A_1203[%dma_wait3A_1188, %dma_wait3A_1204] : memref<8x50xi32, #tpu.memory_space<vmem>> -> memref<1x50xi32, #tpu.memory_space<vmem>>
      %dma_wait3A_1206 = tpu.memref_squeeze %dma_wait3A_1205 : memref<1x50xi32, #tpu.memory_space<vmem>> -> memref<50xi32, #tpu.memory_space<vmem>>
      %dma_wait3A_1207 = arith.constant 0 : i32
      %dma_wait3A_1208 = arith.constant 0 : i32
      %dma_wait3A_1209 = tpu.memref_slice %arg3[%dma_wait3A_1207, %dma_wait3A_1208] : memref<1000000x64xf32, #tpu.memory_space<hbm>> -> memref<1000000x64xf32, #tpu.memory_space<hbm>>
      tpu.wait_indirect_dma semaphore(%arg8 : memref<!tpu.dma_semaphore, #tpu.memory_space<semaphore_mem>>) src(%dma_wait3A_1209 : memref<1000000x64xf32, #tpu.memory_space<hbm>>) dst(%dma_wait3A_1199 : memref<50x64xf32, #tpu.memory_space<vmem>>)
      %dma_wait3A_1210 = arith.constant 1 : i32
      %dma_wait3A_1211 = arith.constant 3 : i32
      %dma_wait3A_1212 = arith.constant 1 : i32
      %dma_wait3A_1213 = arith.constant 3 : i32
      %dma_wait3A_1214 = arith.constant 0 : i32
      %dma_wait3A_1215 = arith.constant 0 : i32
      %dma_wait3A_1216 = arith.constant 0 : i32
      %dma_wait3A_1217 = tpu.memref_slice %arg6[%dma_wait3A_1212, %dma_wait3A_1214, %dma_wait3A_1215, %dma_wait3A_1216] : memref<2x8x50x64xf32, #tpu.memory_space<vmem>> -> memref<1x8x50x64xf32, #tpu.memory_space<vmem>>
      %dma_wait3A_1218 = tpu.memref_squeeze %dma_wait3A_1217 : memref<1x8x50x64xf32, #tpu.memory_space<vmem>> -> memref<8x50x64xf32, #tpu.memory_space<vmem>>
      %dma_wait3A_1219 = arith.constant 0 : i32
      %dma_wait3A_1220 = arith.constant 0 : i32
      %dma_wait3A_1221 = tpu.memref_slice %dma_wait3A_1218[%dma_wait3A_1213, %dma_wait3A_1219, %dma_wait3A_1220] : memref<8x50x64xf32, #tpu.memory_space<vmem>> -> memref<1x50x64xf32, #tpu.memory_space<vmem>>
      %dma_wait3A_1222 = tpu.memref_squeeze %dma_wait3A_1221 : memref<1x50x64xf32, #tpu.memory_space<vmem>> -> memref<50x64xf32, #tpu.memory_space<vmem>>
      %dma_wait3A_1223 = arith.constant 0 : i32
      %dma_wait3A_1224 = arith.constant 0 : i32
      %dma_wait3A_1225 = tpu.memref_slice %arg5[%dma_wait3A_1210, %dma_wait3A_1223, %dma_wait3A_1224] : memref<2x8x50xi32, #tpu.memory_space<vmem>> -> memref<1x8x50xi32, #tpu.memory_space<vmem>>
      %dma_wait3A_1226 = tpu.memref_squeeze %dma_wait3A_1225 : memref<1x8x50xi32, #tpu.memory_space<vmem>> -> memref<8x50xi32, #tpu.memory_space<vmem>>
      %dma_wait3A_1227 = arith.constant 0 : i32
      %dma_wait3A_1228 = tpu.memref_slice %dma_wait3A_1226[%dma_wait3A_1211, %dma_wait3A_1227] : memref<8x50xi32, #tpu.memory_space<vmem>> -> memref<1x50xi32, #tpu.memory_space<vmem>>
      %dma_wait3A_1229 = tpu.memref_squeeze %dma_wait3A_1228 : memref<1x50xi32, #tpu.memory_space<vmem>> -> memref<50xi32, #tpu.memory_space<vmem>>
      %dma_wait3A_1230 = arith.constant 0 : i32
      %dma_wait3A_1231 = arith.constant 0 : i32
      %dma_wait3A_1232 = tpu.memref_slice %arg3[%dma_wait3A_1230, %dma_wait3A_1231] : memref<1000000x64xf32, #tpu.memory_space<hbm>> -> memref<1000000x64xf32, #tpu.memory_space<hbm>>
      tpu.wait_indirect_dma semaphore(%arg8 : memref<!tpu.dma_semaphore, #tpu.memory_space<semaphore_mem>>) src(%dma_wait3A_1232 : memref<1000000x64xf32, #tpu.memory_space<hbm>>) dst(%dma_wait3A_1222 : memref<50x64xf32, #tpu.memory_space<vmem>>)
      %dma_wait3A_1233 = arith.constant 1 : i32
      %dma_wait3A_1234 = arith.constant 4 : i32
      %dma_wait3A_1235 = arith.constant 1 : i32
      %dma_wait3A_1236 = arith.constant 4 : i32
      %dma_wait3A_1237 = arith.constant 0 : i32
      %dma_wait3A_1238 = arith.constant 0 : i32
      %dma_wait3A_1239 = arith.constant 0 : i32
      %dma_wait3A_1240 = tpu.memref_slice %arg6[%dma_wait3A_1235, %dma_wait3A_1237, %dma_wait3A_1238, %dma_wait3A_1239] : memref<2x8x50x64xf32, #tpu.memory_space<vmem>> -> memref<1x8x50x64xf32, #tpu.memory_space<vmem>>
      %dma_wait3A_1241 = tpu.memref_squeeze %dma_wait3A_1240 : memref<1x8x50x64xf32, #tpu.memory_space<vmem>> -> memref<8x50x64xf32, #tpu.memory_space<vmem>>
      %dma_wait3A_1242 = arith.constant 0 : i32
      %dma_wait3A_1243 = arith.constant 0 : i32
      %dma_wait3A_1244 = tpu.memref_slice %dma_wait3A_1241[%dma_wait3A_1236, %dma_wait3A_1242, %dma_wait3A_1243] : memref<8x50x64xf32, #tpu.memory_space<vmem>> -> memref<1x50x64xf32, #tpu.memory_space<vmem>>
      %dma_wait3A_1245 = tpu.memref_squeeze %dma_wait3A_1244 : memref<1x50x64xf32, #tpu.memory_space<vmem>> -> memref<50x64xf32, #tpu.memory_space<vmem>>
      %dma_wait3A_1246 = arith.constant 0 : i32
      %dma_wait3A_1247 = arith.constant 0 : i32
      %dma_wait3A_1248 = tpu.memref_slice %arg5[%dma_wait3A_1233, %dma_wait3A_1246, %dma_wait3A_1247] : memref<2x8x50xi32, #tpu.memory_space<vmem>> -> memref<1x8x50xi32, #tpu.memory_space<vmem>>
      %dma_wait3A_1249 = tpu.memref_squeeze %dma_wait3A_1248 : memref<1x8x50xi32, #tpu.memory_space<vmem>> -> memref<8x50xi32, #tpu.memory_space<vmem>>
      %dma_wait3A_1250 = arith.constant 0 : i32
      %dma_wait3A_1251 = tpu.memref_slice %dma_wait3A_1249[%dma_wait3A_1234, %dma_wait3A_1250] : memref<8x50xi32, #tpu.memory_space<vmem>> -> memref<1x50xi32, #tpu.memory_space<vmem>>
      %dma_wait3A_1252 = tpu.memref_squeeze %dma_wait3A_1251 : memref<1x50xi32, #tpu.memory_space<vmem>> -> memref<50xi32, #tpu.memory_space<vmem>>
      %dma_wait3A_1253 = arith.constant 0 : i32
      %dma_wait3A_1254 = arith.constant 0 : i32
      %dma_wait3A_1255 = tpu.memref_slice %arg3[%dma_wait3A_1253, %dma_wait3A_1254] : memref<1000000x64xf32, #tpu.memory_space<hbm>> -> memref<1000000x64xf32, #tpu.memory_space<hbm>>
      tpu.wait_indirect_dma semaphore(%arg8 : memref<!tpu.dma_semaphore, #tpu.memory_space<semaphore_mem>>) src(%dma_wait3A_1255 : memref<1000000x64xf32, #tpu.memory_space<hbm>>) dst(%dma_wait3A_1245 : memref<50x64xf32, #tpu.memory_space<vmem>>)
      %dma_wait3A_1256 = arith.constant 1 : i32
      %dma_wait3A_1257 = arith.constant 5 : i32
      %dma_wait3A_1258 = arith.constant 1 : i32
      %dma_wait3A_1259 = arith.constant 5 : i32
      %dma_wait3A_1260 = arith.constant 0 : i32
      %dma_wait3A_1261 = arith.constant 0 : i32
      %dma_wait3A_1262 = arith.constant 0 : i32
      %dma_wait3A_1263 = tpu.memref_slice %arg6[%dma_wait3A_1258, %dma_wait3A_1260, %dma_wait3A_1261, %dma_wait3A_1262] : memref<2x8x50x64xf32, #tpu.memory_space<vmem>> -> memref<1x8x50x64xf32, #tpu.memory_space<vmem>>
      %dma_wait3A_1264 = tpu.memref_squeeze %dma_wait3A_1263 : memref<1x8x50x64xf32, #tpu.memory_space<vmem>> -> memref<8x50x64xf32, #tpu.memory_space<vmem>>
      %dma_wait3A_1265 = arith.constant 0 : i32
      %dma_wait3A_1266 = arith.constant 0 : i32
      %dma_wait3A_1267 = tpu.memref_slice %dma_wait3A_1264[%dma_wait3A_1259, %dma_wait3A_1265, %dma_wait3A_1266] : memref<8x50x64xf32, #tpu.memory_space<vmem>> -> memref<1x50x64xf32, #tpu.memory_space<vmem>>
      %dma_wait3A_1268 = tpu.memref_squeeze %dma_wait3A_1267 : memref<1x50x64xf32, #tpu.memory_space<vmem>> -> memref<50x64xf32, #tpu.memory_space<vmem>>
      %dma_wait3A_1269 = arith.constant 0 : i32
      %dma_wait3A_1270 = arith.constant 0 : i32
      %dma_wait3A_1271 = tpu.memref_slice %arg5[%dma_wait3A_1256, %dma_wait3A_1269, %dma_wait3A_1270] : memref<2x8x50xi32, #tpu.memory_space<vmem>> -> memref<1x8x50xi32, #tpu.memory_space<vmem>>
      %dma_wait3A_1272 = tpu.memref_squeeze %dma_wait3A_1271 : memref<1x8x50xi32, #tpu.memory_space<vmem>> -> memref<8x50xi32, #tpu.memory_space<vmem>>
      %dma_wait3A_1273 = arith.constant 0 : i32
      %dma_wait3A_1274 = tpu.memref_slice %dma_wait3A_1272[%dma_wait3A_1257, %dma_wait3A_1273] : memref<8x50xi32, #tpu.memory_space<vmem>> -> memref<1x50xi32, #tpu.memory_space<vmem>>
      %dma_wait3A_1275 = tpu.memref_squeeze %dma_wait3A_1274 : memref<1x50xi32, #tpu.memory_space<vmem>> -> memref<50xi32, #tpu.memory_space<vmem>>
      %dma_wait3A_1276 = arith.constant 0 : i32
      %dma_wait3A_1277 = arith.constant 0 : i32
      %dma_wait3A_1278 = tpu.memref_slice %arg3[%dma_wait3A_1276, %dma_wait3A_1277] : memref<1000000x64xf32, #tpu.memory_space<hbm>> -> memref<1000000x64xf32, #tpu.memory_space<hbm>>
      tpu.wait_indirect_dma semaphore(%arg8 : memref<!tpu.dma_semaphore, #tpu.memory_space<semaphore_mem>>) src(%dma_wait3A_1278 : memref<1000000x64xf32, #tpu.memory_space<hbm>>) dst(%dma_wait3A_1268 : memref<50x64xf32, #tpu.memory_space<vmem>>)
      %dma_wait3A_1279 = arith.constant 1 : i32
      %dma_wait3A_1280 = arith.constant 6 : i32
      %dma_wait3A_1281 = arith.constant 1 : i32
      %dma_wait3A_1282 = arith.constant 6 : i32
      %dma_wait3A_1283 = arith.constant 0 : i32
      %dma_wait3A_1284 = arith.constant 0 : i32
      %dma_wait3A_1285 = arith.constant 0 : i32
      %dma_wait3A_1286 = tpu.memref_slice %arg6[%dma_wait3A_1281, %dma_wait3A_1283, %dma_wait3A_1284, %dma_wait3A_1285] : memref<2x8x50x64xf32, #tpu.memory_space<vmem>> -> memref<1x8x50x64xf32, #tpu.memory_space<vmem>>
      %dma_wait3A_1287 = tpu.memref_squeeze %dma_wait3A_1286 : memref<1x8x50x64xf32, #tpu.memory_space<vmem>> -> memref<8x50x64xf32, #tpu.memory_space<vmem>>
      %dma_wait3A_1288 = arith.constant 0 : i32
      %dma_wait3A_1289 = arith.constant 0 : i32
      %dma_wait3A_1290 = tpu.memref_slice %dma_wait3A_1287[%dma_wait3A_1282, %dma_wait3A_1288, %dma_wait3A_1289] : memref<8x50x64xf32, #tpu.memory_space<vmem>> -> memref<1x50x64xf32, #tpu.memory_space<vmem>>
      %dma_wait3A_1291 = tpu.memref_squeeze %dma_wait3A_1290 : memref<1x50x64xf32, #tpu.memory_space<vmem>> -> memref<50x64xf32, #tpu.memory_space<vmem>>
      %dma_wait3A_1292 = arith.constant 0 : i32
      %dma_wait3A_1293 = arith.constant 0 : i32
      %dma_wait3A_1294 = tpu.memref_slice %arg5[%dma_wait3A_1279, %dma_wait3A_1292, %dma_wait3A_1293] : memref<2x8x50xi32, #tpu.memory_space<vmem>> -> memref<1x8x50xi32, #tpu.memory_space<vmem>>
      %dma_wait3A_1295 = tpu.memref_squeeze %dma_wait3A_1294 : memref<1x8x50xi32, #tpu.memory_space<vmem>> -> memref<8x50xi32, #tpu.memory_space<vmem>>
      %dma_wait3A_1296 = arith.constant 0 : i32
      %dma_wait3A_1297 = tpu.memref_slice %dma_wait3A_1295[%dma_wait3A_1280, %dma_wait3A_1296] : memref<8x50xi32, #tpu.memory_space<vmem>> -> memref<1x50xi32, #tpu.memory_space<vmem>>
      %dma_wait3A_1298 = tpu.memref_squeeze %dma_wait3A_1297 : memref<1x50xi32, #tpu.memory_space<vmem>> -> memref<50xi32, #tpu.memory_space<vmem>>
      %dma_wait3A_1299 = arith.constant 0 : i32
      %dma_wait3A_1300 = arith.constant 0 : i32
      %dma_wait3A_1301 = tpu.memref_slice %arg3[%dma_wait3A_1299, %dma_wait3A_1300] : memref<1000000x64xf32, #tpu.memory_space<hbm>> -> memref<1000000x64xf32, #tpu.memory_space<hbm>>
      tpu.wait_indirect_dma semaphore(%arg8 : memref<!tpu.dma_semaphore, #tpu.memory_space<semaphore_mem>>) src(%dma_wait3A_1301 : memref<1000000x64xf32, #tpu.memory_space<hbm>>) dst(%dma_wait3A_1291 : memref<50x64xf32, #tpu.memory_space<vmem>>)
      %dma_wait3A_1302 = arith.constant 1 : i32
      %dma_wait3A_1303 = arith.constant 7 : i32
      %dma_wait3A_1304 = arith.constant 1 : i32
      %dma_wait3A_1305 = arith.constant 7 : i32
      %dma_wait3A_1306 = arith.constant 0 : i32
      %dma_wait3A_1307 = arith.constant 0 : i32
      %dma_wait3A_1308 = arith.constant 0 : i32
      %dma_wait3A_1309 = tpu.memref_slice %arg6[%dma_wait3A_1304, %dma_wait3A_1306, %dma_wait3A_1307, %dma_wait3A_1308] : memref<2x8x50x64xf32, #tpu.memory_space<vmem>> -> memref<1x8x50x64xf32, #tpu.memory_space<vmem>>
      %dma_wait3A_1310 = tpu.memref_squeeze %dma_wait3A_1309 : memref<1x8x50x64xf32, #tpu.memory_space<vmem>> -> memref<8x50x64xf32, #tpu.memory_space<vmem>>
      %dma_wait3A_1311 = arith.constant 0 : i32
      %dma_wait3A_1312 = arith.constant 0 : i32
      %dma_wait3A_1313 = tpu.memref_slice %dma_wait3A_1310[%dma_wait3A_1305, %dma_wait3A_1311, %dma_wait3A_1312] : memref<8x50x64xf32, #tpu.memory_space<vmem>> -> memref<1x50x64xf32, #tpu.memory_space<vmem>>
      %dma_wait3A_1314 = tpu.memref_squeeze %dma_wait3A_1313 : memref<1x50x64xf32, #tpu.memory_space<vmem>> -> memref<50x64xf32, #tpu.memory_space<vmem>>
      %dma_wait3A_1315 = arith.constant 0 : i32
      %dma_wait3A_1316 = arith.constant 0 : i32
      %dma_wait3A_1317 = tpu.memref_slice %arg5[%dma_wait3A_1302, %dma_wait3A_1315, %dma_wait3A_1316] : memref<2x8x50xi32, #tpu.memory_space<vmem>> -> memref<1x8x50xi32, #tpu.memory_space<vmem>>
      %dma_wait3A_1318 = tpu.memref_squeeze %dma_wait3A_1317 : memref<1x8x50xi32, #tpu.memory_space<vmem>> -> memref<8x50xi32, #tpu.memory_space<vmem>>
      %dma_wait3A_1319 = arith.constant 0 : i32
      %dma_wait3A_1320 = tpu.memref_slice %dma_wait3A_1318[%dma_wait3A_1303, %dma_wait3A_1319] : memref<8x50xi32, #tpu.memory_space<vmem>> -> memref<1x50xi32, #tpu.memory_space<vmem>>
      %dma_wait3A_1321 = tpu.memref_squeeze %dma_wait3A_1320 : memref<1x50xi32, #tpu.memory_space<vmem>> -> memref<50xi32, #tpu.memory_space<vmem>>
      %dma_wait3A_1322 = arith.constant 0 : i32
      %dma_wait3A_1323 = arith.constant 0 : i32
      %dma_wait3A_1324 = tpu.memref_slice %arg3[%dma_wait3A_1322, %dma_wait3A_1323] : memref<1000000x64xf32, #tpu.memory_space<hbm>> -> memref<1000000x64xf32, #tpu.memory_space<hbm>>
      tpu.wait_indirect_dma semaphore(%arg8 : memref<!tpu.dma_semaphore, #tpu.memory_space<semaphore_mem>>) src(%dma_wait3A_1324 : memref<1000000x64xf32, #tpu.memory_space<hbm>>) dst(%dma_wait3A_1314 : memref<50x64xf32, #tpu.memory_space<vmem>>)
      %mul3A_1325 = arith.constant 8 : i32
      %mul3A_1326 = arith.muli %add3A_1140, %mul3A_1325 : i32
      %add3A_1327 = arith.addi %mul3A_2, %mul3A_1326 : i32
      %run_scoped3A_1328 = arith.constant 1 : i32
      "tpu.region"() ({
        %run_scoped3A_1521 = tpu.sem_alloc : memref<!tpu.dma_semaphore, #tpu.memory_space<semaphore_mem>>
        %dma_start3A_1522 = arith.constant 0 : i32
        %dma_start3A_1523 = arith.constant 0 : i32
        %dma_start3A_1524 = arith.constant 0 : i32
        %dma_start3A_1525 = tpu.memref_slice %arg6[%run_scoped3A_1328, %dma_start3A_1522, %dma_start3A_1523, %dma_start3A_1524] : memref<2x8x50x64xf32, #tpu.memory_space<vmem>> -> memref<1x8x50x64xf32, #tpu.memory_space<vmem>>
        %dma_start3A_1526 = tpu.memref_squeeze %dma_start3A_1525 : memref<1x8x50x64xf32, #tpu.memory_space<vmem>> -> memref<8x50x64xf32, #tpu.memory_space<vmem>>
        %dma_start3A_1527 = arith.constant 0 : i32
        %dma_start3A_1528 = arith.constant 0 : i32
        %dma_start3A_1529 = tpu.memref_slice %arg4[%add3A_1327, %dma_start3A_1527, %dma_start3A_1528] : memref<16384x50x64xf32, #tpu.memory_space<hbm>> -> memref<8x50x64xf32, #tpu.memory_space<hbm>>
        %dma_start3A_1530 = arith.constant 0 : i32
        %dma_start3A_1531 = arith.constant 0 : i32
        %dma_start3A_1532 = tpu.memref_slice %arg4[%add3A_1327, %dma_start3A_1530, %dma_start3A_1531] : memref<16384x50x64xf32, #tpu.memory_space<hbm>> -> memref<8x50x64xf32, #tpu.memory_space<hbm>>
        %dma_start3A_1533 = arith.constant 0 : i32
        %dma_start3A_1534 = arith.constant 0 : i32
        %dma_start3A_1535 = arith.constant 0 : i32
        %dma_start3A_1536 = tpu.memref_slice %arg6[%run_scoped3A_1328, %dma_start3A_1533, %dma_start3A_1534, %dma_start3A_1535] : memref<2x8x50x64xf32, #tpu.memory_space<vmem>> -> memref<1x8x50x64xf32, #tpu.memory_space<vmem>>
        %dma_start3A_1537 = tpu.memref_squeeze %dma_start3A_1536 : memref<1x8x50x64xf32, #tpu.memory_space<vmem>> -> memref<8x50x64xf32, #tpu.memory_space<vmem>>
        tpu.enqueue_dma source(%dma_start3A_1537 : memref<8x50x64xf32, #tpu.memory_space<vmem>>) target(%dma_start3A_1532 : memref<8x50x64xf32, #tpu.memory_space<hbm>>) target_semaphore(%run_scoped3A_1521 : memref<!tpu.dma_semaphore, #tpu.memory_space<semaphore_mem>>)
        %dma_wait3A_1538 = arith.constant 0 : i32
        %dma_wait3A_1539 = arith.constant 0 : i32
        %dma_wait3A_1540 = arith.constant 0 : i32
        %dma_wait3A_1541 = tpu.memref_slice %arg6[%run_scoped3A_1328, %dma_wait3A_1538, %dma_wait3A_1539, %dma_wait3A_1540] : memref<2x8x50x64xf32, #tpu.memory_space<vmem>> -> memref<1x8x50x64xf32, #tpu.memory_space<vmem>>
        %dma_wait3A_1542 = tpu.memref_squeeze %dma_wait3A_1541 : memref<1x8x50x64xf32, #tpu.memory_space<vmem>> -> memref<8x50x64xf32, #tpu.memory_space<vmem>>
        %dma_wait3A_1543 = arith.constant 0 : i32
        %dma_wait3A_1544 = arith.constant 0 : i32
        %dma_wait3A_1545 = tpu.memref_slice %arg4[%add3A_1327, %dma_wait3A_1543, %dma_wait3A_1544] : memref<16384x50x64xf32, #tpu.memory_space<hbm>> -> memref<8x50x64xf32, #tpu.memory_space<hbm>>
        %dma_wait3A_1546 = arith.constant 0 : i32
        %dma_wait3A_1547 = arith.constant 0 : i32
        %dma_wait3A_1548 = tpu.memref_slice %arg4[%add3A_1327, %dma_wait3A_1546, %dma_wait3A_1547] : memref<16384x50x64xf32, #tpu.memory_space<hbm>> -> memref<8x50x64xf32, #tpu.memory_space<hbm>>
        %dma_wait3A_1549 = arith.constant 0 : i32
        %dma_wait3A_1550 = arith.constant 0 : i32
        %dma_wait3A_1551 = arith.constant 0 : i32
        %dma_wait3A_1552 = tpu.memref_slice %arg6[%run_scoped3A_1328, %dma_wait3A_1549, %dma_wait3A_1550, %dma_wait3A_1551] : memref<2x8x50x64xf32, #tpu.memory_space<vmem>> -> memref<1x8x50x64xf32, #tpu.memory_space<vmem>>
        %dma_wait3A_1553 = tpu.memref_squeeze %dma_wait3A_1552 : memref<1x8x50x64xf32, #tpu.memory_space<vmem>> -> memref<8x50x64xf32, #tpu.memory_space<vmem>>
        tpu.wait_dma2 semaphore(%run_scoped3A_1521 : memref<!tpu.dma_semaphore, #tpu.memory_space<semaphore_mem>>) src(%dma_wait3A_1553 : memref<8x50x64xf32, #tpu.memory_space<vmem>>) dst(%dma_wait3A_1548 : memref<8x50x64xf32, #tpu.memory_space<hbm>>)
        tpu.yield
      }) : () -> ()
      %add3A_1329 = arith.constant 1 : i32
      %add3A_1330 = arith.addi %add3A_756, %add3A_1329 : i32
      %add3A_1331 = arith.constant 2 : i32
      %add3A_1332 = arith.addi %add3A_1330, %add3A_1331 : i32
      %mul3A_1333 = arith.constant 8 : i32
      %mul3A_1334 = arith.muli %add3A_1332, %mul3A_1333 : i32
      %add3A_1335 = arith.addi %mul3A_2, %mul3A_1334 : i32
      %run_scoped3A_1336 = arith.constant 1 : i32
      "tpu.region"() ({
        %run_scoped3A_1521 = tpu.sem_alloc : memref<!tpu.dma_semaphore, #tpu.memory_space<semaphore_mem>>
        %dma_start3A_1522 = arith.constant 0 : i32
        %dma_start3A_1523 = arith.constant 0 : i32
        %dma_start3A_1524 = tpu.memref_slice %arg5[%run_scoped3A_1336, %dma_start3A_1522, %dma_start3A_1523] : memref<2x8x50xi32, #tpu.memory_space<vmem>> -> memref<1x8x50xi32, #tpu.memory_space<vmem>>
        %dma_start3A_1525 = tpu.memref_squeeze %dma_start3A_1524 : memref<1x8x50xi32, #tpu.memory_space<vmem>> -> memref<8x50xi32, #tpu.memory_space<vmem>>
        %dma_start3A_1526 = arith.constant 0 : i32
        %dma_start3A_1527 = tpu.memref_slice %arg2[%add3A_1335, %dma_start3A_1526] : memref<16384x50xi32, #tpu.memory_space<hbm>> -> memref<8x50xi32, #tpu.memory_space<hbm>>
        %dma_start3A_1528 = arith.constant 0 : i32
        %dma_start3A_1529 = arith.constant 0 : i32
        %dma_start3A_1530 = tpu.memref_slice %arg5[%run_scoped3A_1336, %dma_start3A_1528, %dma_start3A_1529] : memref<2x8x50xi32, #tpu.memory_space<vmem>> -> memref<1x8x50xi32, #tpu.memory_space<vmem>>
        %dma_start3A_1531 = tpu.memref_squeeze %dma_start3A_1530 : memref<1x8x50xi32, #tpu.memory_space<vmem>> -> memref<8x50xi32, #tpu.memory_space<vmem>>
        %dma_start3A_1532 = arith.constant 0 : i32
        %dma_start3A_1533 = tpu.memref_slice %arg2[%add3A_1335, %dma_start3A_1532] : memref<16384x50xi32, #tpu.memory_space<hbm>> -> memref<8x50xi32, #tpu.memory_space<hbm>>
        tpu.enqueue_dma source(%dma_start3A_1533 : memref<8x50xi32, #tpu.memory_space<hbm>>) target(%dma_start3A_1531 : memref<8x50xi32, #tpu.memory_space<vmem>>) target_semaphore(%run_scoped3A_1521 : memref<!tpu.dma_semaphore, #tpu.memory_space<semaphore_mem>>)
        %dma_wait3A_1534 = arith.constant 0 : i32
        %dma_wait3A_1535 = arith.constant 0 : i32
        %dma_wait3A_1536 = tpu.memref_slice %arg5[%run_scoped3A_1336, %dma_wait3A_1534, %dma_wait3A_1535] : memref<2x8x50xi32, #tpu.memory_space<vmem>> -> memref<1x8x50xi32, #tpu.memory_space<vmem>>
        %dma_wait3A_1537 = tpu.memref_squeeze %dma_wait3A_1536 : memref<1x8x50xi32, #tpu.memory_space<vmem>> -> memref<8x50xi32, #tpu.memory_space<vmem>>
        %dma_wait3A_1538 = arith.constant 0 : i32
        %dma_wait3A_1539 = tpu.memref_slice %arg2[%add3A_1335, %dma_wait3A_1538] : memref<16384x50xi32, #tpu.memory_space<hbm>> -> memref<8x50xi32, #tpu.memory_space<hbm>>
        %dma_wait3A_1540 = arith.constant 0 : i32
        %dma_wait3A_1541 = arith.constant 0 : i32
        %dma_wait3A_1542 = tpu.memref_slice %arg5[%run_scoped3A_1336, %dma_wait3A_1540, %dma_wait3A_1541] : memref<2x8x50xi32, #tpu.memory_space<vmem>> -> memref<1x8x50xi32, #tpu.memory_space<vmem>>
        %dma_wait3A_1543 = tpu.memref_squeeze %dma_wait3A_1542 : memref<1x8x50xi32, #tpu.memory_space<vmem>> -> memref<8x50xi32, #tpu.memory_space<vmem>>
        %dma_wait3A_1544 = arith.constant 0 : i32
        %dma_wait3A_1545 = tpu.memref_slice %arg2[%add3A_1335, %dma_wait3A_1544] : memref<16384x50xi32, #tpu.memory_space<hbm>> -> memref<8x50xi32, #tpu.memory_space<hbm>>
        tpu.wait_dma2 semaphore(%run_scoped3A_1521 : memref<!tpu.dma_semaphore, #tpu.memory_space<semaphore_mem>>) src(%dma_wait3A_1545 : memref<8x50xi32, #tpu.memory_space<hbm>>) dst(%dma_wait3A_1543 : memref<8x50xi32, #tpu.memory_space<vmem>>)
        tpu.yield
      }) : () -> ()
      %dma_start3A_1337 = arith.constant 1 : i32
      %dma_start3A_1338 = arith.constant 0 : i32
      %dma_start3A_1339 = arith.constant 1 : i32
      %dma_start3A_1340 = arith.constant 0 : i32
      %dma_start3A_1341 = arith.constant 0 : i32
      %dma_start3A_1342 = arith.constant 0 : i32
      %dma_start3A_1343 = arith.constant 0 : i32
      %dma_start3A_1344 = tpu.memref_slice %arg6[%dma_start3A_1339, %dma_start3A_1341, %dma_start3A_1342, %dma_start3A_1343] : memref<2x8x50x64xf32, #tpu.memory_space<vmem>> -> memref<1x8x50x64xf32, #tpu.memory_space<vmem>>
      %dma_start3A_1345 = tpu.memref_squeeze %dma_start3A_1344 : memref<1x8x50x64xf32, #tpu.memory_space<vmem>> -> memref<8x50x64xf32, #tpu.memory_space<vmem>>
      %dma_start3A_1346 = arith.constant 0 : i32
      %dma_start3A_1347 = arith.constant 0 : i32
      %dma_start3A_1348 = tpu.memref_slice %dma_start3A_1345[%dma_start3A_1340, %dma_start3A_1346, %dma_start3A_1347] : memref<8x50x64xf32, #tpu.memory_space<vmem>> -> memref<1x50x64xf32, #tpu.memory_space<vmem>>
      %dma_start3A_1349 = tpu.memref_squeeze %dma_start3A_1348 : memref<1x50x64xf32, #tpu.memory_space<vmem>> -> memref<50x64xf32, #tpu.memory_space<vmem>>
      %dma_start3A_1350 = arith.constant 0 : i32
      %dma_start3A_1351 = arith.constant 0 : i32
      %dma_start3A_1352 = tpu.memref_slice %arg5[%dma_start3A_1337, %dma_start3A_1350, %dma_start3A_1351] : memref<2x8x50xi32, #tpu.memory_space<vmem>> -> memref<1x8x50xi32, #tpu.memory_space<vmem>>
      %dma_start3A_1353 = tpu.memref_squeeze %dma_start3A_1352 : memref<1x8x50xi32, #tpu.memory_space<vmem>> -> memref<8x50xi32, #tpu.memory_space<vmem>>
      %dma_start3A_1354 = arith.constant 0 : i32
      %dma_start3A_1355 = tpu.memref_slice %dma_start3A_1353[%dma_start3A_1338, %dma_start3A_1354] : memref<8x50xi32, #tpu.memory_space<vmem>> -> memref<1x50xi32, #tpu.memory_space<vmem>>
      %dma_start3A_1356 = tpu.memref_squeeze %dma_start3A_1355 : memref<1x50xi32, #tpu.memory_space<vmem>> -> memref<50xi32, #tpu.memory_space<vmem>>
      %dma_start3A_1357 = arith.constant 0 : i32
      %dma_start3A_1358 = arith.constant 0 : i32
      %dma_start3A_1359 = tpu.memref_slice %arg3[%dma_start3A_1357, %dma_start3A_1358] : memref<1000000x64xf32, #tpu.memory_space<hbm>> -> memref<1000000x64xf32, #tpu.memory_space<hbm>>
      tpu.enqueue_indirect_dma source(%dma_start3A_1359 : memref<1000000x64xf32, #tpu.memory_space<hbm>>) target(%dma_start3A_1349 : memref<50x64xf32, #tpu.memory_space<vmem>>) offsets(%dma_start3A_1356 : memref<50xi32, #tpu.memory_space<vmem>>) semaphore(%arg8 : memref<!tpu.dma_semaphore, #tpu.memory_space<semaphore_mem>>)
      %dma_start3A_1360 = arith.constant 1 : i32
      %dma_start3A_1361 = arith.constant 1 : i32
      %dma_start3A_1362 = arith.constant 1 : i32
      %dma_start3A_1363 = arith.constant 1 : i32
      %dma_start3A_1364 = arith.constant 0 : i32
      %dma_start3A_1365 = arith.constant 0 : i32
      %dma_start3A_1366 = arith.constant 0 : i32
      %dma_start3A_1367 = tpu.memref_slice %arg6[%dma_start3A_1362, %dma_start3A_1364, %dma_start3A_1365, %dma_start3A_1366] : memref<2x8x50x64xf32, #tpu.memory_space<vmem>> -> memref<1x8x50x64xf32, #tpu.memory_space<vmem>>
      %dma_start3A_1368 = tpu.memref_squeeze %dma_start3A_1367 : memref<1x8x50x64xf32, #tpu.memory_space<vmem>> -> memref<8x50x64xf32, #tpu.memory_space<vmem>>
      %dma_start3A_1369 = arith.constant 0 : i32
      %dma_start3A_1370 = arith.constant 0 : i32
      %dma_start3A_1371 = tpu.memref_slice %dma_start3A_1368[%dma_start3A_1363, %dma_start3A_1369, %dma_start3A_1370] : memref<8x50x64xf32, #tpu.memory_space<vmem>> -> memref<1x50x64xf32, #tpu.memory_space<vmem>>
      %dma_start3A_1372 = tpu.memref_squeeze %dma_start3A_1371 : memref<1x50x64xf32, #tpu.memory_space<vmem>> -> memref<50x64xf32, #tpu.memory_space<vmem>>
      %dma_start3A_1373 = arith.constant 0 : i32
      %dma_start3A_1374 = arith.constant 0 : i32
      %dma_start3A_1375 = tpu.memref_slice %arg5[%dma_start3A_1360, %dma_start3A_1373, %dma_start3A_1374] : memref<2x8x50xi32, #tpu.memory_space<vmem>> -> memref<1x8x50xi32, #tpu.memory_space<vmem>>
      %dma_start3A_1376 = tpu.memref_squeeze %dma_start3A_1375 : memref<1x8x50xi32, #tpu.memory_space<vmem>> -> memref<8x50xi32, #tpu.memory_space<vmem>>
      %dma_start3A_1377 = arith.constant 0 : i32
      %dma_start3A_1378 = tpu.memref_slice %dma_start3A_1376[%dma_start3A_1361, %dma_start3A_1377] : memref<8x50xi32, #tpu.memory_space<vmem>> -> memref<1x50xi32, #tpu.memory_space<vmem>>
      %dma_start3A_1379 = tpu.memref_squeeze %dma_start3A_1378 : memref<1x50xi32, #tpu.memory_space<vmem>> -> memref<50xi32, #tpu.memory_space<vmem>>
      %dma_start3A_1380 = arith.constant 0 : i32
      %dma_start3A_1381 = arith.constant 0 : i32
      %dma_start3A_1382 = tpu.memref_slice %arg3[%dma_start3A_1380, %dma_start3A_1381] : memref<1000000x64xf32, #tpu.memory_space<hbm>> -> memref<1000000x64xf32, #tpu.memory_space<hbm>>
      tpu.enqueue_indirect_dma source(%dma_start3A_1382 : memref<1000000x64xf32, #tpu.memory_space<hbm>>) target(%dma_start3A_1372 : memref<50x64xf32, #tpu.memory_space<vmem>>) offsets(%dma_start3A_1379 : memref<50xi32, #tpu.memory_space<vmem>>) semaphore(%arg8 : memref<!tpu.dma_semaphore, #tpu.memory_space<semaphore_mem>>)
      %dma_start3A_1383 = arith.constant 1 : i32
      %dma_start3A_1384 = arith.constant 2 : i32
      %dma_start3A_1385 = arith.constant 1 : i32
      %dma_start3A_1386 = arith.constant 2 : i32
      %dma_start3A_1387 = arith.constant 0 : i32
      %dma_start3A_1388 = arith.constant 0 : i32
      %dma_start3A_1389 = arith.constant 0 : i32
      %dma_start3A_1390 = tpu.memref_slice %arg6[%dma_start3A_1385, %dma_start3A_1387, %dma_start3A_1388, %dma_start3A_1389] : memref<2x8x50x64xf32, #tpu.memory_space<vmem>> -> memref<1x8x50x64xf32, #tpu.memory_space<vmem>>
      %dma_start3A_1391 = tpu.memref_squeeze %dma_start3A_1390 : memref<1x8x50x64xf32, #tpu.memory_space<vmem>> -> memref<8x50x64xf32, #tpu.memory_space<vmem>>
      %dma_start3A_1392 = arith.constant 0 : i32
      %dma_start3A_1393 = arith.constant 0 : i32
      %dma_start3A_1394 = tpu.memref_slice %dma_start3A_1391[%dma_start3A_1386, %dma_start3A_1392, %dma_start3A_1393] : memref<8x50x64xf32, #tpu.memory_space<vmem>> -> memref<1x50x64xf32, #tpu.memory_space<vmem>>
      %dma_start3A_1395 = tpu.memref_squeeze %dma_start3A_1394 : memref<1x50x64xf32, #tpu.memory_space<vmem>> -> memref<50x64xf32, #tpu.memory_space<vmem>>
      %dma_start3A_1396 = arith.constant 0 : i32
      %dma_start3A_1397 = arith.constant 0 : i32
      %dma_start3A_1398 = tpu.memref_slice %arg5[%dma_start3A_1383, %dma_start3A_1396, %dma_start3A_1397] : memref<2x8x50xi32, #tpu.memory_space<vmem>> -> memref<1x8x50xi32, #tpu.memory_space<vmem>>
      %dma_start3A_1399 = tpu.memref_squeeze %dma_start3A_1398 : memref<1x8x50xi32, #tpu.memory_space<vmem>> -> memref<8x50xi32, #tpu.memory_space<vmem>>
      %dma_start3A_1400 = arith.constant 0 : i32
      %dma_start3A_1401 = tpu.memref_slice %dma_start3A_1399[%dma_start3A_1384, %dma_start3A_1400] : memref<8x50xi32, #tpu.memory_space<vmem>> -> memref<1x50xi32, #tpu.memory_space<vmem>>
      %dma_start3A_1402 = tpu.memref_squeeze %dma_start3A_1401 : memref<1x50xi32, #tpu.memory_space<vmem>> -> memref<50xi32, #tpu.memory_space<vmem>>
      %dma_start3A_1403 = arith.constant 0 : i32
      %dma_start3A_1404 = arith.constant 0 : i32
      %dma_start3A_1405 = tpu.memref_slice %arg3[%dma_start3A_1403, %dma_start3A_1404] : memref<1000000x64xf32, #tpu.memory_space<hbm>> -> memref<1000000x64xf32, #tpu.memory_space<hbm>>
      tpu.enqueue_indirect_dma source(%dma_start3A_1405 : memref<1000000x64xf32, #tpu.memory_space<hbm>>) target(%dma_start3A_1395 : memref<50x64xf32, #tpu.memory_space<vmem>>) offsets(%dma_start3A_1402 : memref<50xi32, #tpu.memory_space<vmem>>) semaphore(%arg8 : memref<!tpu.dma_semaphore, #tpu.memory_space<semaphore_mem>>)
      %dma_start3A_1406 = arith.constant 1 : i32
      %dma_start3A_1407 = arith.constant 3 : i32
      %dma_start3A_1408 = arith.constant 1 : i32
      %dma_start3A_1409 = arith.constant 3 : i32
      %dma_start3A_1410 = arith.constant 0 : i32
      %dma_start3A_1411 = arith.constant 0 : i32
      %dma_start3A_1412 = arith.constant 0 : i32
      %dma_start3A_1413 = tpu.memref_slice %arg6[%dma_start3A_1408, %dma_start3A_1410, %dma_start3A_1411, %dma_start3A_1412] : memref<2x8x50x64xf32, #tpu.memory_space<vmem>> -> memref<1x8x50x64xf32, #tpu.memory_space<vmem>>
      %dma_start3A_1414 = tpu.memref_squeeze %dma_start3A_1413 : memref<1x8x50x64xf32, #tpu.memory_space<vmem>> -> memref<8x50x64xf32, #tpu.memory_space<vmem>>
      %dma_start3A_1415 = arith.constant 0 : i32
      %dma_start3A_1416 = arith.constant 0 : i32
      %dma_start3A_1417 = tpu.memref_slice %dma_start3A_1414[%dma_start3A_1409, %dma_start3A_1415, %dma_start3A_1416] : memref<8x50x64xf32, #tpu.memory_space<vmem>> -> memref<1x50x64xf32, #tpu.memory_space<vmem>>
      %dma_start3A_1418 = tpu.memref_squeeze %dma_start3A_1417 : memref<1x50x64xf32, #tpu.memory_space<vmem>> -> memref<50x64xf32, #tpu.memory_space<vmem>>
      %dma_start3A_1419 = arith.constant 0 : i32
      %dma_start3A_1420 = arith.constant 0 : i32
      %dma_start3A_1421 = tpu.memref_slice %arg5[%dma_start3A_1406, %dma_start3A_1419, %dma_start3A_1420] : memref<2x8x50xi32, #tpu.memory_space<vmem>> -> memref<1x8x50xi32, #tpu.memory_space<vmem>>
      %dma_start3A_1422 = tpu.memref_squeeze %dma_start3A_1421 : memref<1x8x50xi32, #tpu.memory_space<vmem>> -> memref<8x50xi32, #tpu.memory_space<vmem>>
      %dma_start3A_1423 = arith.constant 0 : i32
      %dma_start3A_1424 = tpu.memref_slice %dma_start3A_1422[%dma_start3A_1407, %dma_start3A_1423] : memref<8x50xi32, #tpu.memory_space<vmem>> -> memref<1x50xi32, #tpu.memory_space<vmem>>
      %dma_start3A_1425 = tpu.memref_squeeze %dma_start3A_1424 : memref<1x50xi32, #tpu.memory_space<vmem>> -> memref<50xi32, #tpu.memory_space<vmem>>
      %dma_start3A_1426 = arith.constant 0 : i32
      %dma_start3A_1427 = arith.constant 0 : i32
      %dma_start3A_1428 = tpu.memref_slice %arg3[%dma_start3A_1426, %dma_start3A_1427] : memref<1000000x64xf32, #tpu.memory_space<hbm>> -> memref<1000000x64xf32, #tpu.memory_space<hbm>>
      tpu.enqueue_indirect_dma source(%dma_start3A_1428 : memref<1000000x64xf32, #tpu.memory_space<hbm>>) target(%dma_start3A_1418 : memref<50x64xf32, #tpu.memory_space<vmem>>) offsets(%dma_start3A_1425 : memref<50xi32, #tpu.memory_space<vmem>>) semaphore(%arg8 : memref<!tpu.dma_semaphore, #tpu.memory_space<semaphore_mem>>)
      %dma_start3A_1429 = arith.constant 1 : i32
      %dma_start3A_1430 = arith.constant 4 : i32
      %dma_start3A_1431 = arith.constant 1 : i32
      %dma_start3A_1432 = arith.constant 4 : i32
      %dma_start3A_1433 = arith.constant 0 : i32
      %dma_start3A_1434 = arith.constant 0 : i32
      %dma_start3A_1435 = arith.constant 0 : i32
      %dma_start3A_1436 = tpu.memref_slice %arg6[%dma_start3A_1431, %dma_start3A_1433, %dma_start3A_1434, %dma_start3A_1435] : memref<2x8x50x64xf32, #tpu.memory_space<vmem>> -> memref<1x8x50x64xf32, #tpu.memory_space<vmem>>
      %dma_start3A_1437 = tpu.memref_squeeze %dma_start3A_1436 : memref<1x8x50x64xf32, #tpu.memory_space<vmem>> -> memref<8x50x64xf32, #tpu.memory_space<vmem>>
      %dma_start3A_1438 = arith.constant 0 : i32
      %dma_start3A_1439 = arith.constant 0 : i32
      %dma_start3A_1440 = tpu.memref_slice %dma_start3A_1437[%dma_start3A_1432, %dma_start3A_1438, %dma_start3A_1439] : memref<8x50x64xf32, #tpu.memory_space<vmem>> -> memref<1x50x64xf32, #tpu.memory_space<vmem>>
      %dma_start3A_1441 = tpu.memref_squeeze %dma_start3A_1440 : memref<1x50x64xf32, #tpu.memory_space<vmem>> -> memref<50x64xf32, #tpu.memory_space<vmem>>
      %dma_start3A_1442 = arith.constant 0 : i32
      %dma_start3A_1443 = arith.constant 0 : i32
      %dma_start3A_1444 = tpu.memref_slice %arg5[%dma_start3A_1429, %dma_start3A_1442, %dma_start3A_1443] : memref<2x8x50xi32, #tpu.memory_space<vmem>> -> memref<1x8x50xi32, #tpu.memory_space<vmem>>
      %dma_start3A_1445 = tpu.memref_squeeze %dma_start3A_1444 : memref<1x8x50xi32, #tpu.memory_space<vmem>> -> memref<8x50xi32, #tpu.memory_space<vmem>>
      %dma_start3A_1446 = arith.constant 0 : i32
      %dma_start3A_1447 = tpu.memref_slice %dma_start3A_1445[%dma_start3A_1430, %dma_start3A_1446] : memref<8x50xi32, #tpu.memory_space<vmem>> -> memref<1x50xi32, #tpu.memory_space<vmem>>
      %dma_start3A_1448 = tpu.memref_squeeze %dma_start3A_1447 : memref<1x50xi32, #tpu.memory_space<vmem>> -> memref<50xi32, #tpu.memory_space<vmem>>
      %dma_start3A_1449 = arith.constant 0 : i32
      %dma_start3A_1450 = arith.constant 0 : i32
      %dma_start3A_1451 = tpu.memref_slice %arg3[%dma_start3A_1449, %dma_start3A_1450] : memref<1000000x64xf32, #tpu.memory_space<hbm>> -> memref<1000000x64xf32, #tpu.memory_space<hbm>>
      tpu.enqueue_indirect_dma source(%dma_start3A_1451 : memref<1000000x64xf32, #tpu.memory_space<hbm>>) target(%dma_start3A_1441 : memref<50x64xf32, #tpu.memory_space<vmem>>) offsets(%dma_start3A_1448 : memref<50xi32, #tpu.memory_space<vmem>>) semaphore(%arg8 : memref<!tpu.dma_semaphore, #tpu.memory_space<semaphore_mem>>)
      %dma_start3A_1452 = arith.constant 1 : i32
      %dma_start3A_1453 = arith.constant 5 : i32
      %dma_start3A_1454 = arith.constant 1 : i32
      %dma_start3A_1455 = arith.constant 5 : i32
      %dma_start3A_1456 = arith.constant 0 : i32
      %dma_start3A_1457 = arith.constant 0 : i32
      %dma_start3A_1458 = arith.constant 0 : i32
      %dma_start3A_1459 = tpu.memref_slice %arg6[%dma_start3A_1454, %dma_start3A_1456, %dma_start3A_1457, %dma_start3A_1458] : memref<2x8x50x64xf32, #tpu.memory_space<vmem>> -> memref<1x8x50x64xf32, #tpu.memory_space<vmem>>
      %dma_start3A_1460 = tpu.memref_squeeze %dma_start3A_1459 : memref<1x8x50x64xf32, #tpu.memory_space<vmem>> -> memref<8x50x64xf32, #tpu.memory_space<vmem>>
      %dma_start3A_1461 = arith.constant 0 : i32
      %dma_start3A_1462 = arith.constant 0 : i32
      %dma_start3A_1463 = tpu.memref_slice %dma_start3A_1460[%dma_start3A_1455, %dma_start3A_1461, %dma_start3A_1462] : memref<8x50x64xf32, #tpu.memory_space<vmem>> -> memref<1x50x64xf32, #tpu.memory_space<vmem>>
      %dma_start3A_1464 = tpu.memref_squeeze %dma_start3A_1463 : memref<1x50x64xf32, #tpu.memory_space<vmem>> -> memref<50x64xf32, #tpu.memory_space<vmem>>
      %dma_start3A_1465 = arith.constant 0 : i32
      %dma_start3A_1466 = arith.constant 0 : i32
      %dma_start3A_1467 = tpu.memref_slice %arg5[%dma_start3A_1452, %dma_start3A_1465, %dma_start3A_1466] : memref<2x8x50xi32, #tpu.memory_space<vmem>> -> memref<1x8x50xi32, #tpu.memory_space<vmem>>
      %dma_start3A_1468 = tpu.memref_squeeze %dma_start3A_1467 : memref<1x8x50xi32, #tpu.memory_space<vmem>> -> memref<8x50xi32, #tpu.memory_space<vmem>>
      %dma_start3A_1469 = arith.constant 0 : i32
      %dma_start3A_1470 = tpu.memref_slice %dma_start3A_1468[%dma_start3A_1453, %dma_start3A_1469] : memref<8x50xi32, #tpu.memory_space<vmem>> -> memref<1x50xi32, #tpu.memory_space<vmem>>
      %dma_start3A_1471 = tpu.memref_squeeze %dma_start3A_1470 : memref<1x50xi32, #tpu.memory_space<vmem>> -> memref<50xi32, #tpu.memory_space<vmem>>
      %dma_start3A_1472 = arith.constant 0 : i32
      %dma_start3A_1473 = arith.constant 0 : i32
      %dma_start3A_1474 = tpu.memref_slice %arg3[%dma_start3A_1472, %dma_start3A_1473] : memref<1000000x64xf32, #tpu.memory_space<hbm>> -> memref<1000000x64xf32, #tpu.memory_space<hbm>>
      tpu.enqueue_indirect_dma source(%dma_start3A_1474 : memref<1000000x64xf32, #tpu.memory_space<hbm>>) target(%dma_start3A_1464 : memref<50x64xf32, #tpu.memory_space<vmem>>) offsets(%dma_start3A_1471 : memref<50xi32, #tpu.memory_space<vmem>>) semaphore(%arg8 : memref<!tpu.dma_semaphore, #tpu.memory_space<semaphore_mem>>)
      %dma_start3A_1475 = arith.constant 1 : i32
      %dma_start3A_1476 = arith.constant 6 : i32
      %dma_start3A_1477 = arith.constant 1 : i32
      %dma_start3A_1478 = arith.constant 6 : i32
      %dma_start3A_1479 = arith.constant 0 : i32
      %dma_start3A_1480 = arith.constant 0 : i32
      %dma_start3A_1481 = arith.constant 0 : i32
      %dma_start3A_1482 = tpu.memref_slice %arg6[%dma_start3A_1477, %dma_start3A_1479, %dma_start3A_1480, %dma_start3A_1481] : memref<2x8x50x64xf32, #tpu.memory_space<vmem>> -> memref<1x8x50x64xf32, #tpu.memory_space<vmem>>
      %dma_start3A_1483 = tpu.memref_squeeze %dma_start3A_1482 : memref<1x8x50x64xf32, #tpu.memory_space<vmem>> -> memref<8x50x64xf32, #tpu.memory_space<vmem>>
      %dma_start3A_1484 = arith.constant 0 : i32
      %dma_start3A_1485 = arith.constant 0 : i32
      %dma_start3A_1486 = tpu.memref_slice %dma_start3A_1483[%dma_start3A_1478, %dma_start3A_1484, %dma_start3A_1485] : memref<8x50x64xf32, #tpu.memory_space<vmem>> -> memref<1x50x64xf32, #tpu.memory_space<vmem>>
      %dma_start3A_1487 = tpu.memref_squeeze %dma_start3A_1486 : memref<1x50x64xf32, #tpu.memory_space<vmem>> -> memref<50x64xf32, #tpu.memory_space<vmem>>
      %dma_start3A_1488 = arith.constant 0 : i32
      %dma_start3A_1489 = arith.constant 0 : i32
      %dma_start3A_1490 = tpu.memref_slice %arg5[%dma_start3A_1475, %dma_start3A_1488, %dma_start3A_1489] : memref<2x8x50xi32, #tpu.memory_space<vmem>> -> memref<1x8x50xi32, #tpu.memory_space<vmem>>
      %dma_start3A_1491 = tpu.memref_squeeze %dma_start3A_1490 : memref<1x8x50xi32, #tpu.memory_space<vmem>> -> memref<8x50xi32, #tpu.memory_space<vmem>>
      %dma_start3A_1492 = arith.constant 0 : i32
      %dma_start3A_1493 = tpu.memref_slice %dma_start3A_1491[%dma_start3A_1476, %dma_start3A_1492] : memref<8x50xi32, #tpu.memory_space<vmem>> -> memref<1x50xi32, #tpu.memory_space<vmem>>
      %dma_start3A_1494 = tpu.memref_squeeze %dma_start3A_1493 : memref<1x50xi32, #tpu.memory_space<vmem>> -> memref<50xi32, #tpu.memory_space<vmem>>
      %dma_start3A_1495 = arith.constant 0 : i32
      %dma_start3A_1496 = arith.constant 0 : i32
      %dma_start3A_1497 = tpu.memref_slice %arg3[%dma_start3A_1495, %dma_start3A_1496] : memref<1000000x64xf32, #tpu.memory_space<hbm>> -> memref<1000000x64xf32, #tpu.memory_space<hbm>>
      tpu.enqueue_indirect_dma source(%dma_start3A_1497 : memref<1000000x64xf32, #tpu.memory_space<hbm>>) target(%dma_start3A_1487 : memref<50x64xf32, #tpu.memory_space<vmem>>) offsets(%dma_start3A_1494 : memref<50xi32, #tpu.memory_space<vmem>>) semaphore(%arg8 : memref<!tpu.dma_semaphore, #tpu.memory_space<semaphore_mem>>)
      %dma_start3A_1498 = arith.constant 1 : i32
      %dma_start3A_1499 = arith.constant 7 : i32
      %dma_start3A_1500 = arith.constant 1 : i32
      %dma_start3A_1501 = arith.constant 7 : i32
      %dma_start3A_1502 = arith.constant 0 : i32
      %dma_start3A_1503 = arith.constant 0 : i32
      %dma_start3A_1504 = arith.constant 0 : i32
      %dma_start3A_1505 = tpu.memref_slice %arg6[%dma_start3A_1500, %dma_start3A_1502, %dma_start3A_1503, %dma_start3A_1504] : memref<2x8x50x64xf32, #tpu.memory_space<vmem>> -> memref<1x8x50x64xf32, #tpu.memory_space<vmem>>
      %dma_start3A_1506 = tpu.memref_squeeze %dma_start3A_1505 : memref<1x8x50x64xf32, #tpu.memory_space<vmem>> -> memref<8x50x64xf32, #tpu.memory_space<vmem>>
      %dma_start3A_1507 = arith.constant 0 : i32
      %dma_start3A_1508 = arith.constant 0 : i32
      %dma_start3A_1509 = tpu.memref_slice %dma_start3A_1506[%dma_start3A_1501, %dma_start3A_1507, %dma_start3A_1508] : memref<8x50x64xf32, #tpu.memory_space<vmem>> -> memref<1x50x64xf32, #tpu.memory_space<vmem>>
      %dma_start3A_1510 = tpu.memref_squeeze %dma_start3A_1509 : memref<1x50x64xf32, #tpu.memory_space<vmem>> -> memref<50x64xf32, #tpu.memory_space<vmem>>
      %dma_start3A_1511 = arith.constant 0 : i32
      %dma_start3A_1512 = arith.constant 0 : i32
      %dma_start3A_1513 = tpu.memref_slice %arg5[%dma_start3A_1498, %dma_start3A_1511, %dma_start3A_1512] : memref<2x8x50xi32, #tpu.memory_space<vmem>> -> memref<1x8x50xi32, #tpu.memory_space<vmem>>
      %dma_start3A_1514 = tpu.memref_squeeze %dma_start3A_1513 : memref<1x8x50xi32, #tpu.memory_space<vmem>> -> memref<8x50xi32, #tpu.memory_space<vmem>>
      %dma_start3A_1515 = arith.constant 0 : i32
      %dma_start3A_1516 = tpu.memref_slice %dma_start3A_1514[%dma_start3A_1499, %dma_start3A_1515] : memref<8x50xi32, #tpu.memory_space<vmem>> -> memref<1x50xi32, #tpu.memory_space<vmem>>
      %dma_start3A_1517 = tpu.memref_squeeze %dma_start3A_1516 : memref<1x50xi32, #tpu.memory_space<vmem>> -> memref<50xi32, #tpu.memory_space<vmem>>
      %dma_start3A_1518 = arith.constant 0 : i32
      %dma_start3A_1519 = arith.constant 0 : i32
      %dma_start3A_1520 = tpu.memref_slice %arg3[%dma_start3A_1518, %dma_start3A_1519] : memref<1000000x64xf32, #tpu.memory_space<hbm>> -> memref<1000000x64xf32, #tpu.memory_space<hbm>>
      tpu.enqueue_indirect_dma source(%dma_start3A_1520 : memref<1000000x64xf32, #tpu.memory_space<hbm>>) target(%dma_start3A_1510 : memref<50x64xf32, #tpu.memory_space<vmem>>) offsets(%dma_start3A_1517 : memref<50xi32, #tpu.memory_space<vmem>>) semaphore(%arg8 : memref<!tpu.dma_semaphore, #tpu.memory_space<semaphore_mem>>)
    }
    %scan3A_378 = arith.constant 31 : i32
    %dma_wait3A = arith.constant 0 : i32
    %dma_wait3A_379 = arith.constant 0 : i32
    %dma_wait3A_380 = arith.constant 0 : i32
    %dma_wait3A_381 = arith.constant 0 : i32
    %dma_wait3A_382 = arith.constant 0 : i32
    %dma_wait3A_383 = arith.constant 0 : i32
    %dma_wait3A_384 = arith.constant 0 : i32
    %dma_wait3A_385 = tpu.memref_slice %arg6[%dma_wait3A_380, %dma_wait3A_382, %dma_wait3A_383, %dma_wait3A_384] : memref<2x8x50x64xf32, #tpu.memory_space<vmem>> -> memref<1x8x50x64xf32, #tpu.memory_space<vmem>>
    %dma_wait3A_386 = tpu.memref_squeeze %dma_wait3A_385 : memref<1x8x50x64xf32, #tpu.memory_space<vmem>> -> memref<8x50x64xf32, #tpu.memory_space<vmem>>
    %dma_wait3A_387 = arith.constant 0 : i32
    %dma_wait3A_388 = arith.constant 0 : i32
    %dma_wait3A_389 = tpu.memref_slice %dma_wait3A_386[%dma_wait3A_381, %dma_wait3A_387, %dma_wait3A_388] : memref<8x50x64xf32, #tpu.memory_space<vmem>> -> memref<1x50x64xf32, #tpu.memory_space<vmem>>
    %dma_wait3A_390 = tpu.memref_squeeze %dma_wait3A_389 : memref<1x50x64xf32, #tpu.memory_space<vmem>> -> memref<50x64xf32, #tpu.memory_space<vmem>>
    %dma_wait3A_391 = arith.constant 0 : i32
    %dma_wait3A_392 = arith.constant 0 : i32
    %dma_wait3A_393 = tpu.memref_slice %arg5[%dma_wait3A, %dma_wait3A_391, %dma_wait3A_392] : memref<2x8x50xi32, #tpu.memory_space<vmem>> -> memref<1x8x50xi32, #tpu.memory_space<vmem>>
    %dma_wait3A_394 = tpu.memref_squeeze %dma_wait3A_393 : memref<1x8x50xi32, #tpu.memory_space<vmem>> -> memref<8x50xi32, #tpu.memory_space<vmem>>
    %dma_wait3A_395 = arith.constant 0 : i32
    %dma_wait3A_396 = tpu.memref_slice %dma_wait3A_394[%dma_wait3A_379, %dma_wait3A_395] : memref<8x50xi32, #tpu.memory_space<vmem>> -> memref<1x50xi32, #tpu.memory_space<vmem>>
    %dma_wait3A_397 = tpu.memref_squeeze %dma_wait3A_396 : memref<1x50xi32, #tpu.memory_space<vmem>> -> memref<50xi32, #tpu.memory_space<vmem>>
    %dma_wait3A_398 = arith.constant 0 : i32
    %dma_wait3A_399 = arith.constant 0 : i32
    %dma_wait3A_400 = tpu.memref_slice %arg3[%dma_wait3A_398, %dma_wait3A_399] : memref<1000000x64xf32, #tpu.memory_space<hbm>> -> memref<1000000x64xf32, #tpu.memory_space<hbm>>
    tpu.wait_indirect_dma semaphore(%arg7 : memref<!tpu.dma_semaphore, #tpu.memory_space<semaphore_mem>>) src(%dma_wait3A_400 : memref<1000000x64xf32, #tpu.memory_space<hbm>>) dst(%dma_wait3A_390 : memref<50x64xf32, #tpu.memory_space<vmem>>)
    %dma_wait3A_401 = arith.constant 0 : i32
    %dma_wait3A_402 = arith.constant 1 : i32
    %dma_wait3A_403 = arith.constant 0 : i32
    %dma_wait3A_404 = arith.constant 1 : i32
    %dma_wait3A_405 = arith.constant 0 : i32
    %dma_wait3A_406 = arith.constant 0 : i32
    %dma_wait3A_407 = arith.constant 0 : i32
    %dma_wait3A_408 = tpu.memref_slice %arg6[%dma_wait3A_403, %dma_wait3A_405, %dma_wait3A_406, %dma_wait3A_407] : memref<2x8x50x64xf32, #tpu.memory_space<vmem>> -> memref<1x8x50x64xf32, #tpu.memory_space<vmem>>
    %dma_wait3A_409 = tpu.memref_squeeze %dma_wait3A_408 : memref<1x8x50x64xf32, #tpu.memory_space<vmem>> -> memref<8x50x64xf32, #tpu.memory_space<vmem>>
    %dma_wait3A_410 = arith.constant 0 : i32
    %dma_wait3A_411 = arith.constant 0 : i32
    %dma_wait3A_412 = tpu.memref_slice %dma_wait3A_409[%dma_wait3A_404, %dma_wait3A_410, %dma_wait3A_411] : memref<8x50x64xf32, #tpu.memory_space<vmem>> -> memref<1x50x64xf32, #tpu.memory_space<vmem>>
    %dma_wait3A_413 = tpu.memref_squeeze %dma_wait3A_412 : memref<1x50x64xf32, #tpu.memory_space<vmem>> -> memref<50x64xf32, #tpu.memory_space<vmem>>
    %dma_wait3A_414 = arith.constant 0 : i32
    %dma_wait3A_415 = arith.constant 0 : i32
    %dma_wait3A_416 = tpu.memref_slice %arg5[%dma_wait3A_401, %dma_wait3A_414, %dma_wait3A_415] : memref<2x8x50xi32, #tpu.memory_space<vmem>> -> memref<1x8x50xi32, #tpu.memory_space<vmem>>
    %dma_wait3A_417 = tpu.memref_squeeze %dma_wait3A_416 : memref<1x8x50xi32, #tpu.memory_space<vmem>> -> memref<8x50xi32, #tpu.memory_space<vmem>>
    %dma_wait3A_418 = arith.constant 0 : i32
    %dma_wait3A_419 = tpu.memref_slice %dma_wait3A_417[%dma_wait3A_402, %dma_wait3A_418] : memref<8x50xi32, #tpu.memory_space<vmem>> -> memref<1x50xi32, #tpu.memory_space<vmem>>
    %dma_wait3A_420 = tpu.memref_squeeze %dma_wait3A_419 : memref<1x50xi32, #tpu.memory_space<vmem>> -> memref<50xi32, #tpu.memory_space<vmem>>
    %dma_wait3A_421 = arith.constant 0 : i32
    %dma_wait3A_422 = arith.constant 0 : i32
    %dma_wait3A_423 = tpu.memref_slice %arg3[%dma_wait3A_421, %dma_wait3A_422] : memref<1000000x64xf32, #tpu.memory_space<hbm>> -> memref<1000000x64xf32, #tpu.memory_space<hbm>>
    tpu.wait_indirect_dma semaphore(%arg7 : memref<!tpu.dma_semaphore, #tpu.memory_space<semaphore_mem>>) src(%dma_wait3A_423 : memref<1000000x64xf32, #tpu.memory_space<hbm>>) dst(%dma_wait3A_413 : memref<50x64xf32, #tpu.memory_space<vmem>>)
    %dma_wait3A_424 = arith.constant 0 : i32
    %dma_wait3A_425 = arith.constant 2 : i32
    %dma_wait3A_426 = arith.constant 0 : i32
    %dma_wait3A_427 = arith.constant 2 : i32
    %dma_wait3A_428 = arith.constant 0 : i32
    %dma_wait3A_429 = arith.constant 0 : i32
    %dma_wait3A_430 = arith.constant 0 : i32
    %dma_wait3A_431 = tpu.memref_slice %arg6[%dma_wait3A_426, %dma_wait3A_428, %dma_wait3A_429, %dma_wait3A_430] : memref<2x8x50x64xf32, #tpu.memory_space<vmem>> -> memref<1x8x50x64xf32, #tpu.memory_space<vmem>>
    %dma_wait3A_432 = tpu.memref_squeeze %dma_wait3A_431 : memref<1x8x50x64xf32, #tpu.memory_space<vmem>> -> memref<8x50x64xf32, #tpu.memory_space<vmem>>
    %dma_wait3A_433 = arith.constant 0 : i32
    %dma_wait3A_434 = arith.constant 0 : i32
    %dma_wait3A_435 = tpu.memref_slice %dma_wait3A_432[%dma_wait3A_427, %dma_wait3A_433, %dma_wait3A_434] : memref<8x50x64xf32, #tpu.memory_space<vmem>> -> memref<1x50x64xf32, #tpu.memory_space<vmem>>
    %dma_wait3A_436 = tpu.memref_squeeze %dma_wait3A_435 : memref<1x50x64xf32, #tpu.memory_space<vmem>> -> memref<50x64xf32, #tpu.memory_space<vmem>>
    %dma_wait3A_437 = arith.constant 0 : i32
    %dma_wait3A_438 = arith.constant 0 : i32
    %dma_wait3A_439 = tpu.memref_slice %arg5[%dma_wait3A_424, %dma_wait3A_437, %dma_wait3A_438] : memref<2x8x50xi32, #tpu.memory_space<vmem>> -> memref<1x8x50xi32, #tpu.memory_space<vmem>>
    %dma_wait3A_440 = tpu.memref_squeeze %dma_wait3A_439 : memref<1x8x50xi32, #tpu.memory_space<vmem>> -> memref<8x50xi32, #tpu.memory_space<vmem>>
    %dma_wait3A_441 = arith.constant 0 : i32
    %dma_wait3A_442 = tpu.memref_slice %dma_wait3A_440[%dma_wait3A_425, %dma_wait3A_441] : memref<8x50xi32, #tpu.memory_space<vmem>> -> memref<1x50xi32, #tpu.memory_space<vmem>>
    %dma_wait3A_443 = tpu.memref_squeeze %dma_wait3A_442 : memref<1x50xi32, #tpu.memory_space<vmem>> -> memref<50xi32, #tpu.memory_space<vmem>>
    %dma_wait3A_444 = arith.constant 0 : i32
    %dma_wait3A_445 = arith.constant 0 : i32
    %dma_wait3A_446 = tpu.memref_slice %arg3[%dma_wait3A_444, %dma_wait3A_445] : memref<1000000x64xf32, #tpu.memory_space<hbm>> -> memref<1000000x64xf32, #tpu.memory_space<hbm>>
    tpu.wait_indirect_dma semaphore(%arg7 : memref<!tpu.dma_semaphore, #tpu.memory_space<semaphore_mem>>) src(%dma_wait3A_446 : memref<1000000x64xf32, #tpu.memory_space<hbm>>) dst(%dma_wait3A_436 : memref<50x64xf32, #tpu.memory_space<vmem>>)
    %dma_wait3A_447 = arith.constant 0 : i32
    %dma_wait3A_448 = arith.constant 3 : i32
    %dma_wait3A_449 = arith.constant 0 : i32
    %dma_wait3A_450 = arith.constant 3 : i32
    %dma_wait3A_451 = arith.constant 0 : i32
    %dma_wait3A_452 = arith.constant 0 : i32
    %dma_wait3A_453 = arith.constant 0 : i32
    %dma_wait3A_454 = tpu.memref_slice %arg6[%dma_wait3A_449, %dma_wait3A_451, %dma_wait3A_452, %dma_wait3A_453] : memref<2x8x50x64xf32, #tpu.memory_space<vmem>> -> memref<1x8x50x64xf32, #tpu.memory_space<vmem>>
    %dma_wait3A_455 = tpu.memref_squeeze %dma_wait3A_454 : memref<1x8x50x64xf32, #tpu.memory_space<vmem>> -> memref<8x50x64xf32, #tpu.memory_space<vmem>>
    %dma_wait3A_456 = arith.constant 0 : i32
    %dma_wait3A_457 = arith.constant 0 : i32
    %dma_wait3A_458 = tpu.memref_slice %dma_wait3A_455[%dma_wait3A_450, %dma_wait3A_456, %dma_wait3A_457] : memref<8x50x64xf32, #tpu.memory_space<vmem>> -> memref<1x50x64xf32, #tpu.memory_space<vmem>>
    %dma_wait3A_459 = tpu.memref_squeeze %dma_wait3A_458 : memref<1x50x64xf32, #tpu.memory_space<vmem>> -> memref<50x64xf32, #tpu.memory_space<vmem>>
    %dma_wait3A_460 = arith.constant 0 : i32
    %dma_wait3A_461 = arith.constant 0 : i32
    %dma_wait3A_462 = tpu.memref_slice %arg5[%dma_wait3A_447, %dma_wait3A_460, %dma_wait3A_461] : memref<2x8x50xi32, #tpu.memory_space<vmem>> -> memref<1x8x50xi32, #tpu.memory_space<vmem>>
    %dma_wait3A_463 = tpu.memref_squeeze %dma_wait3A_462 : memref<1x8x50xi32, #tpu.memory_space<vmem>> -> memref<8x50xi32, #tpu.memory_space<vmem>>
    %dma_wait3A_464 = arith.constant 0 : i32
    %dma_wait3A_465 = tpu.memref_slice %dma_wait3A_463[%dma_wait3A_448, %dma_wait3A_464] : memref<8x50xi32, #tpu.memory_space<vmem>> -> memref<1x50xi32, #tpu.memory_space<vmem>>
    %dma_wait3A_466 = tpu.memref_squeeze %dma_wait3A_465 : memref<1x50xi32, #tpu.memory_space<vmem>> -> memref<50xi32, #tpu.memory_space<vmem>>
    %dma_wait3A_467 = arith.constant 0 : i32
    %dma_wait3A_468 = arith.constant 0 : i32
    %dma_wait3A_469 = tpu.memref_slice %arg3[%dma_wait3A_467, %dma_wait3A_468] : memref<1000000x64xf32, #tpu.memory_space<hbm>> -> memref<1000000x64xf32, #tpu.memory_space<hbm>>
    tpu.wait_indirect_dma semaphore(%arg7 : memref<!tpu.dma_semaphore, #tpu.memory_space<semaphore_mem>>) src(%dma_wait3A_469 : memref<1000000x64xf32, #tpu.memory_space<hbm>>) dst(%dma_wait3A_459 : memref<50x64xf32, #tpu.memory_space<vmem>>)
    %dma_wait3A_470 = arith.constant 0 : i32
    %dma_wait3A_471 = arith.constant 4 : i32
    %dma_wait3A_472 = arith.constant 0 : i32
    %dma_wait3A_473 = arith.constant 4 : i32
    %dma_wait3A_474 = arith.constant 0 : i32
    %dma_wait3A_475 = arith.constant 0 : i32
    %dma_wait3A_476 = arith.constant 0 : i32
    %dma_wait3A_477 = tpu.memref_slice %arg6[%dma_wait3A_472, %dma_wait3A_474, %dma_wait3A_475, %dma_wait3A_476] : memref<2x8x50x64xf32, #tpu.memory_space<vmem>> -> memref<1x8x50x64xf32, #tpu.memory_space<vmem>>
    %dma_wait3A_478 = tpu.memref_squeeze %dma_wait3A_477 : memref<1x8x50x64xf32, #tpu.memory_space<vmem>> -> memref<8x50x64xf32, #tpu.memory_space<vmem>>
    %dma_wait3A_479 = arith.constant 0 : i32
    %dma_wait3A_480 = arith.constant 0 : i32
    %dma_wait3A_481 = tpu.memref_slice %dma_wait3A_478[%dma_wait3A_473, %dma_wait3A_479, %dma_wait3A_480] : memref<8x50x64xf32, #tpu.memory_space<vmem>> -> memref<1x50x64xf32, #tpu.memory_space<vmem>>
    %dma_wait3A_482 = tpu.memref_squeeze %dma_wait3A_481 : memref<1x50x64xf32, #tpu.memory_space<vmem>> -> memref<50x64xf32, #tpu.memory_space<vmem>>
    %dma_wait3A_483 = arith.constant 0 : i32
    %dma_wait3A_484 = arith.constant 0 : i32
    %dma_wait3A_485 = tpu.memref_slice %arg5[%dma_wait3A_470, %dma_wait3A_483, %dma_wait3A_484] : memref<2x8x50xi32, #tpu.memory_space<vmem>> -> memref<1x8x50xi32, #tpu.memory_space<vmem>>
    %dma_wait3A_486 = tpu.memref_squeeze %dma_wait3A_485 : memref<1x8x50xi32, #tpu.memory_space<vmem>> -> memref<8x50xi32, #tpu.memory_space<vmem>>
    %dma_wait3A_487 = arith.constant 0 : i32
    %dma_wait3A_488 = tpu.memref_slice %dma_wait3A_486[%dma_wait3A_471, %dma_wait3A_487] : memref<8x50xi32, #tpu.memory_space<vmem>> -> memref<1x50xi32, #tpu.memory_space<vmem>>
    %dma_wait3A_489 = tpu.memref_squeeze %dma_wait3A_488 : memref<1x50xi32, #tpu.memory_space<vmem>> -> memref<50xi32, #tpu.memory_space<vmem>>
    %dma_wait3A_490 = arith.constant 0 : i32
    %dma_wait3A_491 = arith.constant 0 : i32
    %dma_wait3A_492 = tpu.memref_slice %arg3[%dma_wait3A_490, %dma_wait3A_491] : memref<1000000x64xf32, #tpu.memory_space<hbm>> -> memref<1000000x64xf32, #tpu.memory_space<hbm>>
    tpu.wait_indirect_dma semaphore(%arg7 : memref<!tpu.dma_semaphore, #tpu.memory_space<semaphore_mem>>) src(%dma_wait3A_492 : memref<1000000x64xf32, #tpu.memory_space<hbm>>) dst(%dma_wait3A_482 : memref<50x64xf32, #tpu.memory_space<vmem>>)
    %dma_wait3A_493 = arith.constant 0 : i32
    %dma_wait3A_494 = arith.constant 5 : i32
    %dma_wait3A_495 = arith.constant 0 : i32
    %dma_wait3A_496 = arith.constant 5 : i32
    %dma_wait3A_497 = arith.constant 0 : i32
    %dma_wait3A_498 = arith.constant 0 : i32
    %dma_wait3A_499 = arith.constant 0 : i32
    %dma_wait3A_500 = tpu.memref_slice %arg6[%dma_wait3A_495, %dma_wait3A_497, %dma_wait3A_498, %dma_wait3A_499] : memref<2x8x50x64xf32, #tpu.memory_space<vmem>> -> memref<1x8x50x64xf32, #tpu.memory_space<vmem>>
    %dma_wait3A_501 = tpu.memref_squeeze %dma_wait3A_500 : memref<1x8x50x64xf32, #tpu.memory_space<vmem>> -> memref<8x50x64xf32, #tpu.memory_space<vmem>>
    %dma_wait3A_502 = arith.constant 0 : i32
    %dma_wait3A_503 = arith.constant 0 : i32
    %dma_wait3A_504 = tpu.memref_slice %dma_wait3A_501[%dma_wait3A_496, %dma_wait3A_502, %dma_wait3A_503] : memref<8x50x64xf32, #tpu.memory_space<vmem>> -> memref<1x50x64xf32, #tpu.memory_space<vmem>>
    %dma_wait3A_505 = tpu.memref_squeeze %dma_wait3A_504 : memref<1x50x64xf32, #tpu.memory_space<vmem>> -> memref<50x64xf32, #tpu.memory_space<vmem>>
    %dma_wait3A_506 = arith.constant 0 : i32
    %dma_wait3A_507 = arith.constant 0 : i32
    %dma_wait3A_508 = tpu.memref_slice %arg5[%dma_wait3A_493, %dma_wait3A_506, %dma_wait3A_507] : memref<2x8x50xi32, #tpu.memory_space<vmem>> -> memref<1x8x50xi32, #tpu.memory_space<vmem>>
    %dma_wait3A_509 = tpu.memref_squeeze %dma_wait3A_508 : memref<1x8x50xi32, #tpu.memory_space<vmem>> -> memref<8x50xi32, #tpu.memory_space<vmem>>
    %dma_wait3A_510 = arith.constant 0 : i32
    %dma_wait3A_511 = tpu.memref_slice %dma_wait3A_509[%dma_wait3A_494, %dma_wait3A_510] : memref<8x50xi32, #tpu.memory_space<vmem>> -> memref<1x50xi32, #tpu.memory_space<vmem>>
    %dma_wait3A_512 = tpu.memref_squeeze %dma_wait3A_511 : memref<1x50xi32, #tpu.memory_space<vmem>> -> memref<50xi32, #tpu.memory_space<vmem>>
    %dma_wait3A_513 = arith.constant 0 : i32
    %dma_wait3A_514 = arith.constant 0 : i32
    %dma_wait3A_515 = tpu.memref_slice %arg3[%dma_wait3A_513, %dma_wait3A_514] : memref<1000000x64xf32, #tpu.memory_space<hbm>> -> memref<1000000x64xf32, #tpu.memory_space<hbm>>
    tpu.wait_indirect_dma semaphore(%arg7 : memref<!tpu.dma_semaphore, #tpu.memory_space<semaphore_mem>>) src(%dma_wait3A_515 : memref<1000000x64xf32, #tpu.memory_space<hbm>>) dst(%dma_wait3A_505 : memref<50x64xf32, #tpu.memory_space<vmem>>)
    %dma_wait3A_516 = arith.constant 0 : i32
    %dma_wait3A_517 = arith.constant 6 : i32
    %dma_wait3A_518 = arith.constant 0 : i32
    %dma_wait3A_519 = arith.constant 6 : i32
    %dma_wait3A_520 = arith.constant 0 : i32
    %dma_wait3A_521 = arith.constant 0 : i32
    %dma_wait3A_522 = arith.constant 0 : i32
    %dma_wait3A_523 = tpu.memref_slice %arg6[%dma_wait3A_518, %dma_wait3A_520, %dma_wait3A_521, %dma_wait3A_522] : memref<2x8x50x64xf32, #tpu.memory_space<vmem>> -> memref<1x8x50x64xf32, #tpu.memory_space<vmem>>
    %dma_wait3A_524 = tpu.memref_squeeze %dma_wait3A_523 : memref<1x8x50x64xf32, #tpu.memory_space<vmem>> -> memref<8x50x64xf32, #tpu.memory_space<vmem>>
    %dma_wait3A_525 = arith.constant 0 : i32
    %dma_wait3A_526 = arith.constant 0 : i32
    %dma_wait3A_527 = tpu.memref_slice %dma_wait3A_524[%dma_wait3A_519, %dma_wait3A_525, %dma_wait3A_526] : memref<8x50x64xf32, #tpu.memory_space<vmem>> -> memref<1x50x64xf32, #tpu.memory_space<vmem>>
    %dma_wait3A_528 = tpu.memref_squeeze %dma_wait3A_527 : memref<1x50x64xf32, #tpu.memory_space<vmem>> -> memref<50x64xf32, #tpu.memory_space<vmem>>
    %dma_wait3A_529 = arith.constant 0 : i32
    %dma_wait3A_530 = arith.constant 0 : i32
    %dma_wait3A_531 = tpu.memref_slice %arg5[%dma_wait3A_516, %dma_wait3A_529, %dma_wait3A_530] : memref<2x8x50xi32, #tpu.memory_space<vmem>> -> memref<1x8x50xi32, #tpu.memory_space<vmem>>
    %dma_wait3A_532 = tpu.memref_squeeze %dma_wait3A_531 : memref<1x8x50xi32, #tpu.memory_space<vmem>> -> memref<8x50xi32, #tpu.memory_space<vmem>>
    %dma_wait3A_533 = arith.constant 0 : i32
    %dma_wait3A_534 = tpu.memref_slice %dma_wait3A_532[%dma_wait3A_517, %dma_wait3A_533] : memref<8x50xi32, #tpu.memory_space<vmem>> -> memref<1x50xi32, #tpu.memory_space<vmem>>
    %dma_wait3A_535 = tpu.memref_squeeze %dma_wait3A_534 : memref<1x50xi32, #tpu.memory_space<vmem>> -> memref<50xi32, #tpu.memory_space<vmem>>
    %dma_wait3A_536 = arith.constant 0 : i32
    %dma_wait3A_537 = arith.constant 0 : i32
    %dma_wait3A_538 = tpu.memref_slice %arg3[%dma_wait3A_536, %dma_wait3A_537] : memref<1000000x64xf32, #tpu.memory_space<hbm>> -> memref<1000000x64xf32, #tpu.memory_space<hbm>>
    tpu.wait_indirect_dma semaphore(%arg7 : memref<!tpu.dma_semaphore, #tpu.memory_space<semaphore_mem>>) src(%dma_wait3A_538 : memref<1000000x64xf32, #tpu.memory_space<hbm>>) dst(%dma_wait3A_528 : memref<50x64xf32, #tpu.memory_space<vmem>>)
    %dma_wait3A_539 = arith.constant 0 : i32
    %dma_wait3A_540 = arith.constant 7 : i32
    %dma_wait3A_541 = arith.constant 0 : i32
    %dma_wait3A_542 = arith.constant 7 : i32
    %dma_wait3A_543 = arith.constant 0 : i32
    %dma_wait3A_544 = arith.constant 0 : i32
    %dma_wait3A_545 = arith.constant 0 : i32
    %dma_wait3A_546 = tpu.memref_slice %arg6[%dma_wait3A_541, %dma_wait3A_543, %dma_wait3A_544, %dma_wait3A_545] : memref<2x8x50x64xf32, #tpu.memory_space<vmem>> -> memref<1x8x50x64xf32, #tpu.memory_space<vmem>>
    %dma_wait3A_547 = tpu.memref_squeeze %dma_wait3A_546 : memref<1x8x50x64xf32, #tpu.memory_space<vmem>> -> memref<8x50x64xf32, #tpu.memory_space<vmem>>
    %dma_wait3A_548 = arith.constant 0 : i32
    %dma_wait3A_549 = arith.constant 0 : i32
    %dma_wait3A_550 = tpu.memref_slice %dma_wait3A_547[%dma_wait3A_542, %dma_wait3A_548, %dma_wait3A_549] : memref<8x50x64xf32, #tpu.memory_space<vmem>> -> memref<1x50x64xf32, #tpu.memory_space<vmem>>
    %dma_wait3A_551 = tpu.memref_squeeze %dma_wait3A_550 : memref<1x50x64xf32, #tpu.memory_space<vmem>> -> memref<50x64xf32, #tpu.memory_space<vmem>>
    %dma_wait3A_552 = arith.constant 0 : i32
    %dma_wait3A_553 = arith.constant 0 : i32
    %dma_wait3A_554 = tpu.memref_slice %arg5[%dma_wait3A_539, %dma_wait3A_552, %dma_wait3A_553] : memref<2x8x50xi32, #tpu.memory_space<vmem>> -> memref<1x8x50xi32, #tpu.memory_space<vmem>>
    %dma_wait3A_555 = tpu.memref_squeeze %dma_wait3A_554 : memref<1x8x50xi32, #tpu.memory_space<vmem>> -> memref<8x50xi32, #tpu.memory_space<vmem>>
    %dma_wait3A_556 = arith.constant 0 : i32
    %dma_wait3A_557 = tpu.memref_slice %dma_wait3A_555[%dma_wait3A_540, %dma_wait3A_556] : memref<8x50xi32, #tpu.memory_space<vmem>> -> memref<1x50xi32, #tpu.memory_space<vmem>>
    %dma_wait3A_558 = tpu.memref_squeeze %dma_wait3A_557 : memref<1x50xi32, #tpu.memory_space<vmem>> -> memref<50xi32, #tpu.memory_space<vmem>>
    %dma_wait3A_559 = arith.constant 0 : i32
    %dma_wait3A_560 = arith.constant 0 : i32
    %dma_wait3A_561 = tpu.memref_slice %arg3[%dma_wait3A_559, %dma_wait3A_560] : memref<1000000x64xf32, #tpu.memory_space<hbm>> -> memref<1000000x64xf32, #tpu.memory_space<hbm>>
    tpu.wait_indirect_dma semaphore(%arg7 : memref<!tpu.dma_semaphore, #tpu.memory_space<semaphore_mem>>) src(%dma_wait3A_561 : memref<1000000x64xf32, #tpu.memory_space<hbm>>) dst(%dma_wait3A_551 : memref<50x64xf32, #tpu.memory_space<vmem>>)
    %add3A_562 = arith.constant 496 : i32
    %add3A_563 = arith.addi %mul3A_2, %add3A_562 : i32
    %run_scoped3A_564 = arith.constant 0 : i32
    "tpu.region"() ({
      %run_scoped3A_752 = tpu.sem_alloc : memref<!tpu.dma_semaphore, #tpu.memory_space<semaphore_mem>>
      %dma_start3A_753 = arith.constant 0 : i32
      %dma_start3A_754 = arith.constant 0 : i32
      %dma_start3A_755 = arith.constant 0 : i32
      %dma_start3A_756 = tpu.memref_slice %arg6[%run_scoped3A_564, %dma_start3A_753, %dma_start3A_754, %dma_start3A_755] : memref<2x8x50x64xf32, #tpu.memory_space<vmem>> -> memref<1x8x50x64xf32, #tpu.memory_space<vmem>>
      %dma_start3A_757 = tpu.memref_squeeze %dma_start3A_756 : memref<1x8x50x64xf32, #tpu.memory_space<vmem>> -> memref<8x50x64xf32, #tpu.memory_space<vmem>>
      %dma_start3A_758 = arith.constant 0 : i32
      %dma_start3A_759 = arith.constant 0 : i32
      %dma_start3A_760 = tpu.memref_slice %arg4[%add3A_563, %dma_start3A_758, %dma_start3A_759] : memref<16384x50x64xf32, #tpu.memory_space<hbm>> -> memref<8x50x64xf32, #tpu.memory_space<hbm>>
      %dma_start3A_761 = arith.constant 0 : i32
      %dma_start3A_762 = arith.constant 0 : i32
      %dma_start3A_763 = tpu.memref_slice %arg4[%add3A_563, %dma_start3A_761, %dma_start3A_762] : memref<16384x50x64xf32, #tpu.memory_space<hbm>> -> memref<8x50x64xf32, #tpu.memory_space<hbm>>
      %dma_start3A_764 = arith.constant 0 : i32
      %dma_start3A_765 = arith.constant 0 : i32
      %dma_start3A_766 = arith.constant 0 : i32
      %dma_start3A_767 = tpu.memref_slice %arg6[%run_scoped3A_564, %dma_start3A_764, %dma_start3A_765, %dma_start3A_766] : memref<2x8x50x64xf32, #tpu.memory_space<vmem>> -> memref<1x8x50x64xf32, #tpu.memory_space<vmem>>
      %dma_start3A_768 = tpu.memref_squeeze %dma_start3A_767 : memref<1x8x50x64xf32, #tpu.memory_space<vmem>> -> memref<8x50x64xf32, #tpu.memory_space<vmem>>
      tpu.enqueue_dma source(%dma_start3A_768 : memref<8x50x64xf32, #tpu.memory_space<vmem>>) target(%dma_start3A_763 : memref<8x50x64xf32, #tpu.memory_space<hbm>>) target_semaphore(%run_scoped3A_752 : memref<!tpu.dma_semaphore, #tpu.memory_space<semaphore_mem>>)
      %dma_wait3A_769 = arith.constant 0 : i32
      %dma_wait3A_770 = arith.constant 0 : i32
      %dma_wait3A_771 = arith.constant 0 : i32
      %dma_wait3A_772 = tpu.memref_slice %arg6[%run_scoped3A_564, %dma_wait3A_769, %dma_wait3A_770, %dma_wait3A_771] : memref<2x8x50x64xf32, #tpu.memory_space<vmem>> -> memref<1x8x50x64xf32, #tpu.memory_space<vmem>>
      %dma_wait3A_773 = tpu.memref_squeeze %dma_wait3A_772 : memref<1x8x50x64xf32, #tpu.memory_space<vmem>> -> memref<8x50x64xf32, #tpu.memory_space<vmem>>
      %dma_wait3A_774 = arith.constant 0 : i32
      %dma_wait3A_775 = arith.constant 0 : i32
      %dma_wait3A_776 = tpu.memref_slice %arg4[%add3A_563, %dma_wait3A_774, %dma_wait3A_775] : memref<16384x50x64xf32, #tpu.memory_space<hbm>> -> memref<8x50x64xf32, #tpu.memory_space<hbm>>
      %dma_wait3A_777 = arith.constant 0 : i32
      %dma_wait3A_778 = arith.constant 0 : i32
      %dma_wait3A_779 = tpu.memref_slice %arg4[%add3A_563, %dma_wait3A_777, %dma_wait3A_778] : memref<16384x50x64xf32, #tpu.memory_space<hbm>> -> memref<8x50x64xf32, #tpu.memory_space<hbm>>
      %dma_wait3A_780 = arith.constant 0 : i32
      %dma_wait3A_781 = arith.constant 0 : i32
      %dma_wait3A_782 = arith.constant 0 : i32
      %dma_wait3A_783 = tpu.memref_slice %arg6[%run_scoped3A_564, %dma_wait3A_780, %dma_wait3A_781, %dma_wait3A_782] : memref<2x8x50x64xf32, #tpu.memory_space<vmem>> -> memref<1x8x50x64xf32, #tpu.memory_space<vmem>>
      %dma_wait3A_784 = tpu.memref_squeeze %dma_wait3A_783 : memref<1x8x50x64xf32, #tpu.memory_space<vmem>> -> memref<8x50x64xf32, #tpu.memory_space<vmem>>
      tpu.wait_dma2 semaphore(%run_scoped3A_752 : memref<!tpu.dma_semaphore, #tpu.memory_space<semaphore_mem>>) src(%dma_wait3A_784 : memref<8x50x64xf32, #tpu.memory_space<vmem>>) dst(%dma_wait3A_779 : memref<8x50x64xf32, #tpu.memory_space<hbm>>)
      tpu.yield
    }) : () -> ()
    %dma_wait3A_565 = arith.constant 1 : i32
    %dma_wait3A_566 = arith.constant 0 : i32
    %dma_wait3A_567 = arith.constant 1 : i32
    %dma_wait3A_568 = arith.constant 0 : i32
    %dma_wait3A_569 = arith.constant 0 : i32
    %dma_wait3A_570 = arith.constant 0 : i32
    %dma_wait3A_571 = arith.constant 0 : i32
    %dma_wait3A_572 = tpu.memref_slice %arg6[%dma_wait3A_567, %dma_wait3A_569, %dma_wait3A_570, %dma_wait3A_571] : memref<2x8x50x64xf32, #tpu.memory_space<vmem>> -> memref<1x8x50x64xf32, #tpu.memory_space<vmem>>
    %dma_wait3A_573 = tpu.memref_squeeze %dma_wait3A_572 : memref<1x8x50x64xf32, #tpu.memory_space<vmem>> -> memref<8x50x64xf32, #tpu.memory_space<vmem>>
    %dma_wait3A_574 = arith.constant 0 : i32
    %dma_wait3A_575 = arith.constant 0 : i32
    %dma_wait3A_576 = tpu.memref_slice %dma_wait3A_573[%dma_wait3A_568, %dma_wait3A_574, %dma_wait3A_575] : memref<8x50x64xf32, #tpu.memory_space<vmem>> -> memref<1x50x64xf32, #tpu.memory_space<vmem>>
    %dma_wait3A_577 = tpu.memref_squeeze %dma_wait3A_576 : memref<1x50x64xf32, #tpu.memory_space<vmem>> -> memref<50x64xf32, #tpu.memory_space<vmem>>
    %dma_wait3A_578 = arith.constant 0 : i32
    %dma_wait3A_579 = arith.constant 0 : i32
    %dma_wait3A_580 = tpu.memref_slice %arg5[%dma_wait3A_565, %dma_wait3A_578, %dma_wait3A_579] : memref<2x8x50xi32, #tpu.memory_space<vmem>> -> memref<1x8x50xi32, #tpu.memory_space<vmem>>
    %dma_wait3A_581 = tpu.memref_squeeze %dma_wait3A_580 : memref<1x8x50xi32, #tpu.memory_space<vmem>> -> memref<8x50xi32, #tpu.memory_space<vmem>>
    %dma_wait3A_582 = arith.constant 0 : i32
    %dma_wait3A_583 = tpu.memref_slice %dma_wait3A_581[%dma_wait3A_566, %dma_wait3A_582] : memref<8x50xi32, #tpu.memory_space<vmem>> -> memref<1x50xi32, #tpu.memory_space<vmem>>
    %dma_wait3A_584 = tpu.memref_squeeze %dma_wait3A_583 : memref<1x50xi32, #tpu.memory_space<vmem>> -> memref<50xi32, #tpu.memory_space<vmem>>
    %dma_wait3A_585 = arith.constant 0 : i32
    %dma_wait3A_586 = arith.constant 0 : i32
    %dma_wait3A_587 = tpu.memref_slice %arg3[%dma_wait3A_585, %dma_wait3A_586] : memref<1000000x64xf32, #tpu.memory_space<hbm>> -> memref<1000000x64xf32, #tpu.memory_space<hbm>>
    tpu.wait_indirect_dma semaphore(%arg8 : memref<!tpu.dma_semaphore, #tpu.memory_space<semaphore_mem>>) src(%dma_wait3A_587 : memref<1000000x64xf32, #tpu.memory_space<hbm>>) dst(%dma_wait3A_577 : memref<50x64xf32, #tpu.memory_space<vmem>>)
    %dma_wait3A_588 = arith.constant 1 : i32
    %dma_wait3A_589 = arith.constant 1 : i32
    %dma_wait3A_590 = arith.constant 1 : i32
    %dma_wait3A_591 = arith.constant 1 : i32
    %dma_wait3A_592 = arith.constant 0 : i32
    %dma_wait3A_593 = arith.constant 0 : i32
    %dma_wait3A_594 = arith.constant 0 : i32
    %dma_wait3A_595 = tpu.memref_slice %arg6[%dma_wait3A_590, %dma_wait3A_592, %dma_wait3A_593, %dma_wait3A_594] : memref<2x8x50x64xf32, #tpu.memory_space<vmem>> -> memref<1x8x50x64xf32, #tpu.memory_space<vmem>>
    %dma_wait3A_596 = tpu.memref_squeeze %dma_wait3A_595 : memref<1x8x50x64xf32, #tpu.memory_space<vmem>> -> memref<8x50x64xf32, #tpu.memory_space<vmem>>
    %dma_wait3A_597 = arith.constant 0 : i32
    %dma_wait3A_598 = arith.constant 0 : i32
    %dma_wait3A_599 = tpu.memref_slice %dma_wait3A_596[%dma_wait3A_591, %dma_wait3A_597, %dma_wait3A_598] : memref<8x50x64xf32, #tpu.memory_space<vmem>> -> memref<1x50x64xf32, #tpu.memory_space<vmem>>
    %dma_wait3A_600 = tpu.memref_squeeze %dma_wait3A_599 : memref<1x50x64xf32, #tpu.memory_space<vmem>> -> memref<50x64xf32, #tpu.memory_space<vmem>>
    %dma_wait3A_601 = arith.constant 0 : i32
    %dma_wait3A_602 = arith.constant 0 : i32
    %dma_wait3A_603 = tpu.memref_slice %arg5[%dma_wait3A_588, %dma_wait3A_601, %dma_wait3A_602] : memref<2x8x50xi32, #tpu.memory_space<vmem>> -> memref<1x8x50xi32, #tpu.memory_space<vmem>>
    %dma_wait3A_604 = tpu.memref_squeeze %dma_wait3A_603 : memref<1x8x50xi32, #tpu.memory_space<vmem>> -> memref<8x50xi32, #tpu.memory_space<vmem>>
    %dma_wait3A_605 = arith.constant 0 : i32
    %dma_wait3A_606 = tpu.memref_slice %dma_wait3A_604[%dma_wait3A_589, %dma_wait3A_605] : memref<8x50xi32, #tpu.memory_space<vmem>> -> memref<1x50xi32, #tpu.memory_space<vmem>>
    %dma_wait3A_607 = tpu.memref_squeeze %dma_wait3A_606 : memref<1x50xi32, #tpu.memory_space<vmem>> -> memref<50xi32, #tpu.memory_space<vmem>>
    %dma_wait3A_608 = arith.constant 0 : i32
    %dma_wait3A_609 = arith.constant 0 : i32
    %dma_wait3A_610 = tpu.memref_slice %arg3[%dma_wait3A_608, %dma_wait3A_609] : memref<1000000x64xf32, #tpu.memory_space<hbm>> -> memref<1000000x64xf32, #tpu.memory_space<hbm>>
    tpu.wait_indirect_dma semaphore(%arg8 : memref<!tpu.dma_semaphore, #tpu.memory_space<semaphore_mem>>) src(%dma_wait3A_610 : memref<1000000x64xf32, #tpu.memory_space<hbm>>) dst(%dma_wait3A_600 : memref<50x64xf32, #tpu.memory_space<vmem>>)
    %dma_wait3A_611 = arith.constant 1 : i32
    %dma_wait3A_612 = arith.constant 2 : i32
    %dma_wait3A_613 = arith.constant 1 : i32
    %dma_wait3A_614 = arith.constant 2 : i32
    %dma_wait3A_615 = arith.constant 0 : i32
    %dma_wait3A_616 = arith.constant 0 : i32
    %dma_wait3A_617 = arith.constant 0 : i32
    %dma_wait3A_618 = tpu.memref_slice %arg6[%dma_wait3A_613, %dma_wait3A_615, %dma_wait3A_616, %dma_wait3A_617] : memref<2x8x50x64xf32, #tpu.memory_space<vmem>> -> memref<1x8x50x64xf32, #tpu.memory_space<vmem>>
    %dma_wait3A_619 = tpu.memref_squeeze %dma_wait3A_618 : memref<1x8x50x64xf32, #tpu.memory_space<vmem>> -> memref<8x50x64xf32, #tpu.memory_space<vmem>>
    %dma_wait3A_620 = arith.constant 0 : i32
    %dma_wait3A_621 = arith.constant 0 : i32
    %dma_wait3A_622 = tpu.memref_slice %dma_wait3A_619[%dma_wait3A_614, %dma_wait3A_620, %dma_wait3A_621] : memref<8x50x64xf32, #tpu.memory_space<vmem>> -> memref<1x50x64xf32, #tpu.memory_space<vmem>>
    %dma_wait3A_623 = tpu.memref_squeeze %dma_wait3A_622 : memref<1x50x64xf32, #tpu.memory_space<vmem>> -> memref<50x64xf32, #tpu.memory_space<vmem>>
    %dma_wait3A_624 = arith.constant 0 : i32
    %dma_wait3A_625 = arith.constant 0 : i32
    %dma_wait3A_626 = tpu.memref_slice %arg5[%dma_wait3A_611, %dma_wait3A_624, %dma_wait3A_625] : memref<2x8x50xi32, #tpu.memory_space<vmem>> -> memref<1x8x50xi32, #tpu.memory_space<vmem>>
    %dma_wait3A_627 = tpu.memref_squeeze %dma_wait3A_626 : memref<1x8x50xi32, #tpu.memory_space<vmem>> -> memref<8x50xi32, #tpu.memory_space<vmem>>
    %dma_wait3A_628 = arith.constant 0 : i32
    %dma_wait3A_629 = tpu.memref_slice %dma_wait3A_627[%dma_wait3A_612, %dma_wait3A_628] : memref<8x50xi32, #tpu.memory_space<vmem>> -> memref<1x50xi32, #tpu.memory_space<vmem>>
    %dma_wait3A_630 = tpu.memref_squeeze %dma_wait3A_629 : memref<1x50xi32, #tpu.memory_space<vmem>> -> memref<50xi32, #tpu.memory_space<vmem>>
    %dma_wait3A_631 = arith.constant 0 : i32
    %dma_wait3A_632 = arith.constant 0 : i32
    %dma_wait3A_633 = tpu.memref_slice %arg3[%dma_wait3A_631, %dma_wait3A_632] : memref<1000000x64xf32, #tpu.memory_space<hbm>> -> memref<1000000x64xf32, #tpu.memory_space<hbm>>
    tpu.wait_indirect_dma semaphore(%arg8 : memref<!tpu.dma_semaphore, #tpu.memory_space<semaphore_mem>>) src(%dma_wait3A_633 : memref<1000000x64xf32, #tpu.memory_space<hbm>>) dst(%dma_wait3A_623 : memref<50x64xf32, #tpu.memory_space<vmem>>)
    %dma_wait3A_634 = arith.constant 1 : i32
    %dma_wait3A_635 = arith.constant 3 : i32
    %dma_wait3A_636 = arith.constant 1 : i32
    %dma_wait3A_637 = arith.constant 3 : i32
    %dma_wait3A_638 = arith.constant 0 : i32
    %dma_wait3A_639 = arith.constant 0 : i32
    %dma_wait3A_640 = arith.constant 0 : i32
    %dma_wait3A_641 = tpu.memref_slice %arg6[%dma_wait3A_636, %dma_wait3A_638, %dma_wait3A_639, %dma_wait3A_640] : memref<2x8x50x64xf32, #tpu.memory_space<vmem>> -> memref<1x8x50x64xf32, #tpu.memory_space<vmem>>
    %dma_wait3A_642 = tpu.memref_squeeze %dma_wait3A_641 : memref<1x8x50x64xf32, #tpu.memory_space<vmem>> -> memref<8x50x64xf32, #tpu.memory_space<vmem>>
    %dma_wait3A_643 = arith.constant 0 : i32
    %dma_wait3A_644 = arith.constant 0 : i32
    %dma_wait3A_645 = tpu.memref_slice %dma_wait3A_642[%dma_wait3A_637, %dma_wait3A_643, %dma_wait3A_644] : memref<8x50x64xf32, #tpu.memory_space<vmem>> -> memref<1x50x64xf32, #tpu.memory_space<vmem>>
    %dma_wait3A_646 = tpu.memref_squeeze %dma_wait3A_645 : memref<1x50x64xf32, #tpu.memory_space<vmem>> -> memref<50x64xf32, #tpu.memory_space<vmem>>
    %dma_wait3A_647 = arith.constant 0 : i32
    %dma_wait3A_648 = arith.constant 0 : i32
    %dma_wait3A_649 = tpu.memref_slice %arg5[%dma_wait3A_634, %dma_wait3A_647, %dma_wait3A_648] : memref<2x8x50xi32, #tpu.memory_space<vmem>> -> memref<1x8x50xi32, #tpu.memory_space<vmem>>
    %dma_wait3A_650 = tpu.memref_squeeze %dma_wait3A_649 : memref<1x8x50xi32, #tpu.memory_space<vmem>> -> memref<8x50xi32, #tpu.memory_space<vmem>>
    %dma_wait3A_651 = arith.constant 0 : i32
    %dma_wait3A_652 = tpu.memref_slice %dma_wait3A_650[%dma_wait3A_635, %dma_wait3A_651] : memref<8x50xi32, #tpu.memory_space<vmem>> -> memref<1x50xi32, #tpu.memory_space<vmem>>
    %dma_wait3A_653 = tpu.memref_squeeze %dma_wait3A_652 : memref<1x50xi32, #tpu.memory_space<vmem>> -> memref<50xi32, #tpu.memory_space<vmem>>
    %dma_wait3A_654 = arith.constant 0 : i32
    %dma_wait3A_655 = arith.constant 0 : i32
    %dma_wait3A_656 = tpu.memref_slice %arg3[%dma_wait3A_654, %dma_wait3A_655] : memref<1000000x64xf32, #tpu.memory_space<hbm>> -> memref<1000000x64xf32, #tpu.memory_space<hbm>>
    tpu.wait_indirect_dma semaphore(%arg8 : memref<!tpu.dma_semaphore, #tpu.memory_space<semaphore_mem>>) src(%dma_wait3A_656 : memref<1000000x64xf32, #tpu.memory_space<hbm>>) dst(%dma_wait3A_646 : memref<50x64xf32, #tpu.memory_space<vmem>>)
    %dma_wait3A_657 = arith.constant 1 : i32
    %dma_wait3A_658 = arith.constant 4 : i32
    %dma_wait3A_659 = arith.constant 1 : i32
    %dma_wait3A_660 = arith.constant 4 : i32
    %dma_wait3A_661 = arith.constant 0 : i32
    %dma_wait3A_662 = arith.constant 0 : i32
    %dma_wait3A_663 = arith.constant 0 : i32
    %dma_wait3A_664 = tpu.memref_slice %arg6[%dma_wait3A_659, %dma_wait3A_661, %dma_wait3A_662, %dma_wait3A_663] : memref<2x8x50x64xf32, #tpu.memory_space<vmem>> -> memref<1x8x50x64xf32, #tpu.memory_space<vmem>>
    %dma_wait3A_665 = tpu.memref_squeeze %dma_wait3A_664 : memref<1x8x50x64xf32, #tpu.memory_space<vmem>> -> memref<8x50x64xf32, #tpu.memory_space<vmem>>
    %dma_wait3A_666 = arith.constant 0 : i32
    %dma_wait3A_667 = arith.constant 0 : i32
    %dma_wait3A_668 = tpu.memref_slice %dma_wait3A_665[%dma_wait3A_660, %dma_wait3A_666, %dma_wait3A_667] : memref<8x50x64xf32, #tpu.memory_space<vmem>> -> memref<1x50x64xf32, #tpu.memory_space<vmem>>
    %dma_wait3A_669 = tpu.memref_squeeze %dma_wait3A_668 : memref<1x50x64xf32, #tpu.memory_space<vmem>> -> memref<50x64xf32, #tpu.memory_space<vmem>>
    %dma_wait3A_670 = arith.constant 0 : i32
    %dma_wait3A_671 = arith.constant 0 : i32
    %dma_wait3A_672 = tpu.memref_slice %arg5[%dma_wait3A_657, %dma_wait3A_670, %dma_wait3A_671] : memref<2x8x50xi32, #tpu.memory_space<vmem>> -> memref<1x8x50xi32, #tpu.memory_space<vmem>>
    %dma_wait3A_673 = tpu.memref_squeeze %dma_wait3A_672 : memref<1x8x50xi32, #tpu.memory_space<vmem>> -> memref<8x50xi32, #tpu.memory_space<vmem>>
    %dma_wait3A_674 = arith.constant 0 : i32
    %dma_wait3A_675 = tpu.memref_slice %dma_wait3A_673[%dma_wait3A_658, %dma_wait3A_674] : memref<8x50xi32, #tpu.memory_space<vmem>> -> memref<1x50xi32, #tpu.memory_space<vmem>>
    %dma_wait3A_676 = tpu.memref_squeeze %dma_wait3A_675 : memref<1x50xi32, #tpu.memory_space<vmem>> -> memref<50xi32, #tpu.memory_space<vmem>>
    %dma_wait3A_677 = arith.constant 0 : i32
    %dma_wait3A_678 = arith.constant 0 : i32
    %dma_wait3A_679 = tpu.memref_slice %arg3[%dma_wait3A_677, %dma_wait3A_678] : memref<1000000x64xf32, #tpu.memory_space<hbm>> -> memref<1000000x64xf32, #tpu.memory_space<hbm>>
    tpu.wait_indirect_dma semaphore(%arg8 : memref<!tpu.dma_semaphore, #tpu.memory_space<semaphore_mem>>) src(%dma_wait3A_679 : memref<1000000x64xf32, #tpu.memory_space<hbm>>) dst(%dma_wait3A_669 : memref<50x64xf32, #tpu.memory_space<vmem>>)
    %dma_wait3A_680 = arith.constant 1 : i32
    %dma_wait3A_681 = arith.constant 5 : i32
    %dma_wait3A_682 = arith.constant 1 : i32
    %dma_wait3A_683 = arith.constant 5 : i32
    %dma_wait3A_684 = arith.constant 0 : i32
    %dma_wait3A_685 = arith.constant 0 : i32
    %dma_wait3A_686 = arith.constant 0 : i32
    %dma_wait3A_687 = tpu.memref_slice %arg6[%dma_wait3A_682, %dma_wait3A_684, %dma_wait3A_685, %dma_wait3A_686] : memref<2x8x50x64xf32, #tpu.memory_space<vmem>> -> memref<1x8x50x64xf32, #tpu.memory_space<vmem>>
    %dma_wait3A_688 = tpu.memref_squeeze %dma_wait3A_687 : memref<1x8x50x64xf32, #tpu.memory_space<vmem>> -> memref<8x50x64xf32, #tpu.memory_space<vmem>>
    %dma_wait3A_689 = arith.constant 0 : i32
    %dma_wait3A_690 = arith.constant 0 : i32
    %dma_wait3A_691 = tpu.memref_slice %dma_wait3A_688[%dma_wait3A_683, %dma_wait3A_689, %dma_wait3A_690] : memref<8x50x64xf32, #tpu.memory_space<vmem>> -> memref<1x50x64xf32, #tpu.memory_space<vmem>>
    %dma_wait3A_692 = tpu.memref_squeeze %dma_wait3A_691 : memref<1x50x64xf32, #tpu.memory_space<vmem>> -> memref<50x64xf32, #tpu.memory_space<vmem>>
    %dma_wait3A_693 = arith.constant 0 : i32
    %dma_wait3A_694 = arith.constant 0 : i32
    %dma_wait3A_695 = tpu.memref_slice %arg5[%dma_wait3A_680, %dma_wait3A_693, %dma_wait3A_694] : memref<2x8x50xi32, #tpu.memory_space<vmem>> -> memref<1x8x50xi32, #tpu.memory_space<vmem>>
    %dma_wait3A_696 = tpu.memref_squeeze %dma_wait3A_695 : memref<1x8x50xi32, #tpu.memory_space<vmem>> -> memref<8x50xi32, #tpu.memory_space<vmem>>
    %dma_wait3A_697 = arith.constant 0 : i32
    %dma_wait3A_698 = tpu.memref_slice %dma_wait3A_696[%dma_wait3A_681, %dma_wait3A_697] : memref<8x50xi32, #tpu.memory_space<vmem>> -> memref<1x50xi32, #tpu.memory_space<vmem>>
    %dma_wait3A_699 = tpu.memref_squeeze %dma_wait3A_698 : memref<1x50xi32, #tpu.memory_space<vmem>> -> memref<50xi32, #tpu.memory_space<vmem>>
    %dma_wait3A_700 = arith.constant 0 : i32
    %dma_wait3A_701 = arith.constant 0 : i32
    %dma_wait3A_702 = tpu.memref_slice %arg3[%dma_wait3A_700, %dma_wait3A_701] : memref<1000000x64xf32, #tpu.memory_space<hbm>> -> memref<1000000x64xf32, #tpu.memory_space<hbm>>
    tpu.wait_indirect_dma semaphore(%arg8 : memref<!tpu.dma_semaphore, #tpu.memory_space<semaphore_mem>>) src(%dma_wait3A_702 : memref<1000000x64xf32, #tpu.memory_space<hbm>>) dst(%dma_wait3A_692 : memref<50x64xf32, #tpu.memory_space<vmem>>)
    %dma_wait3A_703 = arith.constant 1 : i32
    %dma_wait3A_704 = arith.constant 6 : i32
    %dma_wait3A_705 = arith.constant 1 : i32
    %dma_wait3A_706 = arith.constant 6 : i32
    %dma_wait3A_707 = arith.constant 0 : i32
    %dma_wait3A_708 = arith.constant 0 : i32
    %dma_wait3A_709 = arith.constant 0 : i32
    %dma_wait3A_710 = tpu.memref_slice %arg6[%dma_wait3A_705, %dma_wait3A_707, %dma_wait3A_708, %dma_wait3A_709] : memref<2x8x50x64xf32, #tpu.memory_space<vmem>> -> memref<1x8x50x64xf32, #tpu.memory_space<vmem>>
    %dma_wait3A_711 = tpu.memref_squeeze %dma_wait3A_710 : memref<1x8x50x64xf32, #tpu.memory_space<vmem>> -> memref<8x50x64xf32, #tpu.memory_space<vmem>>
    %dma_wait3A_712 = arith.constant 0 : i32
    %dma_wait3A_713 = arith.constant 0 : i32
    %dma_wait3A_714 = tpu.memref_slice %dma_wait3A_711[%dma_wait3A_706, %dma_wait3A_712, %dma_wait3A_713] : memref<8x50x64xf32, #tpu.memory_space<vmem>> -> memref<1x50x64xf32, #tpu.memory_space<vmem>>
    %dma_wait3A_715 = tpu.memref_squeeze %dma_wait3A_714 : memref<1x50x64xf32, #tpu.memory_space<vmem>> -> memref<50x64xf32, #tpu.memory_space<vmem>>
    %dma_wait3A_716 = arith.constant 0 : i32
    %dma_wait3A_717 = arith.constant 0 : i32
    %dma_wait3A_718 = tpu.memref_slice %arg5[%dma_wait3A_703, %dma_wait3A_716, %dma_wait3A_717] : memref<2x8x50xi32, #tpu.memory_space<vmem>> -> memref<1x8x50xi32, #tpu.memory_space<vmem>>
    %dma_wait3A_719 = tpu.memref_squeeze %dma_wait3A_718 : memref<1x8x50xi32, #tpu.memory_space<vmem>> -> memref<8x50xi32, #tpu.memory_space<vmem>>
    %dma_wait3A_720 = arith.constant 0 : i32
    %dma_wait3A_721 = tpu.memref_slice %dma_wait3A_719[%dma_wait3A_704, %dma_wait3A_720] : memref<8x50xi32, #tpu.memory_space<vmem>> -> memref<1x50xi32, #tpu.memory_space<vmem>>
    %dma_wait3A_722 = tpu.memref_squeeze %dma_wait3A_721 : memref<1x50xi32, #tpu.memory_space<vmem>> -> memref<50xi32, #tpu.memory_space<vmem>>
    %dma_wait3A_723 = arith.constant 0 : i32
    %dma_wait3A_724 = arith.constant 0 : i32
    %dma_wait3A_725 = tpu.memref_slice %arg3[%dma_wait3A_723, %dma_wait3A_724] : memref<1000000x64xf32, #tpu.memory_space<hbm>> -> memref<1000000x64xf32, #tpu.memory_space<hbm>>
    tpu.wait_indirect_dma semaphore(%arg8 : memref<!tpu.dma_semaphore, #tpu.memory_space<semaphore_mem>>) src(%dma_wait3A_725 : memref<1000000x64xf32, #tpu.memory_space<hbm>>) dst(%dma_wait3A_715 : memref<50x64xf32, #tpu.memory_space<vmem>>)
    %dma_wait3A_726 = arith.constant 1 : i32
    %dma_wait3A_727 = arith.constant 7 : i32
    %dma_wait3A_728 = arith.constant 1 : i32
    %dma_wait3A_729 = arith.constant 7 : i32
    %dma_wait3A_730 = arith.constant 0 : i32
    %dma_wait3A_731 = arith.constant 0 : i32
    %dma_wait3A_732 = arith.constant 0 : i32
    %dma_wait3A_733 = tpu.memref_slice %arg6[%dma_wait3A_728, %dma_wait3A_730, %dma_wait3A_731, %dma_wait3A_732] : memref<2x8x50x64xf32, #tpu.memory_space<vmem>> -> memref<1x8x50x64xf32, #tpu.memory_space<vmem>>
    %dma_wait3A_734 = tpu.memref_squeeze %dma_wait3A_733 : memref<1x8x50x64xf32, #tpu.memory_space<vmem>> -> memref<8x50x64xf32, #tpu.memory_space<vmem>>
    %dma_wait3A_735 = arith.constant 0 : i32
    %dma_wait3A_736 = arith.constant 0 : i32
    %dma_wait3A_737 = tpu.memref_slice %dma_wait3A_734[%dma_wait3A_729, %dma_wait3A_735, %dma_wait3A_736] : memref<8x50x64xf32, #tpu.memory_space<vmem>> -> memref<1x50x64xf32, #tpu.memory_space<vmem>>
    %dma_wait3A_738 = tpu.memref_squeeze %dma_wait3A_737 : memref<1x50x64xf32, #tpu.memory_space<vmem>> -> memref<50x64xf32, #tpu.memory_space<vmem>>
    %dma_wait3A_739 = arith.constant 0 : i32
    %dma_wait3A_740 = arith.constant 0 : i32
    %dma_wait3A_741 = tpu.memref_slice %arg5[%dma_wait3A_726, %dma_wait3A_739, %dma_wait3A_740] : memref<2x8x50xi32, #tpu.memory_space<vmem>> -> memref<1x8x50xi32, #tpu.memory_space<vmem>>
    %dma_wait3A_742 = tpu.memref_squeeze %dma_wait3A_741 : memref<1x8x50xi32, #tpu.memory_space<vmem>> -> memref<8x50xi32, #tpu.memory_space<vmem>>
    %dma_wait3A_743 = arith.constant 0 : i32
    %dma_wait3A_744 = tpu.memref_slice %dma_wait3A_742[%dma_wait3A_727, %dma_wait3A_743] : memref<8x50xi32, #tpu.memory_space<vmem>> -> memref<1x50xi32, #tpu.memory_space<vmem>>
    %dma_wait3A_745 = tpu.memref_squeeze %dma_wait3A_744 : memref<1x50xi32, #tpu.memory_space<vmem>> -> memref<50xi32, #tpu.memory_space<vmem>>
    %dma_wait3A_746 = arith.constant 0 : i32
    %dma_wait3A_747 = arith.constant 0 : i32
    %dma_wait3A_748 = tpu.memref_slice %arg3[%dma_wait3A_746, %dma_wait3A_747] : memref<1000000x64xf32, #tpu.memory_space<hbm>> -> memref<1000000x64xf32, #tpu.memory_space<hbm>>
    tpu.wait_indirect_dma semaphore(%arg8 : memref<!tpu.dma_semaphore, #tpu.memory_space<semaphore_mem>>) src(%dma_wait3A_748 : memref<1000000x64xf32, #tpu.memory_space<hbm>>) dst(%dma_wait3A_738 : memref<50x64xf32, #tpu.memory_space<vmem>>)
    %add3A_749 = arith.constant 504 : i32
    %add3A_750 = arith.addi %mul3A_2, %add3A_749 : i32
    %run_scoped3A_751 = arith.constant 1 : i32
    "tpu.region"() ({
      %run_scoped3A_752 = tpu.sem_alloc : memref<!tpu.dma_semaphore, #tpu.memory_space<semaphore_mem>>
      %dma_start3A_753 = arith.constant 0 : i32
      %dma_start3A_754 = arith.constant 0 : i32
      %dma_start3A_755 = arith.constant 0 : i32
      %dma_start3A_756 = tpu.memref_slice %arg6[%run_scoped3A_751, %dma_start3A_753, %dma_start3A_754, %dma_start3A_755] : memref<2x8x50x64xf32, #tpu.memory_space<vmem>> -> memref<1x8x50x64xf32, #tpu.memory_space<vmem>>
      %dma_start3A_757 = tpu.memref_squeeze %dma_start3A_756 : memref<1x8x50x64xf32, #tpu.memory_space<vmem>> -> memref<8x50x64xf32, #tpu.memory_space<vmem>>
      %dma_start3A_758 = arith.constant 0 : i32
      %dma_start3A_759 = arith.constant 0 : i32
      %dma_start3A_760 = tpu.memref_slice %arg4[%add3A_750, %dma_start3A_758, %dma_start3A_759] : memref<16384x50x64xf32, #tpu.memory_space<hbm>> -> memref<8x50x64xf32, #tpu.memory_space<hbm>>
      %dma_start3A_761 = arith.constant 0 : i32
      %dma_start3A_762 = arith.constant 0 : i32
      %dma_start3A_763 = tpu.memref_slice %arg4[%add3A_750, %dma_start3A_761, %dma_start3A_762] : memref<16384x50x64xf32, #tpu.memory_space<hbm>> -> memref<8x50x64xf32, #tpu.memory_space<hbm>>
      %dma_start3A_764 = arith.constant 0 : i32
      %dma_start3A_765 = arith.constant 0 : i32
      %dma_start3A_766 = arith.constant 0 : i32
      %dma_start3A_767 = tpu.memref_slice %arg6[%run_scoped3A_751, %dma_start3A_764, %dma_start3A_765, %dma_start3A_766] : memref<2x8x50x64xf32, #tpu.memory_space<vmem>> -> memref<1x8x50x64xf32, #tpu.memory_space<vmem>>
      %dma_start3A_768 = tpu.memref_squeeze %dma_start3A_767 : memref<1x8x50x64xf32, #tpu.memory_space<vmem>> -> memref<8x50x64xf32, #tpu.memory_space<vmem>>
      tpu.enqueue_dma source(%dma_start3A_768 : memref<8x50x64xf32, #tpu.memory_space<vmem>>) target(%dma_start3A_763 : memref<8x50x64xf32, #tpu.memory_space<hbm>>) target_semaphore(%run_scoped3A_752 : memref<!tpu.dma_semaphore, #tpu.memory_space<semaphore_mem>>)
      %dma_wait3A_769 = arith.constant 0 : i32
      %dma_wait3A_770 = arith.constant 0 : i32
      %dma_wait3A_771 = arith.constant 0 : i32
      %dma_wait3A_772 = tpu.memref_slice %arg6[%run_scoped3A_751, %dma_wait3A_769, %dma_wait3A_770, %dma_wait3A_771] : memref<2x8x50x64xf32, #tpu.memory_space<vmem>> -> memref<1x8x50x64xf32, #tpu.memory_space<vmem>>
      %dma_wait3A_773 = tpu.memref_squeeze %dma_wait3A_772 : memref<1x8x50x64xf32, #tpu.memory_space<vmem>> -> memref<8x50x64xf32, #tpu.memory_space<vmem>>
      %dma_wait3A_774 = arith.constant 0 : i32
      %dma_wait3A_775 = arith.constant 0 : i32
      %dma_wait3A_776 = tpu.memref_slice %arg4[%add3A_750, %dma_wait3A_774, %dma_wait3A_775] : memref<16384x50x64xf32, #tpu.memory_space<hbm>> -> memref<8x50x64xf32, #tpu.memory_space<hbm>>
      %dma_wait3A_777 = arith.constant 0 : i32
      %dma_wait3A_778 = arith.constant 0 : i32
      %dma_wait3A_779 = tpu.memref_slice %arg4[%add3A_750, %dma_wait3A_777, %dma_wait3A_778] : memref<16384x50x64xf32, #tpu.memory_space<hbm>> -> memref<8x50x64xf32, #tpu.memory_space<hbm>>
      %dma_wait3A_780 = arith.constant 0 : i32
      %dma_wait3A_781 = arith.constant 0 : i32
      %dma_wait3A_782 = arith.constant 0 : i32
      %dma_wait3A_783 = tpu.memref_slice %arg6[%run_scoped3A_751, %dma_wait3A_780, %dma_wait3A_781, %dma_wait3A_782] : memref<2x8x50x64xf32, #tpu.memory_space<vmem>> -> memref<1x8x50x64xf32, #tpu.memory_space<vmem>>
      %dma_wait3A_784 = tpu.memref_squeeze %dma_wait3A_783 : memref<1x8x50x64xf32, #tpu.memory_space<vmem>> -> memref<8x50x64xf32, #tpu.memory_space<vmem>>
      tpu.wait_dma2 semaphore(%run_scoped3A_752 : memref<!tpu.dma_semaphore, #tpu.memory_space<semaphore_mem>>) src(%dma_wait3A_784 : memref<8x50x64xf32, #tpu.memory_space<vmem>>) dst(%dma_wait3A_779 : memref<8x50x64xf32, #tpu.memory_space<hbm>>)
      tpu.yield
    }) : () -> ()
    return
  }
}

</mosaic_0001>

<sc_bundles>
// kernel: kernel.3.cloned.1.call-start
scs
__scs_entry_jumppad:
0x0: {  	(pc) =	sbr.rel $0x88, $3  }
0x1: {  	(tag) =	ssettag $0x0;
	lr =	simm.s32 $0x1  }
0x2: {  	[smem:$0x3F9F] =	sst lr;
	_ =	strace $0xD0000000  }
0x3: {  	_ = 	snop  }
0x4: {  	_ = 	snop  }
0x5: {  	_ = 	snop  }
0x6: {  	_ = 	snop  }
0x7: {  	_ = 	snop  }
__scs_overlays_trampoline_lowered:
0x8: {  	[smem:$0x3FAE] =	sst s0  }
0x9: {  	[smem:$0x3FAF] =	sst s1  }
0xa: {  	[smem:$0x3FB0] =	sst s2  }
0xb: {  	[smem:$0x3FB1] =	sst s3  }
0xc: {  	[smem:$0x3FB2] =	sst s4  }
0xd: {  	[smem:$0x3FB3] =	sst s5  }
0xe: {  	[smem:$0x3FB4] =	sst s6  }
0xf: {  	[smem:$0x3FB5] =	sst s7  }
0x10: {  	[smem:$0x3FB6] =	sst s8  }
0x11: {  	[smem:$0x3FB7] =	sst s9;
	s0 =	simm.s32 @!p0 $0x0  }
0x12: {  	s1 =	sld [smem:$0x3F9D];
	s0 =	simm.s32 @p0 $0x1  }
0x13: {  	[smem:$0x3FB8] =	sst s0;
	s0 =	simm.s32 @!p1 $0x0  }
0x14: {  	s2 =	sld [smem:$0x3F9C];
	s0 =	simm.s32 @p1 $0x1  }
0x15: {  	[smem:$0x3FB9] =	sst s0;
	s0 =	simm.s32 @!p2 $0x0  }
0x16: {  	s3 =	sld [smem:$0x3FDB];
	s0 =	simm.s32 @p2 $0x1  }
0x17: {  	s4 =	simm.s32 $0x1BF5;
	[smem:$0x3FBB] =	sst s0  }
0x18: {  	s0 =	sld [smem:$0x3F9E];
	_ =	swait.ge [sflag:s4], $0x0  }
0x19: {  	s7 =	sld [smem:$0x3F9F]  }
0x1a: {  	s8 =	sadd.s32 $0xFFFFE003, lr  }
0x1b: {  	s9 =	sadd.s32 $0xFFFFFEF7, lr;
	s5 =	simm.s32 $0xFFFFFFFF;
	p2 =	slt.u32 s8, $0xFFFFF086  }
0x1c: {  	p1 =	slt.u32 s9, $0xF7A;
	s5 =	simm.s32 @!p2 $0x0  }
0x1d: {  	s5 =	simm.s32 @p1 $0x1;
	p0 =	seq.s32 s7, s2  }
0x1e: {  	s7 =	smul.u32 @!p0 $0xF7A, s2;
	p2 =	seq.s32 @!p0 s5, $0x0  }
0x1f: {  	s9 =	smul.u32 $0xF7A, s1;
	s8 =	simm.s32 @!p0 $0x1BF5;
	p2 =	por !p2, p0  }
0x20: {  	[sflag:s8] =	ssyncset.s32 @!p0 $0xFFFFF086;
	s6 =	sadd.s32 @!p0 s3, s7;
	s7 =	simm.s32 @!p0 $0x108  }
0x21: {  	s3 =	sadd.s32 s3, s9;
	s6 =	sadd.s32 @!p0 $0x88, s6;
	s7 =	simm.s32 @p2 $0x1082  }
0x22: {  	[simem:s7], [sflag:s8] =	dma.local @!p0 [hbm:s6], $0xF7A  }
0x23: {  	s9 =	sor.u32 $0xD0000000, s2;
	s6 =	simm.s32 $0x108;
	_ =	swait.ge @!p0 [sflag:s8], $0x0  }
0x24: {  	s3 =	sadd.s32 $0x88, s3;
	s6 =	simm.s32 @!p1 $0x1082;
	[sflag:s4] =	ssyncset.s32 $0xFFFFF086  }
0x25: {  	[simem:s6], [sflag:s4] =	dma.local [hbm:s3], $0xF7A  }
0x26: {  	[smem:$0x3F9F] =	sst s1;
	(tag) =	ssettag s2;
	_ =	strace s9  }
0x27: {  	s1 =	sld [smem:$0x3FAF]  }
0x28: {  	s2 =	sld [smem:$0x3FB0]  }
0x29: {  	s4 =	sld [smem:$0x3FB2]  }
0x2a: {  	p0 =	seq.s32 s5, $0x0;
	s5 =	sld [smem:$0x3FB3]  }
0x2b: {  	s6 =	sld [smem:$0x3FB4]  }
0x2c: {  	s7 =	sld [smem:$0x3FB5]  }
0x2d: {  	s3 =	simm.s32 $0x108;
	s8 =	sld [smem:$0x3FB6]  }
0x2e: {  	s3 =	simm.s32 @!p0 $0x1082;
	s9 =	sld [smem:$0x3FB7]  }
0x2f: {  	lr =	sadd.s32 s0, s3;
	s0 =	sld [smem:$0x3FAE]  }
0x30: {  	s3 =	sld [smem:$0x3FB1]  }
0x31: {  	[smem:$0x3FBA] =	sst s10  }
0x32: {  	s10 =	sld [smem:$0x3FB8];
	_ =	sdelay $0x3  }
0x33: {  	p0 =	seq.s32 s10, $0x1;
	s10 =	sld [smem:$0x3FBA];
	_ =	sdelay $0x3  }
0x34: {  	[smem:$0x3FBA] =	sst s10  }
0x35: {  	s10 =	sld [smem:$0x3FB9];
	_ =	sdelay $0x3  }
0x36: {  	p1 =	seq.s32 s10, $0x1;
	s10 =	sld [smem:$0x3FBA];
	_ =	sdelay $0x3  }
0x37: {  	[smem:$0x3FBA] =	sst s10  }
0x38: {  	s10 =	sld [smem:$0x3FBB]  }
0x39: {  	_ = 	snop;
	(pc) =	sbr.ind lr, $3  }
0x3a: {  	_ = 	snop  }
0x3b: {  	_ = 	snop  }
0x3c: {  	p2 =	seq.s32 s10, $0x1;
	s10 =	sld [smem:$0x3FBA]  }
0x3d: {  	_ =	shalt  }
0x3e: {  	_ =	shalt  }
0x3f: {  	_ =	shalt  }
0x40: {  	_ =	shalt  }
0x41: {  	_ =	shalt  }
0x42: {  	_ =	shalt  }
0x43: {  	_ =	shalt  }
0x44: {  	_ =	shalt  }
0x45: {  	_ =	shalt  }
0x46: {  	_ =	shalt  }
0x47: {  	_ =	shalt  }
0x48: {  	_ =	shalt  }
0x49: {  	_ =	shalt  }
0x4a: {  	_ =	shalt  }
0x4b: {  	_ =	shalt  }
0x4c: {  	_ =	shalt  }
0x4d: {  	_ =	shalt  }
0x4e: {  	_ =	shalt  }
0x4f: {  	_ =	shalt  }
0x50: {  	_ =	shalt  }
0x51: {  	_ =	shalt  }
0x52: {  	_ =	shalt  }
0x53: {  	_ =	shalt  }
0x54: {  	_ =	shalt  }
0x55: {  	_ =	shalt  }
0x56: {  	_ =	shalt  }
0x57: {  	_ =	shalt  }
0x58: {  	_ =	shalt  }
0x59: {  	_ =	shalt  }
0x5a: {  	_ =	shalt  }
0x5b: {  	_ =	shalt  }
0x5c: {  	_ =	shalt  }
0x5d: {  	_ =	shalt  }
0x5e: {  	_ =	shalt  }
0x5f: {  	_ =	shalt  }
0x60: {  	_ =	shalt  }
0x61: {  	_ =	shalt  }
0x62: {  	_ =	shalt  }
0x63: {  	_ =	shalt  }
0x64: {  	_ =	shalt  }
0x65: {  	_ =	shalt  }
0x66: {  	_ =	shalt  }
0x67: {  	_ =	shalt  }
0x68: {  	_ =	shalt  }
0x69: {  	_ =	shalt  }
0x6a: {  	_ =	shalt  }
0x6b: {  	_ =	shalt  }
0x6c: {  	_ =	shalt  }
0x6d: {  	_ =	shalt  }
0x6e: {  	_ =	shalt  }
0x6f: {  	_ =	shalt  }
0x70: {  	_ =	shalt  }
0x71: {  	_ =	shalt  }
0x72: {  	_ =	shalt  }
0x73: {  	_ =	shalt  }
0x74: {  	_ =	shalt  }
0x75: {  	_ =	shalt  }
0x76: {  	_ =	shalt  }
0x77: {  	_ =	shalt  }
0x78: {  	_ =	shalt  }
0x79: {  	_ =	shalt  }
0x7a: {  	_ =	shalt  }
0x7b: {  	_ =	shalt  }
0x7c: {  	_ =	shalt  }
0x7d: {  	_ =	shalt  }
0x7e: {  	_ =	shalt  }
0x7f: {  	_ =	shalt  }
0x80: {  	_ =	shalt  }
0x81: {  	_ =	shalt  }
0x82: {  	_ =	shalt  }
0x83: {  	_ =	shalt  }
0x84: {  	_ =	shalt  }
0x85: {  	_ =	shalt  }
0x86: {  	_ =	shalt  }
0x87: {  	_ =	shalt  }
.Lfunc_end0:
.L_simem_size_0:
called_computation.1_lowered:
.L_overlay_start_0:
0x88: {  	s2 =	sld [smem:$0x3FD9]  }
0x89: {  	s3 =	sld [smem:$0x3FFE];
	_ =	sdelay $0x1  }
0x8a: {  	s1 =	srdreg.scid  }
0x8b: {  	s0 =	sand.u32 $0x1, s1  }
0x8c: {  	s17 =	sshll.u32 s0, $0xA;
	s2 =	sadd.s32 s3, s2  }
0x8d: {  	s2 =	sadd.s32 s2, s17  }
0x8e: {  	[smem:$0x3FC6] =	sst s2  }
0x8f: {  	_ = 	snop  }
0x90: {  	s2 =	sld [smem:$0x3FD0];
	(tm) =	ssettm $0x1  }
0x91: {  	s18 =	sld [smem:$0x3FFB];
	_ =	sdelay $0x3  }
0x92: {  	_ =	strace s18  }
0x93: {  	s3 =	sld [smem:$0x3FFC];
	_ =	sdelay $0x3  }
0x94: {  	_ =	strace s3  }
0x95: {  	s3 =	sld [smem:$0x3FFD];
	_ =	sdelay $0x3  }
0x96: {  	_ =	strace s3  }
0x97: {  	_ =	strace $0x8FFFFFFF  }
0x98: {  	s19 =	sld [smem:$0x3FDB];
	_ =	sdelay $0x1  }
0x99: {  	s4 =	simm.s32 $_scs_section_size  }
0x9a: {  	s5 =	simm.s32 $_size__tile_overlayer_lowered;
	s6 =	simm.s32 $_tile_overlayer_lowered  }
0x9b: {  	s22 =	simm.s32 $0x1BFF;
	s21 =	sshll.u32 s6, $0x1;
	s3 =	sadd.s32 s4, s19  }
0x9c: {  	s7 =	simm.s32 $0x0;
	s20 =	sshll.u32 s5, $0x1;
	s5 =	sadd.s32 s21, s3  }
0x9d: {  	[timem:s7], [sflag:s22] =	dma.local [hbm:s5], s20  }
0x9e: {  	_ =	swait.ge [sflag:s22], s20  }
0x9f: {  	s4 =	ssub.s32 $0x0, s20;
	[sflag:s22] =	ssyncset.done $0x0  }
0xa0: {  	[sflag:s22] =	ssyncadd.s32 s4;
	_ =	sdelay $0x1  }
0xa1: {  	s23 =	simm.s32 $0x1B8B  }
0xa2: {  	_ =	swait.ge [sflag:s23], $0x1  }
0xa3: {  	[sflag:s23] =	ssyncset.done $0x0  }
0xa4: {  	s25 =	simm.s32 $0x1B8E;
	s24 =	sld [smem:$0x3FFE];
	[sflag:s23] =	ssyncadd.s32 $0xFFFFFFFF  }
0xa5: {  	s26 =	simm.s32 $execute0_lowered;
	[smem:$0x3FD2] =	sst s25  }
0xa6: {  	s5 =	sshll.u32 s26, $0x1;
	_ =	strace $0x80000046;
	[dreg:$0x1] =	wrdreg $0xFFFFFFFF  }
0xa7: {  	s28 =	simm.s32 $_size_execute0_lowered;
	s3 =	sadd.s32 s3, s5;
	[dreg:$0x0] =	wrdreg $0x0  }
0xa8: {  	s5 =	sshll.u32 s28, $0x1;
	[dreg:$0x2] =	wrdreg s3  }
0xa9: {  	[dreg:$0x3] =	wrdreg s5  }
0xaa: {  	[dreg:$0x4] =	wrdreg $0xC0  }
0xab: {  	_ =	task [dreg:s7], $0x5FFFF  }
0xac: {  	[dreg:$0x1] =	wrdreg $0xFFFFFFFF  }
0xad: {  	[dreg:$0x0] =	wrdreg $0x60  }
0xae: {  	[dreg:$0x2] =	wrdreg s24  }
0xaf: {  	[dreg:$0x3] =	wrdreg s2  }
0xb0: {  	[dreg:$0x4] =	wrdreg $0x9  }
0xb1: {  	_ =	task.clear_ibuf [dreg:s7], $0x5FFFF;
	_ =	strace $0x90000046  }
0xb2: {  	s29 =	simm.s32 $0x9;
	_ =	strace $0x80000048  }
0xb3: {  	_ =	swait.ge [sflag:s29], $0x1  }
0xb4: {  	[sflag:s29] =	ssyncadd.s32 $0xFFFFFFFF  }
0xb5: {  	_ =	strace $0x90000048  }
0xb6: {  	_ =	sfence  }
0xb7: {  	s30 =	sld [smem:$0x0];
	_ =	sdelay $0x2  }
0xb8: {  	s31 =	sshll.u32 s1, $0xD;
	s1 =	sshrl.u32 s1, $0x2  }
0xb9: {  	s3 =	sand.u32 $0x4000, s31;
	s1 =	sadd.s32 s1, s30  }
0xba: {  	s0 =	sor.u32 s3, s0;
	s1 =	sshll.u32 s1, $0x11  }
0xbb: {  	s0 =	sor.u32 s1, s0  }
0xbc: {  	s0 =	sadd.s32 $0x8F2B, s0  }
0xbd: {  	[sflag:s0] =	ssyncadd.remote.s32 $0x1  }
0xbe: {  	_ =	sfence.sel $0xFFFF  }
0xbf: {  	[dreg:$0x0] =	wrdreg $0xFFFFFFFF;
	(pc) =	sbr.abs _section_cstart, $3  }
0xc0: {  	[dreg:$0x1] =	wrdreg $0xFFFFFFFF  }
0xc1: {  	_ =	task.clear_ibuf [dreg:s7], $0x2FFFF;
	_ =	strace $0x9FFFFFFF  }
0xc2: {  	(tm) =	ssettm $0x7FFFFFFF  }
0xc3: {  	_ =	shalt  }
tec
execute0_lowered:
.L_overlay_start_1:
0x0: {  	(tag) =	ssettag $0x1  }
0x1: {  	s0 =	rddreg [dreg:$0x0]  }
0x2: {  	s1 =	rddreg [dreg:$0x1]  }
0x3: {  	s2 =	srdreg.scid;
	s10 =	stileid.u32  }
0x4: {  	s12 =	simm.s32 $0x380;
	s30 =	simm.s32 $0x2900;
	s28 =	simm.s32 $0x1C0  }
0x5: {  	s29 =	simm.s32 $0x6780;
	s13 =	simm.s32 $0x1F8;
	s14 =	simm.s32 $0x7400  }
0x6: {  	s15 =	simm.s32 $0x230;
	s16 =	simm.s32 $0x8080;
	s31 =	simm.s32 $0x268  }
0x7: {  	s17 =	simm.s32 $0x1;
	s4 =	sand.u32 $0x1, s2;
	s2 =	simm.s32 $0x0  }
0x8: {  	s3 =	sshll.u32 s10, $0xA;
	s7 =	sadd.s32 $0xA00, s0;
	s20 =	smul.u32 $0x1C00, s10  }
0x9: {  	s24 =	smul.u32 $0x64000, s10;
	s10 =	simm.s32 $0x3;
	s5 =	sshll.u32 s4, $0x9  }
0xa: {  	[smem:$0x7FF] =	sst s2;
	s18 =	ssub.s32 $0x2, s4;
	s22 =	smul.u32 $0xE00, s4  }
0xb: {  	s4 =	smul.u32 $0x32000, s4;
	s3 =	sor.u32 s5, s3;
	_ =	strace $0x80000047  }
0xc: {  	s8 =	sshrl.u32 s18, $0x1;
	s5 =	sadd.s32 s20, s7;
	s6 =	smul.u32 $0x7, s3  }
0xd: {  	s20 =	simm.s32 $0x8D00;
	s9 =	smul.u32 $0xC80, s3;
	s3 =	sadd.s32 $0xF42E00, s0  }
0xe: {  	s19 =	ssub.s32 s18, s8;
	s5 =	sadd.s32 s22, s5;
	s22 =	simm.s32 $0x38  }
0xf: {  	s8 =	simm.s32 $0x4E80;
	s18 =	simm.s32 $0x2;
	s0 =	smax.u32 s19, $0x1  }
0x10: {  	[dreg:$0x3] =	wrdreg s5;
	s5 =	simm.s32 $0x118;
	s19 =	simm.s32 $0x0  }
0x11: {  	s11 =	sadd.s32 s7, s6;
	s21 =	sshrl.u32 s9, $0x3;
	[dreg:$0x8] =	wrdreg s0  }
0x12: {  	s0 =	simm.s32 $0xE0;
	s7 =	simm.s32 $0x150;
	[dreg:$0xa] =	wrdreg s19  }
0x13: {  	s9 =	simm.s32 $0x5B00;
	[dreg:$0x4] =	wrdreg s11;
	s23 =	sadd.s32 $0x38, s11  }
0x14: {  	s6 =	sadd.s32 s1, s21;
	s1 =	sadd.s32 s24, s1;
	s11 =	simm.s32 $0x32  }
0x15: {  	s24 =	simm.s32 $0x70;
	[dreg:$0x5] =	wrdreg s23;
	s25 =	sadd.s32 $0x30700, s6  }
0x16: {  	s21 =	simm.s32 $0x2A0;
	s6 =	sadd.s32 $0x31380, s6;
	[dreg:$0x6] =	wrdreg s25  }
0x17: {  	s26 =	sadd.s32 s4, s1;
	s23 =	simm.s32 $0x1000;
	[dreg:$0x7] =	wrdreg s6  }
0x18: {  	s1 =	simm.s32 $0x3580;
	s4 =	simm.s32 $0x188;
	[dreg:$0x9] =	wrdreg s26  }
0x19: {  	s25 =	simm.s32 $0x1C80;
	s26 =	simm.s32 $0xA8;
	s6 =	simm.s32 $0x4200  }
.LBB2_1:
0x1a: {  	s19 =	rddreg [dreg:$0x4]  }
0x1b: {  	[tilespmem:s2], [sflag:$0x3] =	stream.linear.gather [hbm4b:s19+s2], $0x1C0, $0x38;
	[tilespmem:$0xCB80] =	vst v63  }
0x1c: {  	_ =	swait.ge [sflag:s10], $0x1C0  }
0x1d: {  	[sflag:s10] =	ssyncset.done $0x0  }
0x1e: {  	[sflag:s10] =	ssyncadd.s32 $0xFFFFFE40  }
0x1f: {  	[tilespmem:s12], [sflag:$0x1] =	stream.indirect.gather [hbm4b:s3+s11], $0x40, s2, s11, $0xb8;
	[tilespmem:$0xCB80] =	vst v63  }
0x20: {  	_ = 	snop  }
0x21: {  	[tilespmem:s23], [sflag:$0x1] =	stream.indirect.gather [hbm4b:s3+s11], $0x40, s22, s11, $0xb8;
	[tilespmem:$0xCB80] =	vst v63  }
0x22: {  	_ = 	snop  }
0x23: {  	[tilespmem:s25], [sflag:$0x1] =	stream.indirect.gather [hbm4b:s3+s11], $0x40, s24, s11, $0xb8;
	[tilespmem:$0xCB80] =	vst v63  }
0x24: {  	_ = 	snop  }
0x25: {  	[tilespmem:s30], [sflag:$0x1] =	stream.indirect.gather [hbm4b:s3+s11], $0x40, s26, s11, $0xb8;
	[tilespmem:$0xCB80] =	vst v63  }
0x26: {  	_ = 	snop  }
0x27: {  	[tilespmem:s1], [sflag:$0x1] =	stream.indirect.gather [hbm4b:s3+s11], $0x40, s0, s11, $0xb8;
	[tilespmem:$0xCB80] =	vst v63  }
0x28: {  	_ = 	snop  }
0x29: {  	[tilespmem:s6], [sflag:$0x1] =	stream.indirect.gather [hbm4b:s3+s11], $0x40, s5, s11, $0xb8;
	[tilespmem:$0xCB80] =	vst v63  }
0x2a: {  	_ = 	snop  }
0x2b: {  	[tilespmem:s8], [sflag:$0x1] =	stream.indirect.gather [hbm4b:s3+s11], $0x40, s7, s11, $0xb8;
	[tilespmem:$0xCB80] =	vst v63  }
0x2c: {  	_ = 	snop  }
0x2d: {  	[tilespmem:s9], [sflag:$0x1] =	stream.indirect.gather [hbm4b:s3+s11], $0x40, s4, s11, $0xb8;
	[tilespmem:$0xCB80] =	vst v63  }
0x2e: {  	s19 =	rddreg [dreg:$0x5]  }
0x2f: {  	[tilespmem:s28], [sflag:$0x3] =	stream.linear.gather [hbm4b:s19+s2], $0x1C0, $0x38;
	[tilespmem:$0xCB80] =	vst v63  }
0x30: {  	_ =	swait.ge [sflag:s10], $0x1C0  }
0x31: {  	[sflag:s10] =	ssyncset.done $0x0  }
0x32: {  	[sflag:s10] =	ssyncadd.s32 $0xFFFFFE40  }
0x33: {  	[tilespmem:s29], [sflag:$0x2] =	stream.indirect.gather [hbm4b:s3+s11], $0x40, s28, s11, $0xb8;
	[tilespmem:$0xCB80] =	vst v63  }
0x34: {  	_ = 	snop  }
0x35: {  	[tilespmem:s14], [sflag:$0x2] =	stream.indirect.gather [hbm4b:s3+s11], $0x40, s13, s11, $0xb8;
	[tilespmem:$0xCB80] =	vst v63  }
0x36: {  	_ = 	snop  }
0x37: {  	[tilespmem:s16], [sflag:$0x2] =	stream.indirect.gather [hbm4b:s3+s11], $0x40, s15, s11, $0xb8;
	[tilespmem:$0xCB80] =	vst v63  }
0x38: {  	_ = 	snop  }
0x39: {  	[tilespmem:s20], [sflag:$0x2] =	stream.indirect.gather [hbm4b:s3+s11], $0x40, s31, s11, $0xb8;
	[tilespmem:$0xCB80] =	vst v63  }
0x3a: {  	s20 =	simm.s32 $0x9980  }
0x3b: {  	[tilespmem:s20], [sflag:$0x2] =	stream.indirect.gather [hbm4b:s3+s11], $0x40, s21, s11, $0xb8;
	[tilespmem:$0xCB80] =	vst v63  }
0x3c: {  	s20 =	simm.s32 $0x2D8;
	s21 =	simm.s32 $0xA600  }
0x3d: {  	[tilespmem:s21], [sflag:$0x2] =	stream.indirect.gather [hbm4b:s3+s11], $0x40, s20, s11, $0xb8;
	[tilespmem:$0xCB80] =	vst v63  }
0x3e: {  	s20 =	simm.s32 $0x310;
	s21 =	simm.s32 $0xB280  }
0x3f: {  	[tilespmem:s21], [sflag:$0x2] =	stream.indirect.gather [hbm4b:s3+s11], $0x40, s20, s11, $0xb8;
	[tilespmem:$0xCB80] =	vst v63  }
0x40: {  	s20 =	simm.s32 $0x348;
	s21 =	simm.s32 $0xBF00  }
0x41: {  	[tilespmem:s21], [sflag:$0x2] =	stream.indirect.gather [hbm4b:s3+s11], $0x40, s20, s11, $0xb8;
	[tilespmem:$0xCB80] =	vst v63  }
0x42: {  	_ =	swait.ge [sflag:s17], $0xC80  }
0x43: {  	[sflag:s17] =	ssyncset.done $0x0  }
0x44: {  	[sflag:s17] =	ssyncadd.s32 $0xFFFFF380  }
0x45: {  	_ =	swait.ge [sflag:s17], $0xC80  }
0x46: {  	[sflag:s17] =	ssyncset.done $0x0  }
0x47: {  	[sflag:s17] =	ssyncadd.s32 $0xFFFFF380  }
0x48: {  	_ =	swait.ge [sflag:s17], $0xC80  }
0x49: {  	[sflag:s17] =	ssyncset.done $0x0  }
0x4a: {  	[sflag:s17] =	ssyncadd.s32 $0xFFFFF380  }
0x4b: {  	_ =	swait.ge [sflag:s17], $0xC80  }
0x4c: {  	[sflag:s17] =	ssyncset.done $0x0  }
0x4d: {  	[sflag:s17] =	ssyncadd.s32 $0xFFFFF380  }
0x4e: {  	_ =	swait.ge [sflag:s17], $0xC80  }
0x4f: {  	[sflag:s17] =	ssyncset.done $0x0  }
0x50: {  	[sflag:s17] =	ssyncadd.s32 $0xFFFFF380  }
0x51: {  	_ =	swait.ge [sflag:s17], $0xC80  }
0x52: {  	[sflag:s17] =	ssyncset.done $0x0  }
0x53: {  	[sflag:s17] =	ssyncadd.s32 $0xFFFFF380  }
0x54: {  	_ =	swait.ge [sflag:s17], $0xC80  }
0x55: {  	[sflag:s17] =	ssyncset.done $0x0  }
0x56: {  	[sflag:s17] =	ssyncadd.s32 $0xFFFFF380  }
0x57: {  	_ =	swait.ge [sflag:s17], $0xC80  }
0x58: {  	[sflag:s17] =	ssyncset.done $0x0  }
0x59: {  	s21 =	rddreg [dreg:$0x9];
	[sflag:s17] =	ssyncadd.s32 $0xFFFFF380  }
0x5a: {  	[hbm4b:s21+s2] =	stream.linear.scatter [tilespmem:s12], [sflag:$0x3], $0x6400, $0x38;
	[tilespmem:$0xCB80] =	vst v63  }
0x5b: {  	_ =	swait.ge [sflag:s10], $0x6400  }
0x5c: {  	s20 =	rddreg [dreg:$0x3]  }
0x5d: {  	[sflag:s10] =	ssyncset.done $0x0;
	s19 =	sadd.s32 $0x0, s20  }
0x5e: {  	[sflag:s10] =	ssyncadd.s32 $0xFFFF9C00;
	s20 =	sadd.s32 $0x70, s19  }
0x5f: {  	[tilespmem:s2], [sflag:$0x3] =	stream.linear.gather [hbm4b:s20+s2], $0x1C0, $0x38;
	[tilespmem:$0xCB80] =	vst v63  }
0x60: {  	_ =	swait.ge [sflag:s10], $0x1C0  }
0x61: {  	[sflag:s10] =	ssyncset.done $0x0  }
0x62: {  	[sflag:s10] =	ssyncadd.s32 $0xFFFFFE40  }
0x63: {  	[tilespmem:s12], [sflag:$0x1] =	stream.indirect.gather [hbm4b:s3+s11], $0x40, s2, s11, $0xb8;
	[tilespmem:$0xCB80] =	vst v63  }
0x64: {  	_ = 	snop  }
0x65: {  	[tilespmem:s23], [sflag:$0x1] =	stream.indirect.gather [hbm4b:s3+s11], $0x40, s22, s11, $0xb8;
	[tilespmem:$0xCB80] =	vst v63  }
0x66: {  	_ = 	snop  }
0x67: {  	[tilespmem:s25], [sflag:$0x1] =	stream.indirect.gather [hbm4b:s3+s11], $0x40, s24, s11, $0xb8;
	[tilespmem:$0xCB80] =	vst v63  }
0x68: {  	_ = 	snop  }
0x69: {  	[tilespmem:s30], [sflag:$0x1] =	stream.indirect.gather [hbm4b:s3+s11], $0x40, s26, s11, $0xb8;
	[tilespmem:$0xCB80] =	vst v63  }
0x6a: {  	_ = 	snop  }
0x6b: {  	[tilespmem:s1], [sflag:$0x1] =	stream.indirect.gather [hbm4b:s3+s11], $0x40, s0, s11, $0xb8;
	[tilespmem:$0xCB80] =	vst v63  }
0x6c: {  	_ = 	snop  }
0x6d: {  	[tilespmem:s6], [sflag:$0x1] =	stream.indirect.gather [hbm4b:s3+s11], $0x40, s5, s11, $0xb8;
	[tilespmem:$0xCB80] =	vst v63  }
0x6e: {  	_ = 	snop  }
0x6f: {  	[tilespmem:s8], [sflag:$0x1] =	stream.indirect.gather [hbm4b:s3+s11], $0x40, s7, s11, $0xb8;
	[tilespmem:$0xCB80] =	vst v63  }
0x70: {  	_ = 	snop  }
0x71: {  	[tilespmem:s9], [sflag:$0x1] =	stream.indirect.gather [hbm4b:s3+s11], $0x40, s4, s11, $0xb8;
	[tilespmem:$0xCB80] =	vst v63  }
0x72: {  	_ =	swait.ge [sflag:s18], $0xC80  }
0x73: {  	[sflag:s18] =	ssyncset.done $0x0  }
0x74: {  	[sflag:s18] =	ssyncadd.s32 $0xFFFFF380  }
0x75: {  	_ =	swait.ge [sflag:s18], $0xC80  }
0x76: {  	[sflag:s18] =	ssyncset.done $0x0  }
0x77: {  	[sflag:s18] =	ssyncadd.s32 $0xFFFFF380  }
0x78: {  	_ =	swait.ge [sflag:s18], $0xC80  }
0x79: {  	[sflag:s18] =	ssyncset.done $0x0  }
0x7a: {  	[sflag:s18] =	ssyncadd.s32 $0xFFFFF380  }
0x7b: {  	_ =	swait.ge [sflag:s18], $0xC80  }
0x7c: {  	[sflag:s18] =	ssyncset.done $0x0  }
0x7d: {  	[sflag:s18] =	ssyncadd.s32 $0xFFFFF380  }
0x7e: {  	_ =	swait.ge [sflag:s18], $0xC80  }
0x7f: {  	[sflag:s18] =	ssyncset.done $0x0  }
0x80: {  	[sflag:s18] =	ssyncadd.s32 $0xFFFFF380  }
0x81: {  	_ =	swait.ge [sflag:s18], $0xC80  }
0x82: {  	[sflag:s18] =	ssyncset.done $0x0  }
0x83: {  	[sflag:s18] =	ssyncadd.s32 $0xFFFFF380  }
0x84: {  	_ =	swait.ge [sflag:s18], $0xC80  }
0x85: {  	[sflag:s18] =	ssyncset.done $0x0  }
0x86: {  	[sflag:s18] =	ssyncadd.s32 $0xFFFFF380  }
0x87: {  	_ =	swait.ge [sflag:s18], $0xC80  }
0x88: {  	[sflag:s18] =	ssyncset.done $0x0  }
0x89: {  	s9 =	sadd.s32 $0xC80, s21;
	[sflag:s18] =	ssyncadd.s32 $0xFFFFF380  }
0x8a: {  	[hbm4b:s9+s2] =	stream.linear.scatter [tilespmem:s29], [sflag:$0x3], $0x6400, $0x38;
	[tilespmem:$0xCB80] =	vst v63  }
0x8b: {  	_ =	swait.ge [sflag:s10], $0x6400  }
0x8c: {  	[sflag:s10] =	ssyncset.done $0x0  }
0x8d: {  	s19 =	sadd.s32 $0xA8, s19;
	[sflag:s10] =	ssyncadd.s32 $0xFFFF9C00  }
0x8e: {  	[tilespmem:s28], [sflag:$0x3] =	stream.linear.gather [hbm4b:s19+s2], $0x1C0, $0x38;
	[tilespmem:$0xCB80] =	vst v63  }
0x8f: {  	s20 =	simm.s32 $0x9980;
	s22 =	simm.s32 $0x2A0;
	_ =	swait.ge [sflag:s10], $0x1C0  }
0x90: {  	s23 =	simm.s32 $0x2D8;
	s24 =	simm.s32 $0xA600;
	[sflag:s10] =	ssyncset.done $0x0  }
0x91: {  	s25 =	simm.s32 $0x310;
	s26 =	simm.s32 $0xB280;
	[sflag:s10] =	ssyncadd.s32 $0xFFFFFE40  }
0x92: {  	[tilespmem:s29], [sflag:$0x2] =	stream.indirect.gather [hbm4b:s3+s11], $0x40, s28, s11, $0xb8;
	[tilespmem:$0xCB80] =	vst v63  }
0x93: {  	s30 =	simm.s32 $0xA8;
	s0 =	simm.s32 $0xE0;
	s1 =	simm.s32 $0x3580  }
0x94: {  	[tilespmem:s14], [sflag:$0x2] =	stream.indirect.gather [hbm4b:s3+s11], $0x40, s13, s11, $0xb8;
	[tilespmem:$0xCB80] =	vst v63  }
0x95: {  	s5 =	simm.s32 $0x118;
	s6 =	simm.s32 $0x4200;
	s7 =	simm.s32 $0x150  }
0x96: {  	[tilespmem:s16], [sflag:$0x2] =	stream.indirect.gather [hbm4b:s3+s11], $0x40, s15, s11, $0xb8;
	[tilespmem:$0xCB80] =	vst v63  }
0x97: {  	s8 =	simm.s32 $0x4E80;
	s4 =	simm.s32 $0x188;
	s19 =	simm.s32 $0x8D00  }
0x98: {  	[tilespmem:s19], [sflag:$0x2] =	stream.indirect.gather [hbm4b:s3+s11], $0x40, s31, s11, $0xb8;
	[tilespmem:$0xCB80] =	vst v63  }
0x99: {  	s9 =	simm.s32 $0x5B00;
	s13 =	simm.s32 $0x1F8;
	s14 =	simm.s32 $0x7400  }
0x9a: {  	[tilespmem:s20], [sflag:$0x2] =	stream.indirect.gather [hbm4b:s3+s11], $0x40, s22, s11, $0xb8;
	[tilespmem:$0xCB80] =	vst v63  }
0x9b: {  	s15 =	simm.s32 $0x230;
	s16 =	simm.s32 $0x8080;
	s19 =	simm.s32 $0x70  }
0x9c: {  	[tilespmem:s24], [sflag:$0x2] =	stream.indirect.gather [hbm4b:s3+s11], $0x40, s23, s11, $0xb8;
	[tilespmem:$0xCB80] =	vst v63  }
0x9d: {  	s31 =	simm.s32 $0x2900;
	s20 =	sadd.s32 $0x1900, s21;
	s24 =	simm.s32 $0x268  }
0x9e: {  	[tilespmem:s26], [sflag:$0x2] =	stream.indirect.gather [hbm4b:s3+s11], $0x40, s25, s11, $0xb8;
	[tilespmem:$0xCB80] =	vst v63  }
0x9f: {  	s23 =	simm.s32 $0x38;
	s26 =	simm.s32 $0x1C80;
	s25 =	simm.s32 $0x70  }
.LBB2_2:
0xa0: {  	s21 =	simm.s32 $0x348;
	s22 =	simm.s32 $0xBF00  }
0xa1: {  	[tilespmem:s22], [sflag:$0x2] =	stream.indirect.gather [hbm4b:s3+s11], $0x40, s21, s11, $0xb8;
	[tilespmem:$0xCB80] =	vst v63  }
0xa2: {  	_ =	swait.ge [sflag:s17], $0xC80  }
0xa3: {  	[sflag:s17] =	ssyncset.done $0x0  }
0xa4: {  	[sflag:s17] =	ssyncadd.s32 $0xFFFFF380  }
0xa5: {  	_ =	swait.ge [sflag:s17], $0xC80  }
0xa6: {  	[sflag:s17] =	ssyncset.done $0x0  }
0xa7: {  	[sflag:s17] =	ssyncadd.s32 $0xFFFFF380  }
0xa8: {  	_ =	swait.ge [sflag:s17], $0xC80  }
0xa9: {  	[sflag:s17] =	ssyncset.done $0x0  }
0xaa: {  	[sflag:s17] =	ssyncadd.s32 $0xFFFFF380  }
0xab: {  	_ =	swait.ge [sflag:s17], $0xC80  }
0xac: {  	[sflag:s17] =	ssyncset.done $0x0  }
0xad: {  	[sflag:s17] =	ssyncadd.s32 $0xFFFFF380  }
0xae: {  	_ =	swait.ge [sflag:s17], $0xC80  }
0xaf: {  	[sflag:s17] =	ssyncset.done $0x0  }
0xb0: {  	[sflag:s17] =	ssyncadd.s32 $0xFFFFF380  }
0xb1: {  	_ =	swait.ge [sflag:s17], $0xC80  }
0xb2: {  	[sflag:s17] =	ssyncset.done $0x0  }
0xb3: {  	[sflag:s17] =	ssyncadd.s32 $0xFFFFF380  }
0xb4: {  	_ =	swait.ge [sflag:s17], $0xC80  }
0xb5: {  	[sflag:s17] =	ssyncset.done $0x0  }
0xb6: {  	[sflag:s17] =	ssyncadd.s32 $0xFFFFF380  }
0xb7: {  	_ =	swait.ge [sflag:s17], $0xC80  }
0xb8: {  	[sflag:s17] =	ssyncset.done $0x0  }
0xb9: {  	[sflag:s17] =	ssyncadd.s32 $0xFFFFF380  }
0xba: {  	[hbm4b:s20+s2] =	stream.linear.scatter [tilespmem:s12], [sflag:$0x3], $0x6400, $0x38;
	[tilespmem:$0xCB80] =	vst v63  }
0xbb: {  	_ =	swait.ge [sflag:s10], $0x6400  }
0xbc: {  	s21 =	smov.u32 s19;
	s22 =	rddreg [dreg:$0x3]  }
0xbd: {  	[sflag:s10] =	ssyncset.done $0x0;
	s21 =	sadd.s32 s21, s22  }
0xbe: {  	[sflag:s10] =	ssyncadd.s32 $0xFFFF9C00;
	s22 =	sadd.s32 $0x70, s21  }
0xbf: {  	[tilespmem:s2], [sflag:$0x3] =	stream.linear.gather [hbm4b:s22+s2], $0x1C0, $0x38;
	[tilespmem:$0xCB80] =	vst v63  }
0xc0: {  	_ =	swait.ge [sflag:s10], $0x1C0  }
0xc1: {  	[sflag:s10] =	ssyncset.done $0x0  }
0xc2: {  	[sflag:s10] =	ssyncadd.s32 $0xFFFFFE40  }
0xc3: {  	[tilespmem:s12], [sflag:$0x1] =	stream.indirect.gather [hbm4b:s3+s11], $0x40, s2, s11, $0xb8;
	[tilespmem:$0xCB80] =	vst v63  }
0xc4: {  	s22 =	simm.s32 $0x1000  }
0xc5: {  	[tilespmem:s22], [sflag:$0x1] =	stream.indirect.gather [hbm4b:s3+s11], $0x40, s23, s11, $0xb8;
	[tilespmem:$0xCB80] =	vst v63  }
0xc6: {  	_ = 	snop  }
0xc7: {  	[tilespmem:s26], [sflag:$0x1] =	stream.indirect.gather [hbm4b:s3+s11], $0x40, s25, s11, $0xb8;
	[tilespmem:$0xCB80] =	vst v63  }
0xc8: {  	_ = 	snop  }
0xc9: {  	[tilespmem:s31], [sflag:$0x1] =	stream.indirect.gather [hbm4b:s3+s11], $0x40, s30, s11, $0xb8;
	[tilespmem:$0xCB80] =	vst v63  }
0xca: {  	_ = 	snop  }
0xcb: {  	[tilespmem:s1], [sflag:$0x1] =	stream.indirect.gather [hbm4b:s3+s11], $0x40, s0, s11, $0xb8;
	[tilespmem:$0xCB80] =	vst v63  }
0xcc: {  	_ = 	snop  }
0xcd: {  	[tilespmem:s6], [sflag:$0x1] =	stream.indirect.gather [hbm4b:s3+s11], $0x40, s5, s11, $0xb8;
	[tilespmem:$0xCB80] =	vst v63  }
0xce: {  	_ = 	snop  }
0xcf: {  	[tilespmem:s8], [sflag:$0x1] =	stream.indirect.gather [hbm4b:s3+s11], $0x40, s7, s11, $0xb8;
	[tilespmem:$0xCB80] =	vst v63  }
0xd0: {  	_ = 	snop  }
0xd1: {  	[tilespmem:s9], [sflag:$0x1] =	stream.indirect.gather [hbm4b:s3+s11], $0x40, s4, s11, $0xb8;
	[tilespmem:$0xCB80] =	vst v63  }
0xd2: {  	_ =	swait.ge [sflag:s18], $0xC80  }
0xd3: {  	[sflag:s18] =	ssyncset.done $0x0  }
0xd4: {  	[sflag:s18] =	ssyncadd.s32 $0xFFFFF380  }
0xd5: {  	_ =	swait.ge [sflag:s18], $0xC80  }
0xd6: {  	[sflag:s18] =	ssyncset.done $0x0  }
0xd7: {  	[sflag:s18] =	ssyncadd.s32 $0xFFFFF380  }
0xd8: {  	_ =	swait.ge [sflag:s18], $0xC80  }
0xd9: {  	[sflag:s18] =	ssyncset.done $0x0  }
0xda: {  	[sflag:s18] =	ssyncadd.s32 $0xFFFFF380  }
0xdb: {  	_ =	swait.ge [sflag:s18], $0xC80  }
0xdc: {  	[sflag:s18] =	ssyncset.done $0x0  }
0xdd: {  	[sflag:s18] =	ssyncadd.s32 $0xFFFFF380  }
0xde: {  	_ =	swait.ge [sflag:s18], $0xC80  }
0xdf: {  	[sflag:s18] =	ssyncset.done $0x0  }
0xe0: {  	[sflag:s18] =	ssyncadd.s32 $0xFFFFF380  }
0xe1: {  	_ =	swait.ge [sflag:s18], $0xC80  }
0xe2: {  	[sflag:s18] =	ssyncset.done $0x0  }
0xe3: {  	[sflag:s18] =	ssyncadd.s32 $0xFFFFF380  }
0xe4: {  	_ =	swait.ge [sflag:s18], $0xC80  }
0xe5: {  	[sflag:s18] =	ssyncset.done $0x0  }
0xe6: {  	[sflag:s18] =	ssyncadd.s32 $0xFFFFF380  }
0xe7: {  	_ =	swait.ge [sflag:s18], $0xC80  }
0xe8: {  	[sflag:s18] =	ssyncset.done $0x0  }
0xe9: {  	s22 =	sadd.s32 $0xC80, s20;
	[sflag:s18] =	ssyncadd.s32 $0xFFFFF380  }
0xea: {  	[hbm4b:s22+s2] =	stream.linear.scatter [tilespmem:s29], [sflag:$0x3], $0x6400, $0x38;
	[tilespmem:$0xCB80] =	vst v63  }
0xeb: {  	_ =	swait.ge [sflag:s10], $0x6400  }
0xec: {  	[sflag:s10] =	ssyncset.done $0x0  }
0xed: {  	s21 =	sadd.s32 $0xA8, s21;
	[sflag:s10] =	ssyncadd.s32 $0xFFFF9C00  }
0xee: {  	[tilespmem:s28], [sflag:$0x3] =	stream.linear.gather [hbm4b:s21+s2], $0x1C0, $0x38;
	[tilespmem:$0xCB80] =	vst v63  }
0xef: {  	_ =	swait.ge [sflag:s10], $0x1C0  }
0xf0: {  	[sflag:s10] =	ssyncset.done $0x0  }
0xf1: {  	[sflag:s10] =	ssyncadd.s32 $0xFFFFFE40  }
0xf2: {  	[tilespmem:s29], [sflag:$0x2] =	stream.indirect.gather [hbm4b:s3+s11], $0x40, s28, s11, $0xb8;
	[tilespmem:$0xCB80] =	vst v63  }
0xf3: {  	_ = 	snop  }
0xf4: {  	[tilespmem:s14], [sflag:$0x2] =	stream.indirect.gather [hbm4b:s3+s11], $0x40, s13, s11, $0xb8;
	[tilespmem:$0xCB80] =	vst v63  }
0xf5: {  	_ = 	snop  }
0xf6: {  	[tilespmem:s16], [sflag:$0x2] =	stream.indirect.gather [hbm4b:s3+s11], $0x40, s15, s11, $0xb8;
	[tilespmem:$0xCB80] =	vst v63  }
0xf7: {  	s22 =	simm.s32 $0x8D00  }
0xf8: {  	[tilespmem:s22], [sflag:$0x2] =	stream.indirect.gather [hbm4b:s3+s11], $0x40, s24, s11, $0xb8;
	[tilespmem:$0xCB80] =	vst v63  }
0xf9: {  	p0 =	sne.s32 s19, $0xD20;
	s21 =	simm.s32 $0x9980;
	s22 =	simm.s32 $0x2A0  }
0xfa: {  	[tilespmem:s21], [sflag:$0x2] =	stream.indirect.gather [hbm4b:s3+s11], $0x40, s22, s11, $0xb8;
	[tilespmem:$0xCB80] =	vst v63  }
.Ltmp0:
0xfb: {  	_ = 	snop;
	(pc) =	sbr.rel @p0 .LBB2_2-.Ltmp0, $4  }
0xfc: {  	s19 =	sadd.s32 $0x70, s19;
	s21 =	simm.s32 $0x2D8;
	s22 =	simm.s32 $0xA600  }
0xfd: {  	[tilespmem:s22], [sflag:$0x2] =	stream.indirect.gather [hbm4b:s3+s11], $0x40, s21, s11, $0xb8;
	[tilespmem:$0xCB80] =	vst v63  }
0xfe: {  	s20 =	sadd.s32 $0x1900, s20;
	s21 =	simm.s32 $0x310;
	s22 =	simm.s32 $0xB280  }
0xff: {  	[tilespmem:s22], [sflag:$0x2] =	stream.indirect.gather [hbm4b:s3+s11], $0x40, s21, s11, $0xb8;
	[tilespmem:$0xCB80] =	vst v63  }
0x100: {  	s0 =	simm.s32 $0x348;
	s1 =	simm.s32 $0xBF00  }
0x101: {  	[tilespmem:s1], [sflag:$0x2] =	stream.indirect.gather [hbm4b:s3+s11], $0x40, s0, s11, $0xb8;
	[tilespmem:$0xCB80] =	vst v63  }
0x102: {  	_ =	swait.ge [sflag:s17], $0xC80  }
0x103: {  	[sflag:s17] =	ssyncset.done $0x0  }
0x104: {  	[sflag:s17] =	ssyncadd.s32 $0xFFFFF380  }
0x105: {  	_ =	swait.ge [sflag:s17], $0xC80  }
0x106: {  	[sflag:s17] =	ssyncset.done $0x0  }
0x107: {  	[sflag:s17] =	ssyncadd.s32 $0xFFFFF380  }
0x108: {  	_ =	swait.ge [sflag:s17], $0xC80  }
0x109: {  	[sflag:s17] =	ssyncset.done $0x0  }
0x10a: {  	[sflag:s17] =	ssyncadd.s32 $0xFFFFF380  }
0x10b: {  	_ =	swait.ge [sflag:s17], $0xC80  }
0x10c: {  	[sflag:s17] =	ssyncset.done $0x0  }
0x10d: {  	[sflag:s17] =	ssyncadd.s32 $0xFFFFF380  }
0x10e: {  	_ =	swait.ge [sflag:s17], $0xC80  }
0x10f: {  	[sflag:s17] =	ssyncset.done $0x0  }
0x110: {  	[sflag:s17] =	ssyncadd.s32 $0xFFFFF380  }
0x111: {  	_ =	swait.ge [sflag:s17], $0xC80  }
0x112: {  	[sflag:s17] =	ssyncset.done $0x0  }
0x113: {  	[sflag:s17] =	ssyncadd.s32 $0xFFFFF380  }
0x114: {  	_ =	swait.ge [sflag:s17], $0xC80  }
0x115: {  	[sflag:s17] =	ssyncset.done $0x0  }
0x116: {  	[sflag:s17] =	ssyncadd.s32 $0xFFFFF380  }
0x117: {  	_ =	swait.ge [sflag:s17], $0xC80  }
0x118: {  	[sflag:s17] =	ssyncset.done $0x0  }
0x119: {  	s19 =	rddreg [dreg:$0x6];
	[sflag:s17] =	ssyncadd.s32 $0xFFFFF380  }
0x11a: {  	[hbm4b:s19+s2] =	stream.linear.scatter [tilespmem:s12], [sflag:$0x3], $0x6400, $0x38;
	[tilespmem:$0xCB80] =	vst v63  }
0x11b: {  	_ =	swait.ge [sflag:s10], $0x6400  }
0x11c: {  	[sflag:s10] =	ssyncset.done $0x0  }
0x11d: {  	[sflag:s10] =	ssyncadd.s32 $0xFFFF9C00  }
0x11e: {  	_ =	swait.ge [sflag:s18], $0xC80  }
0x11f: {  	[sflag:s18] =	ssyncset.done $0x0  }
0x120: {  	[sflag:s18] =	ssyncadd.s32 $0xFFFFF380  }
0x121: {  	_ =	swait.ge [sflag:s18], $0xC80  }
0x122: {  	[sflag:s18] =	ssyncset.done $0x0  }
0x123: {  	[sflag:s18] =	ssyncadd.s32 $0xFFFFF380  }
0x124: {  	_ =	swait.ge [sflag:s18], $0xC80  }
0x125: {  	[sflag:s18] =	ssyncset.done $0x0  }
0x126: {  	[sflag:s18] =	ssyncadd.s32 $0xFFFFF380  }
0x127: {  	_ =	swait.ge [sflag:s18], $0xC80  }
0x128: {  	[sflag:s18] =	ssyncset.done $0x0  }
0x129: {  	[sflag:s18] =	ssyncadd.s32 $0xFFFFF380  }
0x12a: {  	_ =	swait.ge [sflag:s18], $0xC80  }
0x12b: {  	[sflag:s18] =	ssyncset.done $0x0  }
0x12c: {  	[sflag:s18] =	ssyncadd.s32 $0xFFFFF380  }
0x12d: {  	_ =	swait.ge [sflag:s18], $0xC80  }
0x12e: {  	[sflag:s18] =	ssyncset.done $0x0  }
0x12f: {  	[sflag:s18] =	ssyncadd.s32 $0xFFFFF380  }
0x130: {  	_ =	swait.ge [sflag:s18], $0xC80  }
0x131: {  	[sflag:s18] =	ssyncset.done $0x0  }
0x132: {  	[sflag:s18] =	ssyncadd.s32 $0xFFFFF380  }
0x133: {  	_ =	swait.ge [sflag:s18], $0xC80  }
0x134: {  	s22 =	simm.s32 $0x38;
	s23 =	simm.s32 $0x1000;
	[sflag:s18] =	ssyncset.done $0x0  }
0x135: {  	s30 =	simm.s32 $0x2900;
	s24 =	rddreg [dreg:$0x7];
	[sflag:s18] =	ssyncadd.s32 $0xFFFFF380  }
0x136: {  	[hbm4b:s24+s2] =	stream.linear.scatter [tilespmem:s29], [sflag:$0x3], $0x6400, $0x38;
	[tilespmem:$0xCB80] =	vst v63  }
0x137: {  	s5 =	simm.s32 $0x118;
	s6 =	simm.s32 $0x4200;
	_ =	swait.ge [sflag:s10], $0x6400  }
0x138: {  	s7 =	simm.s32 $0x150;
	s8 =	simm.s32 $0x4E80;
	s25 =	rddreg [dreg:$0xa]  }
0x139: {  	s4 =	simm.s32 $0x188;
	s26 =	rddreg [dreg:$0x8];
	s0 =	sadd.s32 $0x1, s25  }
0x13a: {  	s9 =	simm.s32 $0x5B00;
	s13 =	simm.s32 $0x1F8;
	p0 =	sne.s32 s0, s26  }
.Ltmp1:
0x13b: {  	s14 =	simm.s32 $0x7400;
	s15 =	simm.s32 $0x230;
	(pc) =	sbr.rel @p0 .LBB2_1-.Ltmp1, $4  }
0x13c: {  	s16 =	simm.s32 $0x8080;
	s31 =	simm.s32 $0x268;
	s20 =	simm.s32 $0x8D00  }
0x13d: {  	s21 =	simm.s32 $0x2A0;
	s1 =	simm.s32 $0x3580;
	[sflag:s10] =	ssyncset.done $0x0  }
0x13e: {  	s24 =	simm.s32 $0x70;
	[sflag:s10] =	ssyncadd.s32 $0xFFFF9C00;
	s25 =	simm.s32 $0x1C80  }
0x13f: {  	[dreg:$0xa] =	wrdreg s0;
	s26 =	simm.s32 $0xA8;
	s0 =	simm.s32 $0xE0  }
0x140: {  	_ =	sfence.sel $0x180000  }
0x141: {  	[bflag:$0x0] =	sbarrier.arrive $0xFFFF  }
0x142: {  	_ =	strace $0x90000047  }
0x143: {  	s0 =	stileid.u32;
	[bflag:$0x2] =	sbarrier.arrive $0xFFFF  }
0x144: {  	p0 =	sne.s32 s0, $0x0;
	s0 =	rddreg [dreg:$0x2]  }
0x145: {  	s0 =	sadd.s32 @!p0 $0x100000, s0  }
0x146: {  	[sflag:s0] =	ssyncadd.tile.s32 @!p0 $0x1;
	_ =	shalt  }
.Lfunc_end2:
_tile_overlayer_lowered:
.L_overlay_start_2:
0x147: {  	(tag) =	ssettag $0x2  }
0x148: {  	s0 =	rddreg [dreg:$0x0];
	s2 =	stileid.u32  }
0x149: {  	s1 =	rddreg [dreg:$0x1];
	p0 =	sne.s32 s2, $0x0  }
0x14a: {  	s3 =	rddreg [dreg:$0x2];
	[bflag:$0x3] =	sbarrier.arrive $0xFFFF;
	s2 =	simm.s32 @!p0 $0x1C03  }
0x14b: {  	[timem:s3], [sflag:s2] =	dma.local @!p0 [hbm:s0], s1  }
0x14c: {  	s0 =	simm.s32 @!p0 $0x3  }
0x14d: {  	_ =	swait.ge @!p0 [sflag:s0], s1  }
0x14e: {  	s1 =	ssub.s32 @!p0 $0x0, s1;
	[sflag:s0] =	ssyncset.done @!p0 $0x0  }
0x14f: {  	[sflag:s0] =	ssyncadd.s32 @!p0 s1  }
0x150: {  	[bflag:$0x3] =	sbarrier.arrive $0xFFFF  }
0x151: {  	_ =	shalt  }

// kernel: sparse-core-data-format-call.cloned.1.call-start
scs
called_computation_lowered:
.L_overlay_start_0:
0x0: {  	s2 =	sld [smem:$0x3FD9]  }
0x1: {  	s3 =	sld [smem:$0x3FFE];
	_ =	sdelay $0x1  }
0x2: {  	s1 =	srdreg.scid  }
0x3: {  	s0 =	sand.u32 $0x1, s1  }
0x4: {  	s18 =	sshll.u32 s0, $0xA;
	s2 =	sadd.s32 s3, s2  }
0x5: {  	s2 =	sadd.s32 s2, s18  }
0x6: {  	[smem:$0x3FC6] =	sst s2  }
0x7: {  	_ = 	snop  }
0x8: {  	s2 =	sld [smem:$0x3FD0];
	(tm) =	ssettm $0x1  }
0x9: {  	s19 =	sld [smem:$0x3FFB];
	_ =	sdelay $0x3  }
0xa: {  	_ =	strace s19  }
0xb: {  	s3 =	sld [smem:$0x3FFC];
	_ =	sdelay $0x3  }
0xc: {  	_ =	strace s3  }
0xd: {  	s3 =	sld [smem:$0x3FFD];
	_ =	sdelay $0x3  }
0xe: {  	_ =	strace s3  }
0xf: {  	_ =	strace $0x8FFFFFFF  }
0x10: {  	s20 =	sld [smem:$0x3FDB];
	_ =	sdelay $0x1  }
0x11: {  	s4 =	simm.s32 $_scs_section_size  }
0x12: {  	s5 =	simm.s32 $_size__tile_overlayer_lowered;
	s6 =	simm.s32 $_tile_overlayer_lowered  }
0x13: {  	s23 =	simm.s32 $0x1BFF;
	s22 =	sshll.u32 s6, $0x1;
	s3 =	sadd.s32 s4, s20  }
0x14: {  	s7 =	simm.s32 $0x0;
	s21 =	sshll.u32 s5, $0x1;
	s5 =	sadd.s32 s22, s3  }
0x15: {  	[timem:s7], [sflag:s23] =	dma.local [hbm:s5], s21  }
0x16: {  	_ =	swait.ge [sflag:s23], s21  }
0x17: {  	s4 =	ssub.s32 $0x0, s21;
	[sflag:s23] =	ssyncset.done $0x0  }
0x18: {  	[sflag:s23] =	ssyncadd.s32 s4;
	_ =	sdelay $0x1  }
0x19: {  	s24 =	simm.s32 $0x1B8B  }
0x1a: {  	_ =	swait.ge [sflag:s24], $0x1  }
0x1b: {  	[sflag:s24] =	ssyncset.done $0x0  }
0x1c: {  	s26 =	simm.s32 $0x1B8E;
	s25 =	sld [smem:$0x3FFE];
	[sflag:s24] =	ssyncadd.s32 $0xFFFFFFFF  }
0x1d: {  	s27 =	simm.s32 $execute0_lowered;
	[smem:$0x3FD2] =	sst s26  }
0x1e: {  	s5 =	sshll.u32 s27, $0x1;
	_ =	strace $0x80000049;
	[dreg:$0x1] =	wrdreg $0xFFFFFFFF  }
0x1f: {  	s28 =	simm.s32 $_size_execute0_lowered;
	s3 =	sadd.s32 s3, s5;
	[dreg:$0x0] =	wrdreg $0x0  }
0x20: {  	s5 =	sshll.u32 s28, $0x1;
	[dreg:$0x2] =	wrdreg s3  }
0x21: {  	[dreg:$0x3] =	wrdreg s5  }
0x22: {  	[dreg:$0x4] =	wrdreg $0xC0  }
0x23: {  	_ =	task [dreg:s7], $0x5FFFF  }
0x24: {  	[dreg:$0x1] =	wrdreg $0xFFFFFFFF  }
0x25: {  	[dreg:$0x0] =	wrdreg $0x60  }
0x26: {  	[dreg:$0x2] =	wrdreg s25  }
0x27: {  	[dreg:$0x3] =	wrdreg s2  }
0x28: {  	[dreg:$0x4] =	wrdreg $0x9  }
0x29: {  	_ =	task.clear_ibuf [dreg:s7], $0x5FFFF;
	_ =	strace $0x90000049  }
0x2a: {  	s29 =	simm.s32 $0x9;
	_ =	strace $0x8000004B  }
0x2b: {  	_ =	swait.ge [sflag:s29], $0x1  }
0x2c: {  	[sflag:s29] =	ssyncadd.s32 $0xFFFFFFFF  }
0x2d: {  	_ =	strace $0x9000004B  }
0x2e: {  	_ =	sfence  }
0x2f: {  	s30 =	sld [smem:$0x0];
	_ =	sdelay $0x2  }
0x30: {  	s31 =	sshll.u32 s1, $0xD;
	s1 =	sshrl.u32 s1, $0x2  }
0x31: {  	s3 =	sand.u32 $0x4000, s31;
	s1 =	sadd.s32 s1, s30  }
0x32: {  	s0 =	sor.u32 s3, s0;
	s1 =	sshll.u32 s1, $0x11  }
0x33: {  	s0 =	sor.u32 s1, s0  }
0x34: {  	s0 =	sadd.s32 $0x8F2B, s0  }
0x35: {  	[sflag:s0] =	ssyncadd.remote.s32 $0x1  }
0x36: {  	_ =	sfence.sel $0xFFFF  }
0x37: {  	[dreg:$0x0] =	wrdreg $0xFFFFFFFF;
	(pc) =	sbr.abs _section_cstart, $3  }
0x38: {  	[dreg:$0x1] =	wrdreg $0xFFFFFFFF  }
0x39: {  	_ =	task.clear_ibuf [dreg:s7], $0x2FFFF;
	_ =	strace $0x9FFFFFFF  }
0x3a: {  	(tm) =	ssettm $0x7FFFFFFF  }
0x3b: {  	_ =	shalt  }
tec
execute0_lowered:
.L_overlay_start_1:
0x0: {  	(tag) =	ssettag $0x1  }
0x1: {  	s0 =	srdreg.scid  }
0x2: {  	s1 =	sshll.u32 s0, $0x4  }
0x3: {  	s0 =	stileid.u32;
	s1 =	sand.u32 $0x10, s1  }
0x4: {  	s1 =	sor.u32 s0, s1  }
0x5: {  	s6 =	rddreg [dreg:$0x0];
	s4 =	simm.s32 $0x1;
	s2 =	sshll.u32 s1, $0x7  }
0x6: {  	s7 =	simm.s32 $0x2;
	s12 =	simm.s32 $0x0;
	s1 =	ssub.s32 $0x4000, s2  }
0x7: {  	s8 =	simm.s32 $0x20000;
	s13 =	simm.s32 $0x0;
	s3 =	sand.u32 $0xF80, s1  }
0x8: {  	s9 =	simm.s32 $0x0;
	s5 =	sshrl.u32 s1, $0xC;
	p0 =	sne.s32 s3, $0x0  }
.Ltmp0:
0x9: {  	s1 =	rddreg [dreg:$0x2];
	s4 =	simm.s32 @!p0 $0x0;
	(pc) =	sbr.rel .LBB1_1-.Ltmp0, $4  }
0xa: {  	s11 =	simm.s32 $0x0;
	s3 =	rddreg [dreg:$0x1];
	s5 =	sadd.s32 s4, s5  }
0xb: {  	_ =	strace $0x8000004A;
	s4 =	simm.s32 $0x1;
	s5 =	smul.u32 $0x32, s5  }
0xc: {  	s6 =	sadd.s32 $0xA00, s6;
	s10 =	smov.u32 s2;
	[sflag:s4] =	ssyncpa.u1 $0x0  }
0xd: {  	p0 =	por $0x0, $0x0;
	[sflag:s7] =	ssyncpa.u1 $0x0;
	s7 =	sor.u32 $0x1, s5  }
.LBB1_4:
0xe: {  	s16 =	sshll.u32 s13, $0x3;
	s17 =	sand.u32 $0x78, s13  }
0xf: {  	s30 =	sand.u32 $0x1F800, s13;
	s12 =	sshll.u32 s12, $0x11;
	s16 =	sand.u32 $0x3C00, s16  }
0x10: {  	[tilespmem:s15+$0x810 ss:$0x81] =	vst.msk $0xffff, v2;
	s31 =	sand.u32 $0x7, s13;
	s16 =	sor.u32 s17, s16;
	s17 =	sadd.s32 s3, s30  }
0x11: {  	[tilespmem:s15+$0x1020 ss:$0x81] =	vst.msk $0xffff, v0;
	s13 =	sshll.u32 s31, $0x12;
	s12 =	sadd.s32 s12, s17;
	s16 =	sshrl.u32 s16, $0x3  }
0x12: {  	[tilespmem:s15+$0x0 ss:$0x81] =	vst.msk $0xffff, v1;
	s13 =	sor.u32 $0x400, s13;
	s12 =	sadd.s32 s16, s12  }
0x13: {  	[hbm4b:s12+s13] =	stream.strided.scatter [tilespmem:s14], [sflag:$0x2], $0x2000, s8, s13, $0x20;
	[tilespmem:$0x8080] =	vst v63  }
.LBB1_5:
0x14: {  	s14 =	sadd.s32 $0x1, s9  }
0x15: {  	s12 =	sadd.s32 $0x1000, s10;
	s16 =	smov.u32 s10;
	p2 =	sgt.s32 s14, $0x31  }
0x16: {  	s16 =	smov.u32 @p2 s12  }
0x17: {  	s14 =	simm.s32 @p2 $0x0;
	p2 =	sgt.s32 s16, $0x3FFF  }
0x18: {  	s16 =	smov.u32 @p2 s2;
	p2 =	sne.s32 s11, s7  }
.Ltmp1:
0x19: {  	p1 =	slt.u32 s11, $0x2;
	(pc) =	sbr.rel @!p2 .LBB1_6-.Ltmp1, $4  }
0x1a: {  	s15 =	simm.s32 @!p1 $0x2  }
0x1b: {  	s13 =	smov.u32 s10;
	p0 =	por !p0, !p0;
	_ =	swait.ge @!p1 [sflag:s15], $0x2000  }
0x1c: {  	s12 =	smov.u32 s9;
	[sflag:s15] =	ssyncset.done @!p1 $0x0;
	s9 =	smov.u32 s14  }
0x1d: {  	s11 =	sadd.s32 $0x1, s11;
	[sflag:s15] =	ssyncadd.s32 @!p1 $0xFFFFE000;
	s10 =	smov.u32 s16  }
.LBB1_1:
0x1e: {  	p1 =	sge.u32 s11, s5  }
0x1f: {  	s14 =	sand.u32 @!p1 $0x1FFFFFF, s9  }
0x20: {  	s15 =	smulhi.u32 @!p1 $0x4924925, s14;
	_ =	sdelay $0x1  }
0x21: {  	s15 =	smul.u32 @!p1 $0x38, s15  }
0x22: {  	s16 =	sxor.u32 @!p1 $0xFFFFFFFF, s11;
	s17 =	smul.u32 @!p1 $0x380, s10  }
0x23: {  	s31 =	sadd.s32 $0xFFFFFFFF, s11;
	s16 =	sshll.u32 @!p1 s16, $0xD;
	s14 =	ssub.s32 @!p1 s14, s15  }
0x24: {  	s15 =	sand.u32 @!p1 $0x2000, s16;
	s16 =	sadd.s32 @!p1 s6, s17;
	s14 =	sshll.u32 @!p1 s14, $0x4  }
0x25: {  	s17 =	simm.s32 @!p1 $0x1C00;
	s14 =	sadd.s32 @!p1 s14, s16;
	s16 =	simm.s32 @!p1 $0x40  }
0x26: {  	[tilespmem:s15], [sflag:$0x1] =	stream.strided.gather @!p1 [hbm4b:s14+s16], $0x2000, s17, s16, $0x38;
	[tilespmem:$0x8080] =	vst v63  }
0x27: {  	p1 =	sge.u32 s31, s5  }
.Ltmp2:
0x28: {  	_ = 	snop;
	(pc) =	sbr.rel @p1 .LBB1_5-.Ltmp2, $1  }
0x29: {  	_ =	sdelay $0x3  }
0x2a: {  	s14 =	simm.s32 $0x1  }
0x2b: {  	_ =	swait.ge [sflag:s4], $0x2000;
	s14 =	simm.s32 @!p0 $0x0  }
0x2c: {  	[sflag:s4] =	ssyncset.done $0x0;
	s15 =	sshll.u32 s14, $0xD  }
0x2d: {  	[sflag:s4] =	ssyncadd.s32 $0xFFFFE000;
	s18 =	sor.u32 $0x20, s15  }
0x2e: {  	s14 =	smul.u32 $0x8100, s14;
	v3 =	vld [tilespmem:s18+$0x10]  }
0x2f: {  	s30 =	sand.u32 $0x1, s11;
	v2 =	vld [tilespmem:s18+$0xFFFFFFF0]  }
0x30: {  	s15 =	smul.u32 $0x8100, s30;
	s14 =	sshrl.u32 s14, $0x2;
	v0 =	vld [tilespmem:s18+$0x0]  }
0x31: {  	v1 =	vld [tilespmem:s18+$0xFFFFFFE0];
	s16 =	sor.u32 $0x4000, s14  }
0x32: {  	s31 =	sshrl.u32 s15, $0x2;
	s15 =	sadd.s32 $0x0, s16  }
0x33: {  	s17 =	simm.s32 $0x4;
	s18 =	sadd.s32 $0x40, s18;
	s14 =	sor.u32 $0x4000, s31;
	[tilespmem:s15+$0x1830 ss:$0x81] =	vst.msk $0xffff, v3  }
.LBB1_3:
0x34: {  	v3 =	vld [tilespmem:s18+$0x10];
	p1 =	sne.s32 s17, $0x1FC;
	[tilespmem:s15+$0x810 ss:$0x81] =	vst.msk $0xffff, v2;
	s19 =	smov.u32 s17;
	s17 =	sadd.s32 $0x4, s17  }
.Ltmp3:
0x35: {  	v2 =	vld [tilespmem:s18+$0xFFFFFFF0];
	[tilespmem:s15+$0x1020 ss:$0x81] =	vst.msk $0xffff, v0;
	(pc) =	sbr.rel @p1 .LBB1_3-.Ltmp3, $4  }
0x36: {  	v0 =	vld [tilespmem:s18+$0x0];
	[tilespmem:s15+$0x0 ss:$0x81] =	vst.msk $0xffff, v1  }
0x37: {  	s15 =	sshra.s32 s19, $0x2;
	v1 =	vld [tilespmem:s18+$0xFFFFFFE0]  }
0x38: {  	s15 =	sadd.s32 s15, s16  }
0x39: {  	s18 =	sadd.s32 $0x40, s18;
	[tilespmem:s15+$0x1830 ss:$0x81] =	vst.msk $0xffff, v3  }
.Ltmp4:
0x3a: {  	_ = 	snop;
	(pc) =	sbr.rel .LBB1_4-.Ltmp4, $1  }
0x3b: {  	_ =	sdelay $0x3  }
.LBB1_6:
0x3c: {  	_ =	sfence.sel $0x180000  }
0x3d: {  	s2 =	simm.s32 $0x1;
	[bflag:$0x0] =	sbarrier.arrive $0xFFFF  }
0x3e: {  	s31 =	simm.s32 $0x2;
	[sflag:s2] =	ssyncpa.u1 $0x1  }
0x3f: {  	[sflag:s31] =	ssyncpa.u1 $0x1  }
0x40: {  	p0 =	sne.s32 s0, $0x0;
	_ =	strace $0x9000004A  }
0x41: {  	s0 =	sadd.s32 @!p0 $0x100000, s1;
	[bflag:$0x2] =	sbarrier.arrive $0xFFFF  }
0x42: {  	[sflag:s0] =	ssyncadd.tile.s32 @!p0 $0x1;
	_ =	shalt  }
.Lfunc_end1:
_tile_overlayer_lowered:
.L_overlay_start_2:
0x43: {  	(tag) =	ssettag $0x2  }
0x44: {  	s0 =	rddreg [dreg:$0x0];
	s2 =	stileid.u32  }
0x45: {  	s1 =	rddreg [dreg:$0x1];
	p0 =	sne.s32 s2, $0x0  }
0x46: {  	s3 =	rddreg [dreg:$0x2];
	[bflag:$0x3] =	sbarrier.arrive $0xFFFF;
	s2 =	simm.s32 @!p0 $0x1C01  }
0x47: {  	[timem:s3], [sflag:s2] =	dma.local @!p0 [hbm:s0], s1  }
0x48: {  	s0 =	simm.s32 @!p0 $0x1  }
0x49: {  	_ =	swait.ge @!p0 [sflag:s0], s1  }
0x4a: {  	s1 =	ssub.s32 @!p0 $0x0, s1;
	[sflag:s0] =	ssyncset.done @!p0 $0x0  }
0x4b: {  	[sflag:s0] =	ssyncadd.s32 @!p0 s1  }
0x4c: {  	[bflag:$0x3] =	sbarrier.arrive $0xFFFF  }
0x4d: {  	_ =	shalt  }

</sc_bundles>
